<compile_context>
chip_gen: v7x
topology: tpu7x:2x2x1
jax: 0.10.2.dev20260603
libtpu: 0.0.44.dev20260713+nightly
codegen_flags: <defaults>
</compile_context>

<pallas_src>
import functools

import jax
import jax.numpy as jnp
from jax import lax
from jax.experimental import pallas as pl
from jax.experimental.pallas import tpu as pltpu
from jax.experimental.pallas import tpu_sc as plsc

_VOCAB = 100000
_EMBED = 64
_SEQ = 200

_NC = 2
_NS = 16
_NW = _NC * _NS
_LANES = 16

_IDX_MINOR = 100
_SEQ_PER_CHUNK = 4
_CHUNK_ROWS = _SEQ_PER_CHUNK * _SEQ
_CR = _CHUNK_ROWS // _IDX_MINOR


def _sc_body(batch, wt_hbm, wp_hbm, idx_hbm, out_hbm,
             pos_v, idx_a, idx_b, rows_a, rows_b,
             sem_ia, sem_ib, sem_ga, sem_gb, sem_oa, sem_ob):
    seq_per_w = batch * _SEQ // _NW // _SEQ
    n_chunks = seq_per_w // _SEQ_PER_CHUNK
    idx_rows_per_w = seq_per_w * _SEQ // _IDX_MINOR

    wid = lax.axis_index("s") * _NC + lax.axis_index("c")

    def idx_copy(c, idx_v, sem):
        irow = wid * idx_rows_per_w + c * _CR
        return pltpu.make_async_copy(idx_hbm.at[pl.ds(irow, _CR)], idx_v, sem)

    def gather_copies(idx_v, rows_v, sem):
        return [pltpu.make_async_copy(
                    wt_hbm.at[idx_v.at[i]],
                    rows_v.at[i // 2, pl.ds((i % 2) * _IDX_MINOR, _IDX_MINOR)],
                    sem)
                for i in range(_CR)]

    def out_copy(c, rows_v, sem):
        seq_base = wid * seq_per_w + c * _SEQ_PER_CHUNK
        return pltpu.make_async_copy(
            rows_v,
            out_hbm.at[pl.ds(seq_base, _SEQ_PER_CHUNK), :, pl.ds(0, _EMBED)],
            sem)

    def add_pos(rows_v):
        def jbody(j, carry):
            pos_regs = [pos_v[j, pl.ds(l * _LANES, _LANES)]
                        for l in range(_EMBED // _LANES)]
            for b in range(_SEQ_PER_CHUNK):
                for l in range(_EMBED // _LANES):
                    plsc.addupdate(rows_v.at[b, j, pl.ds(l * _LANES, _LANES)],
                                   pos_regs[l])
            return carry
        lax.fori_loop(0, _SEQ, jbody, 0, unroll=4)

    pltpu.sync_copy(wp_hbm, pos_v)

    idx_copy(0, idx_a, sem_ia).start()
    idx_copy(0, idx_a, sem_ia).wait()
    for d in gather_copies(idx_a, rows_a, sem_ga):
        d.start()
    idx_copy(1, idx_b, sem_ib).start()

    def process(c, idx_x, rows_x, sem_ix, sem_gx, sem_ox,
                idx_y, rows_y, sem_iy, sem_gy, sem_oy):
        for d in gather_copies(idx_x, rows_x, sem_gx):
            d.wait()

        @pl.when(c + 2 < n_chunks)
        def _():
            idx_copy(c + 2, idx_x, sem_ix).start()

        @pl.when(c + 1 < n_chunks)
        def _():
            idx_copy(c + 1, idx_y, sem_iy).wait()

            @pl.when(c >= 1)
            def _():
                out_copy(c - 1, rows_y, sem_oy).wait()

            for d in gather_copies(idx_y, rows_y, sem_gy):
                d.start()

        add_pos(rows_x)
        out_copy(c, rows_x, sem_ox).start()

    def pair_body(t, carry):
        c0 = 2 * t
        process(c0, idx_a, rows_a, sem_ia, sem_ga, sem_oa,
                idx_b, rows_b, sem_ib, sem_gb, sem_ob)
        process(c0 + 1, idx_b, rows_b, sem_ib, sem_gb, sem_ob,
                idx_a, rows_a, sem_ia, sem_ga, sem_oa)
        return carry

    lax.fori_loop(0, n_chunks // 2, pair_body, 0)

    out_copy(n_chunks - 2, rows_a, sem_oa).wait()
    out_copy(n_chunks - 1, rows_b, sem_ob).wait()


def kernel(input, W_tok, W_pos):
    batch, seq = input.shape
    n_rows = batch * seq
    ids_flat = input.reshape(n_rows // _IDX_MINOR, _IDX_MINOR).astype(jnp.int32)

    mesh = plsc.VectorSubcoreMesh(core_axis_name="c", subcore_axis_name="s",
                                  num_cores=_NC, num_subcores=_NS)
    out = pl.kernel(
        functools.partial(_sc_body, batch),
        out_type=jax.ShapeDtypeStruct((batch, seq, 2 * _EMBED), jnp.float32),
        mesh=mesh,
        scratch_types=[
            pltpu.VMEM((_SEQ, _EMBED), jnp.float32),
            pltpu.VMEM((_CR, _IDX_MINOR), jnp.int32),
            pltpu.VMEM((_CR, _IDX_MINOR), jnp.int32),
            pltpu.VMEM((_SEQ_PER_CHUNK, _SEQ, _EMBED), jnp.float32),
            pltpu.VMEM((_SEQ_PER_CHUNK, _SEQ, _EMBED), jnp.float32),
            pltpu.SemaphoreType.DMA,
            pltpu.SemaphoreType.DMA,
            pltpu.SemaphoreType.DMA,
            pltpu.SemaphoreType.DMA,
            pltpu.SemaphoreType.DMA,
            pltpu.SemaphoreType.DMA,
        ],
        compiler_params=pltpu.CompilerParams(use_tc_tiling_on_sc=False),
    )(W_tok, W_pos[:_SEQ], ids_flat)
    return out[:, :, :_EMBED]

# --- scband reference (transcript-rebuilt; emitter-appended) ---
"""Pipeline reference for scband-input-embedding-22660247454328 (READ-ONLY COPY).

The authoritative reference and input builder live on the scoring server;
editing this copy changes nothing except your own understanding.
"""

import jax, jax.numpy as jnp
import numpy as np

VOCAB = 100000
EMBED = 64
BATCH = 4096
SEQ = 200

def setup_inputs(seed: int = 0) -> dict:
    key = jax.random.key(seed)
    k1, k2, k3 = jax.random.split(key, 3)
    input_ids = jax.random.randint(k1, (BATCH, SEQ), 0, VOCAB, dtype=jnp.int64 if jax.config.jax_enable_x64 else jnp.int32)
    W_tok = jax.random.normal(k2, (VOCAB, EMBED), dtype=jnp.float32)
    W_pos = jax.random.normal(k3, (VOCAB, EMBED), dtype=jnp.float32)
    return {"input": input_ids, "W_tok": W_tok, "W_pos": W_pos}

def reference(input, W_tok, W_pos):
    # token embedding: gather rows of W_tok
    first_embedding = jnp.take(W_tok, input, axis=0)  # [B, S, E]
    batch_size, seq_len = input.shape
    positions_vector = jnp.broadcast_to(jnp.arange(seq_len), (batch_size, seq_len))
    positional_encoding = jnp.take(W_pos, positions_vector, axis=0)  # [B, S, E]
    # dropout is identity in eval mode
    return first_embedding + positional_encoding

if __name__ == "__main__":
    import jax
    _d = setup_inputs()
    print(jax.jit(kernel)(*tuple(_d.values())))

</pallas_src>

<mosaic_0001>
#map = affine_map<(d0, d1) -> (0, 0)>
#map1 = affine_map<(d0, d1) -> (0, 0, 0)>
module attributes {stable_mosaic.version = 14 : i64} {
  func.func @_sc_body(%arg0: i32, %arg1: i32, %arg2: memref<100000x64xf32, #tpu.memory_space<hbm>>, %arg3: memref<200x64xf32, #tpu.memory_space<hbm>>, %arg4: memref<8192x100xi32, #tpu.memory_space<hbm>>, %arg5: memref<4096x200x128xf32, #tpu.memory_space<hbm>>, %arg6: memref<200x64xf32, #tpu.memory_space<vmem>>, %arg7: memref<8x100xi32, #tpu.memory_space<vmem>>, %arg8: memref<8x100xi32, #tpu.memory_space<vmem>>, %arg9: memref<4x200x64xf32, #tpu.memory_space<vmem>>, %arg10: memref<4x200x64xf32, #tpu.memory_space<vmem>>, %arg11: memref<!tpu.dma_semaphore, #tpu.memory_space<semaphore_mem>>, %arg12: memref<!tpu.dma_semaphore, #tpu.memory_space<semaphore_mem>>, %arg13: memref<!tpu.dma_semaphore, #tpu.memory_space<semaphore_mem>>, %arg14: memref<!tpu.dma_semaphore, #tpu.memory_space<semaphore_mem>>, %arg15: memref<!tpu.dma_semaphore, #tpu.memory_space<semaphore_mem>>, %arg16: memref<!tpu.dma_semaphore, #tpu.memory_space<semaphore_mem>>) attributes {dimension_semantics = [#tpu.dimension_semantics<core_parallel>, #tpu.dimension_semantics<subcore_parallel>], iteration_bounds = array<i64: 2, 16>, scalar_prefetch = 0 : i64, scratch_operands = 11 : i64, tpu.core_type = #tpu.core_type<sc_vector_subcore>, window_params = [{transform_indices = #map}, {transform_indices = #map}, {transform_indices = #map}, {transform_indices = #map1}]} {
    %mul3A = arith.constant 2 : i32
    %mul3A_0 = arith.muli %arg1, %mul3A : i32
    %add3A = arith.addi %mul3A_0, %arg0 : i32
    "tpu.region"() ({
      %run_scoped3A = tpu.sem_alloc : memref<!tpu.dma_semaphore, #tpu.memory_space<semaphore_mem>>
      tpu.enqueue_dma source(%arg3 : memref<200x64xf32, #tpu.memory_space<hbm>>) target(%arg6 : memref<200x64xf32, #tpu.memory_space<vmem>>) target_semaphore(%run_scoped3A : memref<!tpu.dma_semaphore, #tpu.memory_space<semaphore_mem>>)
      tpu.wait_dma2 semaphore(%run_scoped3A : memref<!tpu.dma_semaphore, #tpu.memory_space<semaphore_mem>>) src(%arg3 : memref<200x64xf32, #tpu.memory_space<hbm>>) dst(%arg6 : memref<200x64xf32, #tpu.memory_space<vmem>>)
      tpu.yield
    }) : () -> ()
    %mul3A_1 = arith.constant 256 : i32
    %mul3A_2 = arith.muli %add3A, %mul3A_1 : i32
    %add3A_3 = arith.constant 0 : i32
    %add3A_4 = arith.addi %mul3A_2, %add3A_3 : i32
    %dma_start3A = arith.constant 0 : i32
    %dma_start3A_5 = tpu.memref_slice %arg4[%add3A_4, %dma_start3A] : memref<8192x100xi32, #tpu.memory_space<hbm>> -> memref<8x100xi32, #tpu.memory_space<hbm>>
    %dma_start3A_6 = arith.constant 0 : i32
    %dma_start3A_7 = tpu.memref_slice %arg4[%add3A_4, %dma_start3A_6] : memref<8192x100xi32, #tpu.memory_space<hbm>> -> memref<8x100xi32, #tpu.memory_space<hbm>>
    tpu.enqueue_dma source(%dma_start3A_7 : memref<8x100xi32, #tpu.memory_space<hbm>>) target(%arg7 : memref<8x100xi32, #tpu.memory_space<vmem>>) target_semaphore(%arg11 : memref<!tpu.dma_semaphore, #tpu.memory_space<semaphore_mem>>)
    %mul3A_8 = arith.constant 256 : i32
    %mul3A_9 = arith.muli %add3A, %mul3A_8 : i32
    %add3A_10 = arith.constant 0 : i32
    %add3A_11 = arith.addi %mul3A_9, %add3A_10 : i32
    %dma_wait3A = arith.constant 0 : i32
    %dma_wait3A_12 = tpu.memref_slice %arg4[%add3A_11, %dma_wait3A] : memref<8192x100xi32, #tpu.memory_space<hbm>> -> memref<8x100xi32, #tpu.memory_space<hbm>>
    %dma_wait3A_13 = arith.constant 0 : i32
    %dma_wait3A_14 = tpu.memref_slice %arg4[%add3A_11, %dma_wait3A_13] : memref<8192x100xi32, #tpu.memory_space<hbm>> -> memref<8x100xi32, #tpu.memory_space<hbm>>
    tpu.wait_dma2 semaphore(%arg11 : memref<!tpu.dma_semaphore, #tpu.memory_space<semaphore_mem>>) src(%dma_wait3A_14 : memref<8x100xi32, #tpu.memory_space<hbm>>) dst(%arg7 : memref<8x100xi32, #tpu.memory_space<vmem>>)
    %dma_start3A_15 = arith.constant 0 : i32
    %dma_start3A_16 = arith.constant 0 : i32
    %dma_start3A_17 = arith.constant 0 : i32
    %dma_start3A_18 = arith.constant 0 : i32
    %dma_start3A_19 = tpu.memref_slice %arg9[%dma_start3A_16, %dma_start3A_17, %dma_start3A_18] : memref<4x200x64xf32, #tpu.memory_space<vmem>> -> memref<1x100x64xf32, #tpu.memory_space<vmem>>
    %dma_start3A_20 = tpu.memref_squeeze %dma_start3A_19 : memref<1x100x64xf32, #tpu.memory_space<vmem>> -> memref<100x64xf32, #tpu.memory_space<vmem>>
    %dma_start3A_21 = arith.constant 0 : i32
    %dma_start3A_22 = tpu.memref_slice %arg7[%dma_start3A_15, %dma_start3A_21] : memref<8x100xi32, #tpu.memory_space<vmem>> -> memref<1x100xi32, #tpu.memory_space<vmem>>
    %dma_start3A_23 = tpu.memref_squeeze %dma_start3A_22 : memref<1x100xi32, #tpu.memory_space<vmem>> -> memref<100xi32, #tpu.memory_space<vmem>>
    %dma_start3A_24 = arith.constant 0 : i32
    %dma_start3A_25 = arith.constant 0 : i32
    %dma_start3A_26 = tpu.memref_slice %arg2[%dma_start3A_24, %dma_start3A_25] : memref<100000x64xf32, #tpu.memory_space<hbm>> -> memref<100000x64xf32, #tpu.memory_space<hbm>>
    tpu.enqueue_indirect_dma source(%dma_start3A_26 : memref<100000x64xf32, #tpu.memory_space<hbm>>) target(%dma_start3A_20 : memref<100x64xf32, #tpu.memory_space<vmem>>) offsets(%dma_start3A_23 : memref<100xi32, #tpu.memory_space<vmem>>) semaphore(%arg13 : memref<!tpu.dma_semaphore, #tpu.memory_space<semaphore_mem>>)
    %dma_start3A_27 = arith.constant 1 : i32
    %dma_start3A_28 = arith.constant 0 : i32
    %dma_start3A_29 = arith.constant 100 : i32
    %dma_start3A_30 = arith.constant 0 : i32
    %dma_start3A_31 = tpu.memref_slice %arg9[%dma_start3A_28, %dma_start3A_29, %dma_start3A_30] : memref<4x200x64xf32, #tpu.memory_space<vmem>> -> memref<1x100x64xf32, #tpu.memory_space<vmem>>
    %dma_start3A_32 = tpu.memref_squeeze %dma_start3A_31 : memref<1x100x64xf32, #tpu.memory_space<vmem>> -> memref<100x64xf32, #tpu.memory_space<vmem>>
    %dma_start3A_33 = arith.constant 0 : i32
    %dma_start3A_34 = tpu.memref_slice %arg7[%dma_start3A_27, %dma_start3A_33] : memref<8x100xi32, #tpu.memory_space<vmem>> -> memref<1x100xi32, #tpu.memory_space<vmem>>
    %dma_start3A_35 = tpu.memref_squeeze %dma_start3A_34 : memref<1x100xi32, #tpu.memory_space<vmem>> -> memref<100xi32, #tpu.memory_space<vmem>>
    %dma_start3A_36 = arith.constant 0 : i32
    %dma_start3A_37 = arith.constant 0 : i32
    %dma_start3A_38 = tpu.memref_slice %arg2[%dma_start3A_36, %dma_start3A_37] : memref<100000x64xf32, #tpu.memory_space<hbm>> -> memref<100000x64xf32, #tpu.memory_space<hbm>>
    tpu.enqueue_indirect_dma source(%dma_start3A_38 : memref<100000x64xf32, #tpu.memory_space<hbm>>) target(%dma_start3A_32 : memref<100x64xf32, #tpu.memory_space<vmem>>) offsets(%dma_start3A_35 : memref<100xi32, #tpu.memory_space<vmem>>) semaphore(%arg13 : memref<!tpu.dma_semaphore, #tpu.memory_space<semaphore_mem>>)
    %dma_start3A_39 = arith.constant 2 : i32
    %dma_start3A_40 = arith.constant 1 : i32
    %dma_start3A_41 = arith.constant 0 : i32
    %dma_start3A_42 = arith.constant 0 : i32
    %dma_start3A_43 = tpu.memref_slice %arg9[%dma_start3A_40, %dma_start3A_41, %dma_start3A_42] : memref<4x200x64xf32, #tpu.memory_space<vmem>> -> memref<1x100x64xf32, #tpu.memory_space<vmem>>
    %dma_start3A_44 = tpu.memref_squeeze %dma_start3A_43 : memref<1x100x64xf32, #tpu.memory_space<vmem>> -> memref<100x64xf32, #tpu.memory_space<vmem>>
    %dma_start3A_45 = arith.constant 0 : i32
    %dma_start3A_46 = tpu.memref_slice %arg7[%dma_start3A_39, %dma_start3A_45] : memref<8x100xi32, #tpu.memory_space<vmem>> -> memref<1x100xi32, #tpu.memory_space<vmem>>
    %dma_start3A_47 = tpu.memref_squeeze %dma_start3A_46 : memref<1x100xi32, #tpu.memory_space<vmem>> -> memref<100xi32, #tpu.memory_space<vmem>>
    %dma_start3A_48 = arith.constant 0 : i32
    %dma_start3A_49 = arith.constant 0 : i32
    %dma_start3A_50 = tpu.memref_slice %arg2[%dma_start3A_48, %dma_start3A_49] : memref<100000x64xf32, #tpu.memory_space<hbm>> -> memref<100000x64xf32, #tpu.memory_space<hbm>>
    tpu.enqueue_indirect_dma source(%dma_start3A_50 : memref<100000x64xf32, #tpu.memory_space<hbm>>) target(%dma_start3A_44 : memref<100x64xf32, #tpu.memory_space<vmem>>) offsets(%dma_start3A_47 : memref<100xi32, #tpu.memory_space<vmem>>) semaphore(%arg13 : memref<!tpu.dma_semaphore, #tpu.memory_space<semaphore_mem>>)
    %dma_start3A_51 = arith.constant 3 : i32
    %dma_start3A_52 = arith.constant 1 : i32
    %dma_start3A_53 = arith.constant 100 : i32
    %dma_start3A_54 = arith.constant 0 : i32
    %dma_start3A_55 = tpu.memref_slice %arg9[%dma_start3A_52, %dma_start3A_53, %dma_start3A_54] : memref<4x200x64xf32, #tpu.memory_space<vmem>> -> memref<1x100x64xf32, #tpu.memory_space<vmem>>
    %dma_start3A_56 = tpu.memref_squeeze %dma_start3A_55 : memref<1x100x64xf32, #tpu.memory_space<vmem>> -> memref<100x64xf32, #tpu.memory_space<vmem>>
    %dma_start3A_57 = arith.constant 0 : i32
    %dma_start3A_58 = tpu.memref_slice %arg7[%dma_start3A_51, %dma_start3A_57] : memref<8x100xi32, #tpu.memory_space<vmem>> -> memref<1x100xi32, #tpu.memory_space<vmem>>
    %dma_start3A_59 = tpu.memref_squeeze %dma_start3A_58 : memref<1x100xi32, #tpu.memory_space<vmem>> -> memref<100xi32, #tpu.memory_space<vmem>>
    %dma_start3A_60 = arith.constant 0 : i32
    %dma_start3A_61 = arith.constant 0 : i32
    %dma_start3A_62 = tpu.memref_slice %arg2[%dma_start3A_60, %dma_start3A_61] : memref<100000x64xf32, #tpu.memory_space<hbm>> -> memref<100000x64xf32, #tpu.memory_space<hbm>>
    tpu.enqueue_indirect_dma source(%dma_start3A_62 : memref<100000x64xf32, #tpu.memory_space<hbm>>) target(%dma_start3A_56 : memref<100x64xf32, #tpu.memory_space<vmem>>) offsets(%dma_start3A_59 : memref<100xi32, #tpu.memory_space<vmem>>) semaphore(%arg13 : memref<!tpu.dma_semaphore, #tpu.memory_space<semaphore_mem>>)
    %dma_start3A_63 = arith.constant 4 : i32
    %dma_start3A_64 = arith.constant 2 : i32
    %dma_start3A_65 = arith.constant 0 : i32
    %dma_start3A_66 = arith.constant 0 : i32
    %dma_start3A_67 = tpu.memref_slice %arg9[%dma_start3A_64, %dma_start3A_65, %dma_start3A_66] : memref<4x200x64xf32, #tpu.memory_space<vmem>> -> memref<1x100x64xf32, #tpu.memory_space<vmem>>
    %dma_start3A_68 = tpu.memref_squeeze %dma_start3A_67 : memref<1x100x64xf32, #tpu.memory_space<vmem>> -> memref<100x64xf32, #tpu.memory_space<vmem>>
    %dma_start3A_69 = arith.constant 0 : i32
    %dma_start3A_70 = tpu.memref_slice %arg7[%dma_start3A_63, %dma_start3A_69] : memref<8x100xi32, #tpu.memory_space<vmem>> -> memref<1x100xi32, #tpu.memory_space<vmem>>
    %dma_start3A_71 = tpu.memref_squeeze %dma_start3A_70 : memref<1x100xi32, #tpu.memory_space<vmem>> -> memref<100xi32, #tpu.memory_space<vmem>>
    %dma_start3A_72 = arith.constant 0 : i32
    %dma_start3A_73 = arith.constant 0 : i32
    %dma_start3A_74 = tpu.memref_slice %arg2[%dma_start3A_72, %dma_start3A_73] : memref<100000x64xf32, #tpu.memory_space<hbm>> -> memref<100000x64xf32, #tpu.memory_space<hbm>>
    tpu.enqueue_indirect_dma source(%dma_start3A_74 : memref<100000x64xf32, #tpu.memory_space<hbm>>) target(%dma_start3A_68 : memref<100x64xf32, #tpu.memory_space<vmem>>) offsets(%dma_start3A_71 : memref<100xi32, #tpu.memory_space<vmem>>) semaphore(%arg13 : memref<!tpu.dma_semaphore, #tpu.memory_space<semaphore_mem>>)
    %dma_start3A_75 = arith.constant 5 : i32
    %dma_start3A_76 = arith.constant 2 : i32
    %dma_start3A_77 = arith.constant 100 : i32
    %dma_start3A_78 = arith.constant 0 : i32
    %dma_start3A_79 = tpu.memref_slice %arg9[%dma_start3A_76, %dma_start3A_77, %dma_start3A_78] : memref<4x200x64xf32, #tpu.memory_space<vmem>> -> memref<1x100x64xf32, #tpu.memory_space<vmem>>
    %dma_start3A_80 = tpu.memref_squeeze %dma_start3A_79 : memref<1x100x64xf32, #tpu.memory_space<vmem>> -> memref<100x64xf32, #tpu.memory_space<vmem>>
    %dma_start3A_81 = arith.constant 0 : i32
    %dma_start3A_82 = tpu.memref_slice %arg7[%dma_start3A_75, %dma_start3A_81] : memref<8x100xi32, #tpu.memory_space<vmem>> -> memref<1x100xi32, #tpu.memory_space<vmem>>
    %dma_start3A_83 = tpu.memref_squeeze %dma_start3A_82 : memref<1x100xi32, #tpu.memory_space<vmem>> -> memref<100xi32, #tpu.memory_space<vmem>>
    %dma_start3A_84 = arith.constant 0 : i32
    %dma_start3A_85 = arith.constant 0 : i32
    %dma_start3A_86 = tpu.memref_slice %arg2[%dma_start3A_84, %dma_start3A_85] : memref<100000x64xf32, #tpu.memory_space<hbm>> -> memref<100000x64xf32, #tpu.memory_space<hbm>>
    tpu.enqueue_indirect_dma source(%dma_start3A_86 : memref<100000x64xf32, #tpu.memory_space<hbm>>) target(%dma_start3A_80 : memref<100x64xf32, #tpu.memory_space<vmem>>) offsets(%dma_start3A_83 : memref<100xi32, #tpu.memory_space<vmem>>) semaphore(%arg13 : memref<!tpu.dma_semaphore, #tpu.memory_space<semaphore_mem>>)
    %dma_start3A_87 = arith.constant 6 : i32
    %dma_start3A_88 = arith.constant 3 : i32
    %dma_start3A_89 = arith.constant 0 : i32
    %dma_start3A_90 = arith.constant 0 : i32
    %dma_start3A_91 = tpu.memref_slice %arg9[%dma_start3A_88, %dma_start3A_89, %dma_start3A_90] : memref<4x200x64xf32, #tpu.memory_space<vmem>> -> memref<1x100x64xf32, #tpu.memory_space<vmem>>
    %dma_start3A_92 = tpu.memref_squeeze %dma_start3A_91 : memref<1x100x64xf32, #tpu.memory_space<vmem>> -> memref<100x64xf32, #tpu.memory_space<vmem>>
    %dma_start3A_93 = arith.constant 0 : i32
    %dma_start3A_94 = tpu.memref_slice %arg7[%dma_start3A_87, %dma_start3A_93] : memref<8x100xi32, #tpu.memory_space<vmem>> -> memref<1x100xi32, #tpu.memory_space<vmem>>
    %dma_start3A_95 = tpu.memref_squeeze %dma_start3A_94 : memref<1x100xi32, #tpu.memory_space<vmem>> -> memref<100xi32, #tpu.memory_space<vmem>>
    %dma_start3A_96 = arith.constant 0 : i32
    %dma_start3A_97 = arith.constant 0 : i32
    %dma_start3A_98 = tpu.memref_slice %arg2[%dma_start3A_96, %dma_start3A_97] : memref<100000x64xf32, #tpu.memory_space<hbm>> -> memref<100000x64xf32, #tpu.memory_space<hbm>>
    tpu.enqueue_indirect_dma source(%dma_start3A_98 : memref<100000x64xf32, #tpu.memory_space<hbm>>) target(%dma_start3A_92 : memref<100x64xf32, #tpu.memory_space<vmem>>) offsets(%dma_start3A_95 : memref<100xi32, #tpu.memory_space<vmem>>) semaphore(%arg13 : memref<!tpu.dma_semaphore, #tpu.memory_space<semaphore_mem>>)
    %dma_start3A_99 = arith.constant 7 : i32
    %dma_start3A_100 = arith.constant 3 : i32
    %dma_start3A_101 = arith.constant 100 : i32
    %dma_start3A_102 = arith.constant 0 : i32
    %dma_start3A_103 = tpu.memref_slice %arg9[%dma_start3A_100, %dma_start3A_101, %dma_start3A_102] : memref<4x200x64xf32, #tpu.memory_space<vmem>> -> memref<1x100x64xf32, #tpu.memory_space<vmem>>
    %dma_start3A_104 = tpu.memref_squeeze %dma_start3A_103 : memref<1x100x64xf32, #tpu.memory_space<vmem>> -> memref<100x64xf32, #tpu.memory_space<vmem>>
    %dma_start3A_105 = arith.constant 0 : i32
    %dma_start3A_106 = tpu.memref_slice %arg7[%dma_start3A_99, %dma_start3A_105] : memref<8x100xi32, #tpu.memory_space<vmem>> -> memref<1x100xi32, #tpu.memory_space<vmem>>
    %dma_start3A_107 = tpu.memref_squeeze %dma_start3A_106 : memref<1x100xi32, #tpu.memory_space<vmem>> -> memref<100xi32, #tpu.memory_space<vmem>>
    %dma_start3A_108 = arith.constant 0 : i32
    %dma_start3A_109 = arith.constant 0 : i32
    %dma_start3A_110 = tpu.memref_slice %arg2[%dma_start3A_108, %dma_start3A_109] : memref<100000x64xf32, #tpu.memory_space<hbm>> -> memref<100000x64xf32, #tpu.memory_space<hbm>>
    tpu.enqueue_indirect_dma source(%dma_start3A_110 : memref<100000x64xf32, #tpu.memory_space<hbm>>) target(%dma_start3A_104 : memref<100x64xf32, #tpu.memory_space<vmem>>) offsets(%dma_start3A_107 : memref<100xi32, #tpu.memory_space<vmem>>) semaphore(%arg13 : memref<!tpu.dma_semaphore, #tpu.memory_space<semaphore_mem>>)
    %mul3A_111 = arith.constant 256 : i32
    %mul3A_112 = arith.muli %add3A, %mul3A_111 : i32
    %add3A_113 = arith.constant 8 : i32
    %add3A_114 = arith.addi %mul3A_112, %add3A_113 : i32
    %dma_start3A_115 = arith.constant 0 : i32
    %dma_start3A_116 = tpu.memref_slice %arg4[%add3A_114, %dma_start3A_115] : memref<8192x100xi32, #tpu.memory_space<hbm>> -> memref<8x100xi32, #tpu.memory_space<hbm>>
    %dma_start3A_117 = arith.constant 0 : i32
    %dma_start3A_118 = tpu.memref_slice %arg4[%add3A_114, %dma_start3A_117] : memref<8192x100xi32, #tpu.memory_space<hbm>> -> memref<8x100xi32, #tpu.memory_space<hbm>>
    tpu.enqueue_dma source(%dma_start3A_118 : memref<8x100xi32, #tpu.memory_space<hbm>>) target(%arg8 : memref<8x100xi32, #tpu.memory_space<vmem>>) target_semaphore(%arg12 : memref<!tpu.dma_semaphore, #tpu.memory_space<semaphore_mem>>)
    %scan3A = arith.constant 0 : i32
    %scan3A_119 = arith.constant 0 : i32
    %scan3A_120 = arith.constant 16 : i32
    %scan3A_121 = arith.addi %scan3A_119, %scan3A_120 : i32
    %scan3A_122 = arith.constant 1 : i32
    scf.for %scan3A_144 = %scan3A_119 to %scan3A_121 step %scan3A_122  : i32 {
      %mul3A_145 = arith.constant 2 : i32
      %mul3A_146 = arith.muli %mul3A_145, %scan3A_144 : i32
      %dma_wait3A_147 = arith.constant 0 : i32
      %dma_wait3A_148 = arith.constant 0 : i32
      %dma_wait3A_149 = arith.constant 0 : i32
      %dma_wait3A_150 = arith.constant 0 : i32
      %dma_wait3A_151 = tpu.memref_slice %arg9[%dma_wait3A_148, %dma_wait3A_149, %dma_wait3A_150] : memref<4x200x64xf32, #tpu.memory_space<vmem>> -> memref<1x100x64xf32, #tpu.memory_space<vmem>>
      %dma_wait3A_152 = tpu.memref_squeeze %dma_wait3A_151 : memref<1x100x64xf32, #tpu.memory_space<vmem>> -> memref<100x64xf32, #tpu.memory_space<vmem>>
      %dma_wait3A_153 = arith.constant 0 : i32
      %dma_wait3A_154 = tpu.memref_slice %arg7[%dma_wait3A_147, %dma_wait3A_153] : memref<8x100xi32, #tpu.memory_space<vmem>> -> memref<1x100xi32, #tpu.memory_space<vmem>>
      %dma_wait3A_155 = tpu.memref_squeeze %dma_wait3A_154 : memref<1x100xi32, #tpu.memory_space<vmem>> -> memref<100xi32, #tpu.memory_space<vmem>>
      %dma_wait3A_156 = arith.constant 0 : i32
      %dma_wait3A_157 = arith.constant 0 : i32
      %dma_wait3A_158 = tpu.memref_slice %arg2[%dma_wait3A_156, %dma_wait3A_157] : memref<100000x64xf32, #tpu.memory_space<hbm>> -> memref<100000x64xf32, #tpu.memory_space<hbm>>
      tpu.wait_indirect_dma semaphore(%arg13 : memref<!tpu.dma_semaphore, #tpu.memory_space<semaphore_mem>>) src(%dma_wait3A_158 : memref<100000x64xf32, #tpu.memory_space<hbm>>) dst(%dma_wait3A_152 : memref<100x64xf32, #tpu.memory_space<vmem>>)
      %dma_wait3A_159 = arith.constant 1 : i32
      %dma_wait3A_160 = arith.constant 0 : i32
      %dma_wait3A_161 = arith.constant 100 : i32
      %dma_wait3A_162 = arith.constant 0 : i32
      %dma_wait3A_163 = tpu.memref_slice %arg9[%dma_wait3A_160, %dma_wait3A_161, %dma_wait3A_162] : memref<4x200x64xf32, #tpu.memory_space<vmem>> -> memref<1x100x64xf32, #tpu.memory_space<vmem>>
      %dma_wait3A_164 = tpu.memref_squeeze %dma_wait3A_163 : memref<1x100x64xf32, #tpu.memory_space<vmem>> -> memref<100x64xf32, #tpu.memory_space<vmem>>
      %dma_wait3A_165 = arith.constant 0 : i32
      %dma_wait3A_166 = tpu.memref_slice %arg7[%dma_wait3A_159, %dma_wait3A_165] : memref<8x100xi32, #tpu.memory_space<vmem>> -> memref<1x100xi32, #tpu.memory_space<vmem>>
      %dma_wait3A_167 = tpu.memref_squeeze %dma_wait3A_166 : memref<1x100xi32, #tpu.memory_space<vmem>> -> memref<100xi32, #tpu.memory_space<vmem>>
      %dma_wait3A_168 = arith.constant 0 : i32
      %dma_wait3A_169 = arith.constant 0 : i32
      %dma_wait3A_170 = tpu.memref_slice %arg2[%dma_wait3A_168, %dma_wait3A_169] : memref<100000x64xf32, #tpu.memory_space<hbm>> -> memref<100000x64xf32, #tpu.memory_space<hbm>>
      tpu.wait_indirect_dma semaphore(%arg13 : memref<!tpu.dma_semaphore, #tpu.memory_space<semaphore_mem>>) src(%dma_wait3A_170 : memref<100000x64xf32, #tpu.memory_space<hbm>>) dst(%dma_wait3A_164 : memref<100x64xf32, #tpu.memory_space<vmem>>)
      %dma_wait3A_171 = arith.constant 2 : i32
      %dma_wait3A_172 = arith.constant 1 : i32
      %dma_wait3A_173 = arith.constant 0 : i32
      %dma_wait3A_174 = arith.constant 0 : i32
      %dma_wait3A_175 = tpu.memref_slice %arg9[%dma_wait3A_172, %dma_wait3A_173, %dma_wait3A_174] : memref<4x200x64xf32, #tpu.memory_space<vmem>> -> memref<1x100x64xf32, #tpu.memory_space<vmem>>
      %dma_wait3A_176 = tpu.memref_squeeze %dma_wait3A_175 : memref<1x100x64xf32, #tpu.memory_space<vmem>> -> memref<100x64xf32, #tpu.memory_space<vmem>>
      %dma_wait3A_177 = arith.constant 0 : i32
      %dma_wait3A_178 = tpu.memref_slice %arg7[%dma_wait3A_171, %dma_wait3A_177] : memref<8x100xi32, #tpu.memory_space<vmem>> -> memref<1x100xi32, #tpu.memory_space<vmem>>
      %dma_wait3A_179 = tpu.memref_squeeze %dma_wait3A_178 : memref<1x100xi32, #tpu.memory_space<vmem>> -> memref<100xi32, #tpu.memory_space<vmem>>
      %dma_wait3A_180 = arith.constant 0 : i32
      %dma_wait3A_181 = arith.constant 0 : i32
      %dma_wait3A_182 = tpu.memref_slice %arg2[%dma_wait3A_180, %dma_wait3A_181] : memref<100000x64xf32, #tpu.memory_space<hbm>> -> memref<100000x64xf32, #tpu.memory_space<hbm>>
      tpu.wait_indirect_dma semaphore(%arg13 : memref<!tpu.dma_semaphore, #tpu.memory_space<semaphore_mem>>) src(%dma_wait3A_182 : memref<100000x64xf32, #tpu.memory_space<hbm>>) dst(%dma_wait3A_176 : memref<100x64xf32, #tpu.memory_space<vmem>>)
      %dma_wait3A_183 = arith.constant 3 : i32
      %dma_wait3A_184 = arith.constant 1 : i32
      %dma_wait3A_185 = arith.constant 100 : i32
      %dma_wait3A_186 = arith.constant 0 : i32
      %dma_wait3A_187 = tpu.memref_slice %arg9[%dma_wait3A_184, %dma_wait3A_185, %dma_wait3A_186] : memref<4x200x64xf32, #tpu.memory_space<vmem>> -> memref<1x100x64xf32, #tpu.memory_space<vmem>>
      %dma_wait3A_188 = tpu.memref_squeeze %dma_wait3A_187 : memref<1x100x64xf32, #tpu.memory_space<vmem>> -> memref<100x64xf32, #tpu.memory_space<vmem>>
      %dma_wait3A_189 = arith.constant 0 : i32
      %dma_wait3A_190 = tpu.memref_slice %arg7[%dma_wait3A_183, %dma_wait3A_189] : memref<8x100xi32, #tpu.memory_space<vmem>> -> memref<1x100xi32, #tpu.memory_space<vmem>>
      %dma_wait3A_191 = tpu.memref_squeeze %dma_wait3A_190 : memref<1x100xi32, #tpu.memory_space<vmem>> -> memref<100xi32, #tpu.memory_space<vmem>>
      %dma_wait3A_192 = arith.constant 0 : i32
      %dma_wait3A_193 = arith.constant 0 : i32
      %dma_wait3A_194 = tpu.memref_slice %arg2[%dma_wait3A_192, %dma_wait3A_193] : memref<100000x64xf32, #tpu.memory_space<hbm>> -> memref<100000x64xf32, #tpu.memory_space<hbm>>
      tpu.wait_indirect_dma semaphore(%arg13 : memref<!tpu.dma_semaphore, #tpu.memory_space<semaphore_mem>>) src(%dma_wait3A_194 : memref<100000x64xf32, #tpu.memory_space<hbm>>) dst(%dma_wait3A_188 : memref<100x64xf32, #tpu.memory_space<vmem>>)
      %dma_wait3A_195 = arith.constant 4 : i32
      %dma_wait3A_196 = arith.constant 2 : i32
      %dma_wait3A_197 = arith.constant 0 : i32
      %dma_wait3A_198 = arith.constant 0 : i32
      %dma_wait3A_199 = tpu.memref_slice %arg9[%dma_wait3A_196, %dma_wait3A_197, %dma_wait3A_198] : memref<4x200x64xf32, #tpu.memory_space<vmem>> -> memref<1x100x64xf32, #tpu.memory_space<vmem>>
      %dma_wait3A_200 = tpu.memref_squeeze %dma_wait3A_199 : memref<1x100x64xf32, #tpu.memory_space<vmem>> -> memref<100x64xf32, #tpu.memory_space<vmem>>
      %dma_wait3A_201 = arith.constant 0 : i32
      %dma_wait3A_202 = tpu.memref_slice %arg7[%dma_wait3A_195, %dma_wait3A_201] : memref<8x100xi32, #tpu.memory_space<vmem>> -> memref<1x100xi32, #tpu.memory_space<vmem>>
      %dma_wait3A_203 = tpu.memref_squeeze %dma_wait3A_202 : memref<1x100xi32, #tpu.memory_space<vmem>> -> memref<100xi32, #tpu.memory_space<vmem>>
      %dma_wait3A_204 = arith.constant 0 : i32
      %dma_wait3A_205 = arith.constant 0 : i32
      %dma_wait3A_206 = tpu.memref_slice %arg2[%dma_wait3A_204, %dma_wait3A_205] : memref<100000x64xf32, #tpu.memory_space<hbm>> -> memref<100000x64xf32, #tpu.memory_space<hbm>>
      tpu.wait_indirect_dma semaphore(%arg13 : memref<!tpu.dma_semaphore, #tpu.memory_space<semaphore_mem>>) src(%dma_wait3A_206 : memref<100000x64xf32, #tpu.memory_space<hbm>>) dst(%dma_wait3A_200 : memref<100x64xf32, #tpu.memory_space<vmem>>)
      %dma_wait3A_207 = arith.constant 5 : i32
      %dma_wait3A_208 = arith.constant 2 : i32
      %dma_wait3A_209 = arith.constant 100 : i32
      %dma_wait3A_210 = arith.constant 0 : i32
      %dma_wait3A_211 = tpu.memref_slice %arg9[%dma_wait3A_208, %dma_wait3A_209, %dma_wait3A_210] : memref<4x200x64xf32, #tpu.memory_space<vmem>> -> memref<1x100x64xf32, #tpu.memory_space<vmem>>
      %dma_wait3A_212 = tpu.memref_squeeze %dma_wait3A_211 : memref<1x100x64xf32, #tpu.memory_space<vmem>> -> memref<100x64xf32, #tpu.memory_space<vmem>>
      %dma_wait3A_213 = arith.constant 0 : i32
      %dma_wait3A_214 = tpu.memref_slice %arg7[%dma_wait3A_207, %dma_wait3A_213] : memref<8x100xi32, #tpu.memory_space<vmem>> -> memref<1x100xi32, #tpu.memory_space<vmem>>
      %dma_wait3A_215 = tpu.memref_squeeze %dma_wait3A_214 : memref<1x100xi32, #tpu.memory_space<vmem>> -> memref<100xi32, #tpu.memory_space<vmem>>
      %dma_wait3A_216 = arith.constant 0 : i32
      %dma_wait3A_217 = arith.constant 0 : i32
      %dma_wait3A_218 = tpu.memref_slice %arg2[%dma_wait3A_216, %dma_wait3A_217] : memref<100000x64xf32, #tpu.memory_space<hbm>> -> memref<100000x64xf32, #tpu.memory_space<hbm>>
      tpu.wait_indirect_dma semaphore(%arg13 : memref<!tpu.dma_semaphore, #tpu.memory_space<semaphore_mem>>) src(%dma_wait3A_218 : memref<100000x64xf32, #tpu.memory_space<hbm>>) dst(%dma_wait3A_212 : memref<100x64xf32, #tpu.memory_space<vmem>>)
      %dma_wait3A_219 = arith.constant 6 : i32
      %dma_wait3A_220 = arith.constant 3 : i32
      %dma_wait3A_221 = arith.constant 0 : i32
      %dma_wait3A_222 = arith.constant 0 : i32
      %dma_wait3A_223 = tpu.memref_slice %arg9[%dma_wait3A_220, %dma_wait3A_221, %dma_wait3A_222] : memref<4x200x64xf32, #tpu.memory_space<vmem>> -> memref<1x100x64xf32, #tpu.memory_space<vmem>>
      %dma_wait3A_224 = tpu.memref_squeeze %dma_wait3A_223 : memref<1x100x64xf32, #tpu.memory_space<vmem>> -> memref<100x64xf32, #tpu.memory_space<vmem>>
      %dma_wait3A_225 = arith.constant 0 : i32
      %dma_wait3A_226 = tpu.memref_slice %arg7[%dma_wait3A_219, %dma_wait3A_225] : memref<8x100xi32, #tpu.memory_space<vmem>> -> memref<1x100xi32, #tpu.memory_space<vmem>>
      %dma_wait3A_227 = tpu.memref_squeeze %dma_wait3A_226 : memref<1x100xi32, #tpu.memory_space<vmem>> -> memref<100xi32, #tpu.memory_space<vmem>>
      %dma_wait3A_228 = arith.constant 0 : i32
      %dma_wait3A_229 = arith.constant 0 : i32
      %dma_wait3A_230 = tpu.memref_slice %arg2[%dma_wait3A_228, %dma_wait3A_229] : memref<100000x64xf32, #tpu.memory_space<hbm>> -> memref<100000x64xf32, #tpu.memory_space<hbm>>
      tpu.wait_indirect_dma semaphore(%arg13 : memref<!tpu.dma_semaphore, #tpu.memory_space<semaphore_mem>>) src(%dma_wait3A_230 : memref<100000x64xf32, #tpu.memory_space<hbm>>) dst(%dma_wait3A_224 : memref<100x64xf32, #tpu.memory_space<vmem>>)
      %dma_wait3A_231 = arith.constant 7 : i32
      %dma_wait3A_232 = arith.constant 3 : i32
      %dma_wait3A_233 = arith.constant 100 : i32
      %dma_wait3A_234 = arith.constant 0 : i32
      %dma_wait3A_235 = tpu.memref_slice %arg9[%dma_wait3A_232, %dma_wait3A_233, %dma_wait3A_234] : memref<4x200x64xf32, #tpu.memory_space<vmem>> -> memref<1x100x64xf32, #tpu.memory_space<vmem>>
      %dma_wait3A_236 = tpu.memref_squeeze %dma_wait3A_235 : memref<1x100x64xf32, #tpu.memory_space<vmem>> -> memref<100x64xf32, #tpu.memory_space<vmem>>
      %dma_wait3A_237 = arith.constant 0 : i32
      %dma_wait3A_238 = tpu.memref_slice %arg7[%dma_wait3A_231, %dma_wait3A_237] : memref<8x100xi32, #tpu.memory_space<vmem>> -> memref<1x100xi32, #tpu.memory_space<vmem>>
      %dma_wait3A_239 = tpu.memref_squeeze %dma_wait3A_238 : memref<1x100xi32, #tpu.memory_space<vmem>> -> memref<100xi32, #tpu.memory_space<vmem>>
      %dma_wait3A_240 = arith.constant 0 : i32
      %dma_wait3A_241 = arith.constant 0 : i32
      %dma_wait3A_242 = tpu.memref_slice %arg2[%dma_wait3A_240, %dma_wait3A_241] : memref<100000x64xf32, #tpu.memory_space<hbm>> -> memref<100000x64xf32, #tpu.memory_space<hbm>>
      tpu.wait_indirect_dma semaphore(%arg13 : memref<!tpu.dma_semaphore, #tpu.memory_space<semaphore_mem>>) src(%dma_wait3A_242 : memref<100000x64xf32, #tpu.memory_space<hbm>>) dst(%dma_wait3A_236 : memref<100x64xf32, #tpu.memory_space<vmem>>)
      %add3A_243 = arith.constant 2 : i32
      %add3A_244 = arith.addi %mul3A_146, %add3A_243 : i32
      %lt3A = arith.constant 32 : i32
      %lt3A_245 = arith.cmpi slt, %add3A_244, %lt3A : i32
      %convert_element_type3A = arith.extui %lt3A_245 : i1 to i32
      %cond3A = arith.constant 0 : i32
      %cond3A_246 = arith.cmpi ne, %convert_element_type3A, %cond3A : i32
      scf.if %cond3A_246 {
        %add3A_400 = arith.constant 2 : i32
        %add3A_401 = arith.addi %mul3A_146, %add3A_400 : i32
        %mul3A_402 = arith.constant 256 : i32
        %mul3A_403 = arith.muli %add3A, %mul3A_402 : i32
        %mul3A_404 = arith.constant 8 : i32
        %mul3A_405 = arith.muli %add3A_401, %mul3A_404 : i32
        %add3A_406 = arith.addi %mul3A_403, %mul3A_405 : i32
        %dma_start3A_407 = arith.constant 0 : i32
        %dma_start3A_408 = tpu.memref_slice %arg4[%add3A_406, %dma_start3A_407] : memref<8192x100xi32, #tpu.memory_space<hbm>> -> memref<8x100xi32, #tpu.memory_space<hbm>>
        %dma_start3A_409 = arith.constant 0 : i32
        %dma_start3A_410 = tpu.memref_slice %arg4[%add3A_406, %dma_start3A_409] : memref<8192x100xi32, #tpu.memory_space<hbm>> -> memref<8x100xi32, #tpu.memory_space<hbm>>
        tpu.enqueue_dma source(%dma_start3A_410 : memref<8x100xi32, #tpu.memory_space<hbm>>) target(%arg7 : memref<8x100xi32, #tpu.memory_space<vmem>>) target_semaphore(%arg11 : memref<!tpu.dma_semaphore, #tpu.memory_space<semaphore_mem>>)
      } else {
      }
      %add3A_247 = arith.constant 1 : i32
      %add3A_248 = arith.addi %mul3A_146, %add3A_247 : i32
      %lt3A_249 = arith.constant 32 : i32
      %lt3A_250 = arith.cmpi slt, %add3A_248, %lt3A_249 : i32
      %convert_element_type3A_251 = arith.extui %lt3A_250 : i1 to i32
      %cond3A_252 = arith.constant 0 : i32
      %cond3A_253 = arith.cmpi ne, %convert_element_type3A_251, %cond3A_252 : i32
      scf.if %cond3A_253 {
        %add3A_400 = arith.constant 1 : i32
        %add3A_401 = arith.addi %mul3A_146, %add3A_400 : i32
        %mul3A_402 = arith.constant 256 : i32
        %mul3A_403 = arith.muli %add3A, %mul3A_402 : i32
        %mul3A_404 = arith.constant 8 : i32
        %mul3A_405 = arith.muli %add3A_401, %mul3A_404 : i32
        %add3A_406 = arith.addi %mul3A_403, %mul3A_405 : i32
        %dma_wait3A_407 = arith.constant 0 : i32
        %dma_wait3A_408 = tpu.memref_slice %arg4[%add3A_406, %dma_wait3A_407] : memref<8192x100xi32, #tpu.memory_space<hbm>> -> memref<8x100xi32, #tpu.memory_space<hbm>>
        %dma_wait3A_409 = arith.constant 0 : i32
        %dma_wait3A_410 = tpu.memref_slice %arg4[%add3A_406, %dma_wait3A_409] : memref<8192x100xi32, #tpu.memory_space<hbm>> -> memref<8x100xi32, #tpu.memory_space<hbm>>
        tpu.wait_dma2 semaphore(%arg12 : memref<!tpu.dma_semaphore, #tpu.memory_space<semaphore_mem>>) src(%dma_wait3A_410 : memref<8x100xi32, #tpu.memory_space<hbm>>) dst(%arg8 : memref<8x100xi32, #tpu.memory_space<vmem>>)
        %ge3A = arith.constant 1 : i32
        %ge3A_411 = arith.cmpi sge, %mul3A_146, %ge3A : i32
        %convert_element_type3A_412 = arith.extui %ge3A_411 : i1 to i32
        %cond3A_413 = arith.constant 0 : i32
        %cond3A_414 = arith.cmpi ne, %convert_element_type3A_412, %cond3A_413 : i32
        scf.if %cond3A_414 {
          %sub3A = arith.constant 1 : i32
          %sub3A_511 = arith.subi %mul3A_146, %sub3A : i32
          %mul3A_512 = arith.constant 128 : i32
          %mul3A_513 = arith.muli %add3A, %mul3A_512 : i32
          %mul3A_514 = arith.constant 4 : i32
          %mul3A_515 = arith.muli %sub3A_511, %mul3A_514 : i32
          %add3A_516 = arith.addi %mul3A_513, %mul3A_515 : i32
          %dma_wait3A_517 = arith.constant 0 : i32
          %dma_wait3A_518 = arith.constant 0 : i32
          %dma_wait3A_519 = tpu.memref_slice %arg5[%add3A_516, %dma_wait3A_517, %dma_wait3A_518] : memref<4096x200x128xf32, #tpu.memory_space<hbm>> -> memref<4x200x64xf32, #tpu.memory_space<hbm>>
          %dma_wait3A_520 = arith.constant 0 : i32
          %dma_wait3A_521 = arith.constant 0 : i32
          %dma_wait3A_522 = tpu.memref_slice %arg5[%add3A_516, %dma_wait3A_520, %dma_wait3A_521] : memref<4096x200x128xf32, #tpu.memory_space<hbm>> -> memref<4x200x64xf32, #tpu.memory_space<hbm>>
          tpu.wait_dma2 semaphore(%arg16 : memref<!tpu.dma_semaphore, #tpu.memory_space<semaphore_mem>>) src(%arg10 : memref<4x200x64xf32, #tpu.memory_space<vmem>>) dst(%dma_wait3A_522 : memref<4x200x64xf32, #tpu.memory_space<hbm>>)
        } else {
        }
        %dma_start3A_415 = arith.constant 0 : i32
        %dma_start3A_416 = arith.constant 0 : i32
        %dma_start3A_417 = arith.constant 0 : i32
        %dma_start3A_418 = arith.constant 0 : i32
        %dma_start3A_419 = tpu.memref_slice %arg10[%dma_start3A_416, %dma_start3A_417, %dma_start3A_418] : memref<4x200x64xf32, #tpu.memory_space<vmem>> -> memref<1x100x64xf32, #tpu.memory_space<vmem>>
        %dma_start3A_420 = tpu.memref_squeeze %dma_start3A_419 : memref<1x100x64xf32, #tpu.memory_space<vmem>> -> memref<100x64xf32, #tpu.memory_space<vmem>>
        %dma_start3A_421 = arith.constant 0 : i32
        %dma_start3A_422 = tpu.memref_slice %arg8[%dma_start3A_415, %dma_start3A_421] : memref<8x100xi32, #tpu.memory_space<vmem>> -> memref<1x100xi32, #tpu.memory_space<vmem>>
        %dma_start3A_423 = tpu.memref_squeeze %dma_start3A_422 : memref<1x100xi32, #tpu.memory_space<vmem>> -> memref<100xi32, #tpu.memory_space<vmem>>
        %dma_start3A_424 = arith.constant 0 : i32
        %dma_start3A_425 = arith.constant 0 : i32
        %dma_start3A_426 = tpu.memref_slice %arg2[%dma_start3A_424, %dma_start3A_425] : memref<100000x64xf32, #tpu.memory_space<hbm>> -> memref<100000x64xf32, #tpu.memory_space<hbm>>
        tpu.enqueue_indirect_dma source(%dma_start3A_426 : memref<100000x64xf32, #tpu.memory_space<hbm>>) target(%dma_start3A_420 : memref<100x64xf32, #tpu.memory_space<vmem>>) offsets(%dma_start3A_423 : memref<100xi32, #tpu.memory_space<vmem>>) semaphore(%arg14 : memref<!tpu.dma_semaphore, #tpu.memory_space<semaphore_mem>>)
        %dma_start3A_427 = arith.constant 1 : i32
        %dma_start3A_428 = arith.constant 0 : i32
        %dma_start3A_429 = arith.constant 100 : i32
        %dma_start3A_430 = arith.constant 0 : i32
        %dma_start3A_431 = tpu.memref_slice %arg10[%dma_start3A_428, %dma_start3A_429, %dma_start3A_430] : memref<4x200x64xf32, #tpu.memory_space<vmem>> -> memref<1x100x64xf32, #tpu.memory_space<vmem>>
        %dma_start3A_432 = tpu.memref_squeeze %dma_start3A_431 : memref<1x100x64xf32, #tpu.memory_space<vmem>> -> memref<100x64xf32, #tpu.memory_space<vmem>>
        %dma_start3A_433 = arith.constant 0 : i32
        %dma_start3A_434 = tpu.memref_slice %arg8[%dma_start3A_427, %dma_start3A_433] : memref<8x100xi32, #tpu.memory_space<vmem>> -> memref<1x100xi32, #tpu.memory_space<vmem>>
        %dma_start3A_435 = tpu.memref_squeeze %dma_start3A_434 : memref<1x100xi32, #tpu.memory_space<vmem>> -> memref<100xi32, #tpu.memory_space<vmem>>
        %dma_start3A_436 = arith.constant 0 : i32
        %dma_start3A_437 = arith.constant 0 : i32
        %dma_start3A_438 = tpu.memref_slice %arg2[%dma_start3A_436, %dma_start3A_437] : memref<100000x64xf32, #tpu.memory_space<hbm>> -> memref<100000x64xf32, #tpu.memory_space<hbm>>
        tpu.enqueue_indirect_dma source(%dma_start3A_438 : memref<100000x64xf32, #tpu.memory_space<hbm>>) target(%dma_start3A_432 : memref<100x64xf32, #tpu.memory_space<vmem>>) offsets(%dma_start3A_435 : memref<100xi32, #tpu.memory_space<vmem>>) semaphore(%arg14 : memref<!tpu.dma_semaphore, #tpu.memory_space<semaphore_mem>>)
        %dma_start3A_439 = arith.constant 2 : i32
        %dma_start3A_440 = arith.constant 1 : i32
        %dma_start3A_441 = arith.constant 0 : i32
        %dma_start3A_442 = arith.constant 0 : i32
        %dma_start3A_443 = tpu.memref_slice %arg10[%dma_start3A_440, %dma_start3A_441, %dma_start3A_442] : memref<4x200x64xf32, #tpu.memory_space<vmem>> -> memref<1x100x64xf32, #tpu.memory_space<vmem>>
        %dma_start3A_444 = tpu.memref_squeeze %dma_start3A_443 : memref<1x100x64xf32, #tpu.memory_space<vmem>> -> memref<100x64xf32, #tpu.memory_space<vmem>>
        %dma_start3A_445 = arith.constant 0 : i32
        %dma_start3A_446 = tpu.memref_slice %arg8[%dma_start3A_439, %dma_start3A_445] : memref<8x100xi32, #tpu.memory_space<vmem>> -> memref<1x100xi32, #tpu.memory_space<vmem>>
        %dma_start3A_447 = tpu.memref_squeeze %dma_start3A_446 : memref<1x100xi32, #tpu.memory_space<vmem>> -> memref<100xi32, #tpu.memory_space<vmem>>
        %dma_start3A_448 = arith.constant 0 : i32
        %dma_start3A_449 = arith.constant 0 : i32
        %dma_start3A_450 = tpu.memref_slice %arg2[%dma_start3A_448, %dma_start3A_449] : memref<100000x64xf32, #tpu.memory_space<hbm>> -> memref<100000x64xf32, #tpu.memory_space<hbm>>
        tpu.enqueue_indirect_dma source(%dma_start3A_450 : memref<100000x64xf32, #tpu.memory_space<hbm>>) target(%dma_start3A_444 : memref<100x64xf32, #tpu.memory_space<vmem>>) offsets(%dma_start3A_447 : memref<100xi32, #tpu.memory_space<vmem>>) semaphore(%arg14 : memref<!tpu.dma_semaphore, #tpu.memory_space<semaphore_mem>>)
        %dma_start3A_451 = arith.constant 3 : i32
        %dma_start3A_452 = arith.constant 1 : i32
        %dma_start3A_453 = arith.constant 100 : i32
        %dma_start3A_454 = arith.constant 0 : i32
        %dma_start3A_455 = tpu.memref_slice %arg10[%dma_start3A_452, %dma_start3A_453, %dma_start3A_454] : memref<4x200x64xf32, #tpu.memory_space<vmem>> -> memref<1x100x64xf32, #tpu.memory_space<vmem>>
        %dma_start3A_456 = tpu.memref_squeeze %dma_start3A_455 : memref<1x100x64xf32, #tpu.memory_space<vmem>> -> memref<100x64xf32, #tpu.memory_space<vmem>>
        %dma_start3A_457 = arith.constant 0 : i32
        %dma_start3A_458 = tpu.memref_slice %arg8[%dma_start3A_451, %dma_start3A_457] : memref<8x100xi32, #tpu.memory_space<vmem>> -> memref<1x100xi32, #tpu.memory_space<vmem>>
        %dma_start3A_459 = tpu.memref_squeeze %dma_start3A_458 : memref<1x100xi32, #tpu.memory_space<vmem>> -> memref<100xi32, #tpu.memory_space<vmem>>
        %dma_start3A_460 = arith.constant 0 : i32
        %dma_start3A_461 = arith.constant 0 : i32
        %dma_start3A_462 = tpu.memref_slice %arg2[%dma_start3A_460, %dma_start3A_461] : memref<100000x64xf32, #tpu.memory_space<hbm>> -> memref<100000x64xf32, #tpu.memory_space<hbm>>
        tpu.enqueue_indirect_dma source(%dma_start3A_462 : memref<100000x64xf32, #tpu.memory_space<hbm>>) target(%dma_start3A_456 : memref<100x64xf32, #tpu.memory_space<vmem>>) offsets(%dma_start3A_459 : memref<100xi32, #tpu.memory_space<vmem>>) semaphore(%arg14 : memref<!tpu.dma_semaphore, #tpu.memory_space<semaphore_mem>>)
        %dma_start3A_463 = arith.constant 4 : i32
        %dma_start3A_464 = arith.constant 2 : i32
        %dma_start3A_465 = arith.constant 0 : i32
        %dma_start3A_466 = arith.constant 0 : i32
        %dma_start3A_467 = tpu.memref_slice %arg10[%dma_start3A_464, %dma_start3A_465, %dma_start3A_466] : memref<4x200x64xf32, #tpu.memory_space<vmem>> -> memref<1x100x64xf32, #tpu.memory_space<vmem>>
        %dma_start3A_468 = tpu.memref_squeeze %dma_start3A_467 : memref<1x100x64xf32, #tpu.memory_space<vmem>> -> memref<100x64xf32, #tpu.memory_space<vmem>>
        %dma_start3A_469 = arith.constant 0 : i32
        %dma_start3A_470 = tpu.memref_slice %arg8[%dma_start3A_463, %dma_start3A_469] : memref<8x100xi32, #tpu.memory_space<vmem>> -> memref<1x100xi32, #tpu.memory_space<vmem>>
        %dma_start3A_471 = tpu.memref_squeeze %dma_start3A_470 : memref<1x100xi32, #tpu.memory_space<vmem>> -> memref<100xi32, #tpu.memory_space<vmem>>
        %dma_start3A_472 = arith.constant 0 : i32
        %dma_start3A_473 = arith.constant 0 : i32
        %dma_start3A_474 = tpu.memref_slice %arg2[%dma_start3A_472, %dma_start3A_473] : memref<100000x64xf32, #tpu.memory_space<hbm>> -> memref<100000x64xf32, #tpu.memory_space<hbm>>
        tpu.enqueue_indirect_dma source(%dma_start3A_474 : memref<100000x64xf32, #tpu.memory_space<hbm>>) target(%dma_start3A_468 : memref<100x64xf32, #tpu.memory_space<vmem>>) offsets(%dma_start3A_471 : memref<100xi32, #tpu.memory_space<vmem>>) semaphore(%arg14 : memref<!tpu.dma_semaphore, #tpu.memory_space<semaphore_mem>>)
        %dma_start3A_475 = arith.constant 5 : i32
        %dma_start3A_476 = arith.constant 2 : i32
        %dma_start3A_477 = arith.constant 100 : i32
        %dma_start3A_478 = arith.constant 0 : i32
        %dma_start3A_479 = tpu.memref_slice %arg10[%dma_start3A_476, %dma_start3A_477, %dma_start3A_478] : memref<4x200x64xf32, #tpu.memory_space<vmem>> -> memref<1x100x64xf32, #tpu.memory_space<vmem>>
        %dma_start3A_480 = tpu.memref_squeeze %dma_start3A_479 : memref<1x100x64xf32, #tpu.memory_space<vmem>> -> memref<100x64xf32, #tpu.memory_space<vmem>>
        %dma_start3A_481 = arith.constant 0 : i32
        %dma_start3A_482 = tpu.memref_slice %arg8[%dma_start3A_475, %dma_start3A_481] : memref<8x100xi32, #tpu.memory_space<vmem>> -> memref<1x100xi32, #tpu.memory_space<vmem>>
        %dma_start3A_483 = tpu.memref_squeeze %dma_start3A_482 : memref<1x100xi32, #tpu.memory_space<vmem>> -> memref<100xi32, #tpu.memory_space<vmem>>
        %dma_start3A_484 = arith.constant 0 : i32
        %dma_start3A_485 = arith.constant 0 : i32
        %dma_start3A_486 = tpu.memref_slice %arg2[%dma_start3A_484, %dma_start3A_485] : memref<100000x64xf32, #tpu.memory_space<hbm>> -> memref<100000x64xf32, #tpu.memory_space<hbm>>
        tpu.enqueue_indirect_dma source(%dma_start3A_486 : memref<100000x64xf32, #tpu.memory_space<hbm>>) target(%dma_start3A_480 : memref<100x64xf32, #tpu.memory_space<vmem>>) offsets(%dma_start3A_483 : memref<100xi32, #tpu.memory_space<vmem>>) semaphore(%arg14 : memref<!tpu.dma_semaphore, #tpu.memory_space<semaphore_mem>>)
        %dma_start3A_487 = arith.constant 6 : i32
        %dma_start3A_488 = arith.constant 3 : i32
        %dma_start3A_489 = arith.constant 0 : i32
        %dma_start3A_490 = arith.constant 0 : i32
        %dma_start3A_491 = tpu.memref_slice %arg10[%dma_start3A_488, %dma_start3A_489, %dma_start3A_490] : memref<4x200x64xf32, #tpu.memory_space<vmem>> -> memref<1x100x64xf32, #tpu.memory_space<vmem>>
        %dma_start3A_492 = tpu.memref_squeeze %dma_start3A_491 : memref<1x100x64xf32, #tpu.memory_space<vmem>> -> memref<100x64xf32, #tpu.memory_space<vmem>>
        %dma_start3A_493 = arith.constant 0 : i32
        %dma_start3A_494 = tpu.memref_slice %arg8[%dma_start3A_487, %dma_start3A_493] : memref<8x100xi32, #tpu.memory_space<vmem>> -> memref<1x100xi32, #tpu.memory_space<vmem>>
        %dma_start3A_495 = tpu.memref_squeeze %dma_start3A_494 : memref<1x100xi32, #tpu.memory_space<vmem>> -> memref<100xi32, #tpu.memory_space<vmem>>
        %dma_start3A_496 = arith.constant 0 : i32
        %dma_start3A_497 = arith.constant 0 : i32
        %dma_start3A_498 = tpu.memref_slice %arg2[%dma_start3A_496, %dma_start3A_497] : memref<100000x64xf32, #tpu.memory_space<hbm>> -> memref<100000x64xf32, #tpu.memory_space<hbm>>
        tpu.enqueue_indirect_dma source(%dma_start3A_498 : memref<100000x64xf32, #tpu.memory_space<hbm>>) target(%dma_start3A_492 : memref<100x64xf32, #tpu.memory_space<vmem>>) offsets(%dma_start3A_495 : memref<100xi32, #tpu.memory_space<vmem>>) semaphore(%arg14 : memref<!tpu.dma_semaphore, #tpu.memory_space<semaphore_mem>>)
        %dma_start3A_499 = arith.constant 7 : i32
        %dma_start3A_500 = arith.constant 3 : i32
        %dma_start3A_501 = arith.constant 100 : i32
        %dma_start3A_502 = arith.constant 0 : i32
        %dma_start3A_503 = tpu.memref_slice %arg10[%dma_start3A_500, %dma_start3A_501, %dma_start3A_502] : memref<4x200x64xf32, #tpu.memory_space<vmem>> -> memref<1x100x64xf32, #tpu.memory_space<vmem>>
        %dma_start3A_504 = tpu.memref_squeeze %dma_start3A_503 : memref<1x100x64xf32, #tpu.memory_space<vmem>> -> memref<100x64xf32, #tpu.memory_space<vmem>>
        %dma_start3A_505 = arith.constant 0 : i32
        %dma_start3A_506 = tpu.memref_slice %arg8[%dma_start3A_499, %dma_start3A_505] : memref<8x100xi32, #tpu.memory_space<vmem>> -> memref<1x100xi32, #tpu.memory_space<vmem>>
        %dma_start3A_507 = tpu.memref_squeeze %dma_start3A_506 : memref<1x100xi32, #tpu.memory_space<vmem>> -> memref<100xi32, #tpu.memory_space<vmem>>
        %dma_start3A_508 = arith.constant 0 : i32
        %dma_start3A_509 = arith.constant 0 : i32
        %dma_start3A_510 = tpu.memref_slice %arg2[%dma_start3A_508, %dma_start3A_509] : memref<100000x64xf32, #tpu.memory_space<hbm>> -> memref<100000x64xf32, #tpu.memory_space<hbm>>
        tpu.enqueue_indirect_dma source(%dma_start3A_510 : memref<100000x64xf32, #tpu.memory_space<hbm>>) target(%dma_start3A_504 : memref<100x64xf32, #tpu.memory_space<vmem>>) offsets(%dma_start3A_507 : memref<100xi32, #tpu.memory_space<vmem>>) semaphore(%arg14 : memref<!tpu.dma_semaphore, #tpu.memory_space<semaphore_mem>>)
      } else {
      }
      %scan3A_254 = arith.constant 0 : i32
      %scan3A_255 = arith.constant 0 : i32
      %scan3A_256 = arith.constant 200 : i32
      %scan3A_257 = arith.addi %scan3A_255, %scan3A_256 : i32
      %scan3A_258 = arith.constant 4 : i32
      scf.for %scan3A_400 = %scan3A_255 to %scan3A_257 step %scan3A_258  : i32 {
        %get3A = arith.index_cast %scan3A_400 : i32 to index
        %get3A_401 = arith.constant 0 : index
        %get3A_402 = tpu.vector_load %arg6[%get3A, %get3A_401] {strides = array<i32>} : memref<200x64xf32, #tpu.memory_space<vmem>>, vector<1x16xf32>,
        %get3A_403 = vector.shape_cast %get3A_402 : vector<1x16xf32> to vector<16xf32>
        %get3A_404 = arith.index_cast %scan3A_400 : i32 to index
        %get3A_405 = arith.constant 16 : index
        %get3A_406 = tpu.vector_load %arg6[%get3A_404, %get3A_405] {strides = array<i32>} : memref<200x64xf32, #tpu.memory_space<vmem>>, vector<1x16xf32>,
        %get3A_407 = vector.shape_cast %get3A_406 : vector<1x16xf32> to vector<16xf32>
        %get3A_408 = arith.index_cast %scan3A_400 : i32 to index
        %get3A_409 = arith.constant 32 : index
        %get3A_410 = tpu.vector_load %arg6[%get3A_408, %get3A_409] {strides = array<i32>} : memref<200x64xf32, #tpu.memory_space<vmem>>, vector<1x16xf32>,
        %get3A_411 = vector.shape_cast %get3A_410 : vector<1x16xf32> to vector<16xf32>
        %get3A_412 = arith.index_cast %scan3A_400 : i32 to index
        %get3A_413 = arith.constant 48 : index
        %get3A_414 = tpu.vector_load %arg6[%get3A_412, %get3A_413] {strides = array<i32>} : memref<200x64xf32, #tpu.memory_space<vmem>>, vector<1x16xf32>,
        %get3A_415 = vector.shape_cast %get3A_414 : vector<1x16xf32> to vector<16xf32>
        %swap3A = arith.constant 0 : i32
        %swap3A_416 = arith.index_cast %swap3A : i32 to index
        %swap3A_417 = arith.index_cast %scan3A_400 : i32 to index
        %swap3A_418 = arith.constant 0 : index
        %swap3A_419 = tpu.vector_load %arg9[%swap3A_416, %swap3A_417, %swap3A_418] {strides = array<i32>} : memref<4x200x64xf32, #tpu.memory_space<vmem>>, vector<1x1x16xf32>,
        %swap3A_420 = vector.shape_cast %swap3A_419 : vector<1x1x16xf32> to vector<16xf32>
        %swap3A_421 = vector.shape_cast %get3A_403 : vector<16xf32> to vector<1x1x16xf32>
        tpu.vector_store %arg9[%swap3A_416, %swap3A_417, %swap3A_418], %swap3A_421 {add = true, strides = array<i32>} : memref<4x200x64xf32, #tpu.memory_space<vmem>>, vector<1x1x16xf32>,
        %swap3A_422 = arith.constant 0 : i32
        %swap3A_423 = arith.index_cast %swap3A_422 : i32 to index
        %swap3A_424 = arith.index_cast %scan3A_400 : i32 to index
        %swap3A_425 = arith.constant 16 : index
        %swap3A_426 = tpu.vector_load %arg9[%swap3A_423, %swap3A_424, %swap3A_425] {strides = array<i32>} : memref<4x200x64xf32, #tpu.memory_space<vmem>>, vector<1x1x16xf32>,
        %swap3A_427 = vector.shape_cast %swap3A_426 : vector<1x1x16xf32> to vector<16xf32>
        %swap3A_428 = vector.shape_cast %get3A_407 : vector<16xf32> to vector<1x1x16xf32>
        tpu.vector_store %arg9[%swap3A_423, %swap3A_424, %swap3A_425], %swap3A_428 {add = true, strides = array<i32>} : memref<4x200x64xf32, #tpu.memory_space<vmem>>, vector<1x1x16xf32>,
        %swap3A_429 = arith.constant 0 : i32
        %swap3A_430 = arith.index_cast %swap3A_429 : i32 to index
        %swap3A_431 = arith.index_cast %scan3A_400 : i32 to index
        %swap3A_432 = arith.constant 32 : index
        %swap3A_433 = tpu.vector_load %arg9[%swap3A_430, %swap3A_431, %swap3A_432] {strides = array<i32>} : memref<4x200x64xf32, #tpu.memory_space<vmem>>, vector<1x1x16xf32>,
        %swap3A_434 = vector.shape_cast %swap3A_433 : vector<1x1x16xf32> to vector<16xf32>
        %swap3A_435 = vector.shape_cast %get3A_411 : vector<16xf32> to vector<1x1x16xf32>
        tpu.vector_store %arg9[%swap3A_430, %swap3A_431, %swap3A_432], %swap3A_435 {add = true, strides = array<i32>} : memref<4x200x64xf32, #tpu.memory_space<vmem>>, vector<1x1x16xf32>,
        %swap3A_436 = arith.constant 0 : i32
        %swap3A_437 = arith.index_cast %swap3A_436 : i32 to index
        %swap3A_438 = arith.index_cast %scan3A_400 : i32 to index
        %swap3A_439 = arith.constant 48 : index
        %swap3A_440 = tpu.vector_load %arg9[%swap3A_437, %swap3A_438, %swap3A_439] {strides = array<i32>} : memref<4x200x64xf32, #tpu.memory_space<vmem>>, vector<1x1x16xf32>,
        %swap3A_441 = vector.shape_cast %swap3A_440 : vector<1x1x16xf32> to vector<16xf32>
        %swap3A_442 = vector.shape_cast %get3A_415 : vector<16xf32> to vector<1x1x16xf32>
        tpu.vector_store %arg9[%swap3A_437, %swap3A_438, %swap3A_439], %swap3A_442 {add = true, strides = array<i32>} : memref<4x200x64xf32, #tpu.memory_space<vmem>>, vector<1x1x16xf32>,
        %swap3A_443 = arith.constant 1 : i32
        %swap3A_444 = arith.index_cast %swap3A_443 : i32 to index
        %swap3A_445 = arith.index_cast %scan3A_400 : i32 to index
        %swap3A_446 = arith.constant 0 : index
        %swap3A_447 = tpu.vector_load %arg9[%swap3A_444, %swap3A_445, %swap3A_446] {strides = array<i32>} : memref<4x200x64xf32, #tpu.memory_space<vmem>>, vector<1x1x16xf32>,
        %swap3A_448 = vector.shape_cast %swap3A_447 : vector<1x1x16xf32> to vector<16xf32>
        %swap3A_449 = vector.shape_cast %get3A_403 : vector<16xf32> to vector<1x1x16xf32>
        tpu.vector_store %arg9[%swap3A_444, %swap3A_445, %swap3A_446], %swap3A_449 {add = true, strides = array<i32>} : memref<4x200x64xf32, #tpu.memory_space<vmem>>, vector<1x1x16xf32>,
        %swap3A_450 = arith.constant 1 : i32
        %swap3A_451 = arith.index_cast %swap3A_450 : i32 to index
        %swap3A_452 = arith.index_cast %scan3A_400 : i32 to index
        %swap3A_453 = arith.constant 16 : index
        %swap3A_454 = tpu.vector_load %arg9[%swap3A_451, %swap3A_452, %swap3A_453] {strides = array<i32>} : memref<4x200x64xf32, #tpu.memory_space<vmem>>, vector<1x1x16xf32>,
        %swap3A_455 = vector.shape_cast %swap3A_454 : vector<1x1x16xf32> to vector<16xf32>
        %swap3A_456 = vector.shape_cast %get3A_407 : vector<16xf32> to vector<1x1x16xf32>
        tpu.vector_store %arg9[%swap3A_451, %swap3A_452, %swap3A_453], %swap3A_456 {add = true, strides = array<i32>} : memref<4x200x64xf32, #tpu.memory_space<vmem>>, vector<1x1x16xf32>,
        %swap3A_457 = arith.constant 1 : i32
        %swap3A_458 = arith.index_cast %swap3A_457 : i32 to index
        %swap3A_459 = arith.index_cast %scan3A_400 : i32 to index
        %swap3A_460 = arith.constant 32 : index
        %swap3A_461 = tpu.vector_load %arg9[%swap3A_458, %swap3A_459, %swap3A_460] {strides = array<i32>} : memref<4x200x64xf32, #tpu.memory_space<vmem>>, vector<1x1x16xf32>,
        %swap3A_462 = vector.shape_cast %swap3A_461 : vector<1x1x16xf32> to vector<16xf32>
        %swap3A_463 = vector.shape_cast %get3A_411 : vector<16xf32> to vector<1x1x16xf32>
        tpu.vector_store %arg9[%swap3A_458, %swap3A_459, %swap3A_460], %swap3A_463 {add = true, strides = array<i32>} : memref<4x200x64xf32, #tpu.memory_space<vmem>>, vector<1x1x16xf32>,
        %swap3A_464 = arith.constant 1 : i32
        %swap3A_465 = arith.index_cast %swap3A_464 : i32 to index
        %swap3A_466 = arith.index_cast %scan3A_400 : i32 to index
        %swap3A_467 = arith.constant 48 : index
        %swap3A_468 = tpu.vector_load %arg9[%swap3A_465, %swap3A_466, %swap3A_467] {strides = array<i32>} : memref<4x200x64xf32, #tpu.memory_space<vmem>>, vector<1x1x16xf32>,
        %swap3A_469 = vector.shape_cast %swap3A_468 : vector<1x1x16xf32> to vector<16xf32>
        %swap3A_470 = vector.shape_cast %get3A_415 : vector<16xf32> to vector<1x1x16xf32>
        tpu.vector_store %arg9[%swap3A_465, %swap3A_466, %swap3A_467], %swap3A_470 {add = true, strides = array<i32>} : memref<4x200x64xf32, #tpu.memory_space<vmem>>, vector<1x1x16xf32>,
        %swap3A_471 = arith.constant 2 : i32
        %swap3A_472 = arith.index_cast %swap3A_471 : i32 to index
        %swap3A_473 = arith.index_cast %scan3A_400 : i32 to index
        %swap3A_474 = arith.constant 0 : index
        %swap3A_475 = tpu.vector_load %arg9[%swap3A_472, %swap3A_473, %swap3A_474] {strides = array<i32>} : memref<4x200x64xf32, #tpu.memory_space<vmem>>, vector<1x1x16xf32>,
        %swap3A_476 = vector.shape_cast %swap3A_475 : vector<1x1x16xf32> to vector<16xf32>
        %swap3A_477 = vector.shape_cast %get3A_403 : vector<16xf32> to vector<1x1x16xf32>
        tpu.vector_store %arg9[%swap3A_472, %swap3A_473, %swap3A_474], %swap3A_477 {add = true, strides = array<i32>} : memref<4x200x64xf32, #tpu.memory_space<vmem>>, vector<1x1x16xf32>,
        %swap3A_478 = arith.constant 2 : i32
        %swap3A_479 = arith.index_cast %swap3A_478 : i32 to index
        %swap3A_480 = arith.index_cast %scan3A_400 : i32 to index
        %swap3A_481 = arith.constant 16 : index
        %swap3A_482 = tpu.vector_load %arg9[%swap3A_479, %swap3A_480, %swap3A_481] {strides = array<i32>} : memref<4x200x64xf32, #tpu.memory_space<vmem>>, vector<1x1x16xf32>,
        %swap3A_483 = vector.shape_cast %swap3A_482 : vector<1x1x16xf32> to vector<16xf32>
        %swap3A_484 = vector.shape_cast %get3A_407 : vector<16xf32> to vector<1x1x16xf32>
        tpu.vector_store %arg9[%swap3A_479, %swap3A_480, %swap3A_481], %swap3A_484 {add = true, strides = array<i32>} : memref<4x200x64xf32, #tpu.memory_space<vmem>>, vector<1x1x16xf32>,
        %swap3A_485 = arith.constant 2 : i32
        %swap3A_486 = arith.index_cast %swap3A_485 : i32 to index
        %swap3A_487 = arith.index_cast %scan3A_400 : i32 to index
        %swap3A_488 = arith.constant 32 : index
        %swap3A_489 = tpu.vector_load %arg9[%swap3A_486, %swap3A_487, %swap3A_488] {strides = array<i32>} : memref<4x200x64xf32, #tpu.memory_space<vmem>>, vector<1x1x16xf32>,
        %swap3A_490 = vector.shape_cast %swap3A_489 : vector<1x1x16xf32> to vector<16xf32>
        %swap3A_491 = vector.shape_cast %get3A_411 : vector<16xf32> to vector<1x1x16xf32>
        tpu.vector_store %arg9[%swap3A_486, %swap3A_487, %swap3A_488], %swap3A_491 {add = true, strides = array<i32>} : memref<4x200x64xf32, #tpu.memory_space<vmem>>, vector<1x1x16xf32>,
        %swap3A_492 = arith.constant 2 : i32
        %swap3A_493 = arith.index_cast %swap3A_492 : i32 to index
        %swap3A_494 = arith.index_cast %scan3A_400 : i32 to index
        %swap3A_495 = arith.constant 48 : index
        %swap3A_496 = tpu.vector_load %arg9[%swap3A_493, %swap3A_494, %swap3A_495] {strides = array<i32>} : memref<4x200x64xf32, #tpu.memory_space<vmem>>, vector<1x1x16xf32>,
        %swap3A_497 = vector.shape_cast %swap3A_496 : vector<1x1x16xf32> to vector<16xf32>
        %swap3A_498 = vector.shape_cast %get3A_415 : vector<16xf32> to vector<1x1x16xf32>
        tpu.vector_store %arg9[%swap3A_493, %swap3A_494, %swap3A_495], %swap3A_498 {add = true, strides = array<i32>} : memref<4x200x64xf32, #tpu.memory_space<vmem>>, vector<1x1x16xf32>,
        %swap3A_499 = arith.constant 3 : i32
        %swap3A_500 = arith.index_cast %swap3A_499 : i32 to index
        %swap3A_501 = arith.index_cast %scan3A_400 : i32 to index
        %swap3A_502 = arith.constant 0 : index
        %swap3A_503 = tpu.vector_load %arg9[%swap3A_500, %swap3A_501, %swap3A_502] {strides = array<i32>} : memref<4x200x64xf32, #tpu.memory_space<vmem>>, vector<1x1x16xf32>,
        %swap3A_504 = vector.shape_cast %swap3A_503 : vector<1x1x16xf32> to vector<16xf32>
        %swap3A_505 = vector.shape_cast %get3A_403 : vector<16xf32> to vector<1x1x16xf32>
        tpu.vector_store %arg9[%swap3A_500, %swap3A_501, %swap3A_502], %swap3A_505 {add = true, strides = array<i32>} : memref<4x200x64xf32, #tpu.memory_space<vmem>>, vector<1x1x16xf32>,
        %swap3A_506 = arith.constant 3 : i32
        %swap3A_507 = arith.index_cast %swap3A_506 : i32 to index
        %swap3A_508 = arith.index_cast %scan3A_400 : i32 to index
        %swap3A_509 = arith.constant 16 : index
        %swap3A_510 = tpu.vector_load %arg9[%swap3A_507, %swap3A_508, %swap3A_509] {strides = array<i32>} : memref<4x200x64xf32, #tpu.memory_space<vmem>>, vector<1x1x16xf32>,
        %swap3A_511 = vector.shape_cast %swap3A_510 : vector<1x1x16xf32> to vector<16xf32>
        %swap3A_512 = vector.shape_cast %get3A_407 : vector<16xf32> to vector<1x1x16xf32>
        tpu.vector_store %arg9[%swap3A_507, %swap3A_508, %swap3A_509], %swap3A_512 {add = true, strides = array<i32>} : memref<4x200x64xf32, #tpu.memory_space<vmem>>, vector<1x1x16xf32>,
        %swap3A_513 = arith.constant 3 : i32
        %swap3A_514 = arith.index_cast %swap3A_513 : i32 to index
        %swap3A_515 = arith.index_cast %scan3A_400 : i32 to index
        %swap3A_516 = arith.constant 32 : index
        %swap3A_517 = tpu.vector_load %arg9[%swap3A_514, %swap3A_515, %swap3A_516] {strides = array<i32>} : memref<4x200x64xf32, #tpu.memory_space<vmem>>, vector<1x1x16xf32>,
        %swap3A_518 = vector.shape_cast %swap3A_517 : vector<1x1x16xf32> to vector<16xf32>
        %swap3A_519 = vector.shape_cast %get3A_411 : vector<16xf32> to vector<1x1x16xf32>
        tpu.vector_store %arg9[%swap3A_514, %swap3A_515, %swap3A_516], %swap3A_519 {add = true, strides = array<i32>} : memref<4x200x64xf32, #tpu.memory_space<vmem>>, vector<1x1x16xf32>,
        %swap3A_520 = arith.constant 3 : i32
        %swap3A_521 = arith.index_cast %swap3A_520 : i32 to index
        %swap3A_522 = arith.index_cast %scan3A_400 : i32 to index
        %swap3A_523 = arith.constant 48 : index
        %swap3A_524 = tpu.vector_load %arg9[%swap3A_521, %swap3A_522, %swap3A_523] {strides = array<i32>} : memref<4x200x64xf32, #tpu.memory_space<vmem>>, vector<1x1x16xf32>,
        %swap3A_525 = vector.shape_cast %swap3A_524 : vector<1x1x16xf32> to vector<16xf32>
        %swap3A_526 = vector.shape_cast %get3A_415 : vector<16xf32> to vector<1x1x16xf32>
        tpu.vector_store %arg9[%swap3A_521, %swap3A_522, %swap3A_523], %swap3A_526 {add = true, strides = array<i32>} : memref<4x200x64xf32, #tpu.memory_space<vmem>>, vector<1x1x16xf32>,
        %scan3A_527 = arith.constant 1 : i32
        %scan3A_528 = arith.addi %scan3A_400, %scan3A_527 : i32
        %get3A_529 = arith.index_cast %scan3A_528 : i32 to index
        %get3A_530 = arith.constant 0 : index
        %get3A_531 = tpu.vector_load %arg6[%get3A_529, %get3A_530] {strides = array<i32>} : memref<200x64xf32, #tpu.memory_space<vmem>>, vector<1x16xf32>,
        %get3A_532 = vector.shape_cast %get3A_531 : vector<1x16xf32> to vector<16xf32>
        %get3A_533 = arith.index_cast %scan3A_528 : i32 to index
        %get3A_534 = arith.constant 16 : index
        %get3A_535 = tpu.vector_load %arg6[%get3A_533, %get3A_534] {strides = array<i32>} : memref<200x64xf32, #tpu.memory_space<vmem>>, vector<1x16xf32>,
        %get3A_536 = vector.shape_cast %get3A_535 : vector<1x16xf32> to vector<16xf32>
        %get3A_537 = arith.index_cast %scan3A_528 : i32 to index
        %get3A_538 = arith.constant 32 : index
        %get3A_539 = tpu.vector_load %arg6[%get3A_537, %get3A_538] {strides = array<i32>} : memref<200x64xf32, #tpu.memory_space<vmem>>, vector<1x16xf32>,
        %get3A_540 = vector.shape_cast %get3A_539 : vector<1x16xf32> to vector<16xf32>
        %get3A_541 = arith.index_cast %scan3A_528 : i32 to index
        %get3A_542 = arith.constant 48 : index
        %get3A_543 = tpu.vector_load %arg6[%get3A_541, %get3A_542] {strides = array<i32>} : memref<200x64xf32, #tpu.memory_space<vmem>>, vector<1x16xf32>,
        %get3A_544 = vector.shape_cast %get3A_543 : vector<1x16xf32> to vector<16xf32>
        %swap3A_545 = arith.constant 0 : i32
        %swap3A_546 = arith.index_cast %swap3A_545 : i32 to index
        %swap3A_547 = arith.index_cast %scan3A_528 : i32 to index
        %swap3A_548 = arith.constant 0 : index
        %swap3A_549 = tpu.vector_load %arg9[%swap3A_546, %swap3A_547, %swap3A_548] {strides = array<i32>} : memref<4x200x64xf32, #tpu.memory_space<vmem>>, vector<1x1x16xf32>,
        %swap3A_550 = vector.shape_cast %swap3A_549 : vector<1x1x16xf32> to vector<16xf32>
        %swap3A_551 = vector.shape_cast %get3A_532 : vector<16xf32> to vector<1x1x16xf32>
        tpu.vector_store %arg9[%swap3A_546, %swap3A_547, %swap3A_548], %swap3A_551 {add = true, strides = array<i32>} : memref<4x200x64xf32, #tpu.memory_space<vmem>>, vector<1x1x16xf32>,
        %swap3A_552 = arith.constant 0 : i32
        %swap3A_553 = arith.index_cast %swap3A_552 : i32 to index
        %swap3A_554 = arith.index_cast %scan3A_528 : i32 to index
        %swap3A_555 = arith.constant 16 : index
        %swap3A_556 = tpu.vector_load %arg9[%swap3A_553, %swap3A_554, %swap3A_555] {strides = array<i32>} : memref<4x200x64xf32, #tpu.memory_space<vmem>>, vector<1x1x16xf32>,
        %swap3A_557 = vector.shape_cast %swap3A_556 : vector<1x1x16xf32> to vector<16xf32>
        %swap3A_558 = vector.shape_cast %get3A_536 : vector<16xf32> to vector<1x1x16xf32>
        tpu.vector_store %arg9[%swap3A_553, %swap3A_554, %swap3A_555], %swap3A_558 {add = true, strides = array<i32>} : memref<4x200x64xf32, #tpu.memory_space<vmem>>, vector<1x1x16xf32>,
        %swap3A_559 = arith.constant 0 : i32
        %swap3A_560 = arith.index_cast %swap3A_559 : i32 to index
        %swap3A_561 = arith.index_cast %scan3A_528 : i32 to index
        %swap3A_562 = arith.constant 32 : index
        %swap3A_563 = tpu.vector_load %arg9[%swap3A_560, %swap3A_561, %swap3A_562] {strides = array<i32>} : memref<4x200x64xf32, #tpu.memory_space<vmem>>, vector<1x1x16xf32>,
        %swap3A_564 = vector.shape_cast %swap3A_563 : vector<1x1x16xf32> to vector<16xf32>
        %swap3A_565 = vector.shape_cast %get3A_540 : vector<16xf32> to vector<1x1x16xf32>
        tpu.vector_store %arg9[%swap3A_560, %swap3A_561, %swap3A_562], %swap3A_565 {add = true, strides = array<i32>} : memref<4x200x64xf32, #tpu.memory_space<vmem>>, vector<1x1x16xf32>,
        %swap3A_566 = arith.constant 0 : i32
        %swap3A_567 = arith.index_cast %swap3A_566 : i32 to index
        %swap3A_568 = arith.index_cast %scan3A_528 : i32 to index
        %swap3A_569 = arith.constant 48 : index
        %swap3A_570 = tpu.vector_load %arg9[%swap3A_567, %swap3A_568, %swap3A_569] {strides = array<i32>} : memref<4x200x64xf32, #tpu.memory_space<vmem>>, vector<1x1x16xf32>,
        %swap3A_571 = vector.shape_cast %swap3A_570 : vector<1x1x16xf32> to vector<16xf32>
        %swap3A_572 = vector.shape_cast %get3A_544 : vector<16xf32> to vector<1x1x16xf32>
        tpu.vector_store %arg9[%swap3A_567, %swap3A_568, %swap3A_569], %swap3A_572 {add = true, strides = array<i32>} : memref<4x200x64xf32, #tpu.memory_space<vmem>>, vector<1x1x16xf32>,
        %swap3A_573 = arith.constant 1 : i32
        %swap3A_574 = arith.index_cast %swap3A_573 : i32 to index
        %swap3A_575 = arith.index_cast %scan3A_528 : i32 to index
        %swap3A_576 = arith.constant 0 : index
        %swap3A_577 = tpu.vector_load %arg9[%swap3A_574, %swap3A_575, %swap3A_576] {strides = array<i32>} : memref<4x200x64xf32, #tpu.memory_space<vmem>>, vector<1x1x16xf32>,
        %swap3A_578 = vector.shape_cast %swap3A_577 : vector<1x1x16xf32> to vector<16xf32>
        %swap3A_579 = vector.shape_cast %get3A_532 : vector<16xf32> to vector<1x1x16xf32>
        tpu.vector_store %arg9[%swap3A_574, %swap3A_575, %swap3A_576], %swap3A_579 {add = true, strides = array<i32>} : memref<4x200x64xf32, #tpu.memory_space<vmem>>, vector<1x1x16xf32>,
        %swap3A_580 = arith.constant 1 : i32
        %swap3A_581 = arith.index_cast %swap3A_580 : i32 to index
        %swap3A_582 = arith.index_cast %scan3A_528 : i32 to index
        %swap3A_583 = arith.constant 16 : index
        %swap3A_584 = tpu.vector_load %arg9[%swap3A_581, %swap3A_582, %swap3A_583] {strides = array<i32>} : memref<4x200x64xf32, #tpu.memory_space<vmem>>, vector<1x1x16xf32>,
        %swap3A_585 = vector.shape_cast %swap3A_584 : vector<1x1x16xf32> to vector<16xf32>
        %swap3A_586 = vector.shape_cast %get3A_536 : vector<16xf32> to vector<1x1x16xf32>
        tpu.vector_store %arg9[%swap3A_581, %swap3A_582, %swap3A_583], %swap3A_586 {add = true, strides = array<i32>} : memref<4x200x64xf32, #tpu.memory_space<vmem>>, vector<1x1x16xf32>,
        %swap3A_587 = arith.constant 1 : i32
        %swap3A_588 = arith.index_cast %swap3A_587 : i32 to index
        %swap3A_589 = arith.index_cast %scan3A_528 : i32 to index
        %swap3A_590 = arith.constant 32 : index
        %swap3A_591 = tpu.vector_load %arg9[%swap3A_588, %swap3A_589, %swap3A_590] {strides = array<i32>} : memref<4x200x64xf32, #tpu.memory_space<vmem>>, vector<1x1x16xf32>,
        %swap3A_592 = vector.shape_cast %swap3A_591 : vector<1x1x16xf32> to vector<16xf32>
        %swap3A_593 = vector.shape_cast %get3A_540 : vector<16xf32> to vector<1x1x16xf32>
        tpu.vector_store %arg9[%swap3A_588, %swap3A_589, %swap3A_590], %swap3A_593 {add = true, strides = array<i32>} : memref<4x200x64xf32, #tpu.memory_space<vmem>>, vector<1x1x16xf32>,
        %swap3A_594 = arith.constant 1 : i32
        %swap3A_595 = arith.index_cast %swap3A_594 : i32 to index
        %swap3A_596 = arith.index_cast %scan3A_528 : i32 to index
        %swap3A_597 = arith.constant 48 : index
        %swap3A_598 = tpu.vector_load %arg9[%swap3A_595, %swap3A_596, %swap3A_597] {strides = array<i32>} : memref<4x200x64xf32, #tpu.memory_space<vmem>>, vector<1x1x16xf32>,
        %swap3A_599 = vector.shape_cast %swap3A_598 : vector<1x1x16xf32> to vector<16xf32>
        %swap3A_600 = vector.shape_cast %get3A_544 : vector<16xf32> to vector<1x1x16xf32>
        tpu.vector_store %arg9[%swap3A_595, %swap3A_596, %swap3A_597], %swap3A_600 {add = true, strides = array<i32>} : memref<4x200x64xf32, #tpu.memory_space<vmem>>, vector<1x1x16xf32>,
        %swap3A_601 = arith.constant 2 : i32
        %swap3A_602 = arith.index_cast %swap3A_601 : i32 to index
        %swap3A_603 = arith.index_cast %scan3A_528 : i32 to index
        %swap3A_604 = arith.constant 0 : index
        %swap3A_605 = tpu.vector_load %arg9[%swap3A_602, %swap3A_603, %swap3A_604] {strides = array<i32>} : memref<4x200x64xf32, #tpu.memory_space<vmem>>, vector<1x1x16xf32>,
        %swap3A_606 = vector.shape_cast %swap3A_605 : vector<1x1x16xf32> to vector<16xf32>
        %swap3A_607 = vector.shape_cast %get3A_532 : vector<16xf32> to vector<1x1x16xf32>
        tpu.vector_store %arg9[%swap3A_602, %swap3A_603, %swap3A_604], %swap3A_607 {add = true, strides = array<i32>} : memref<4x200x64xf32, #tpu.memory_space<vmem>>, vector<1x1x16xf32>,
        %swap3A_608 = arith.constant 2 : i32
        %swap3A_609 = arith.index_cast %swap3A_608 : i32 to index
        %swap3A_610 = arith.index_cast %scan3A_528 : i32 to index
        %swap3A_611 = arith.constant 16 : index
        %swap3A_612 = tpu.vector_load %arg9[%swap3A_609, %swap3A_610, %swap3A_611] {strides = array<i32>} : memref<4x200x64xf32, #tpu.memory_space<vmem>>, vector<1x1x16xf32>,
        %swap3A_613 = vector.shape_cast %swap3A_612 : vector<1x1x16xf32> to vector<16xf32>
        %swap3A_614 = vector.shape_cast %get3A_536 : vector<16xf32> to vector<1x1x16xf32>
        tpu.vector_store %arg9[%swap3A_609, %swap3A_610, %swap3A_611], %swap3A_614 {add = true, strides = array<i32>} : memref<4x200x64xf32, #tpu.memory_space<vmem>>, vector<1x1x16xf32>,
        %swap3A_615 = arith.constant 2 : i32
        %swap3A_616 = arith.index_cast %swap3A_615 : i32 to index
        %swap3A_617 = arith.index_cast %scan3A_528 : i32 to index
        %swap3A_618 = arith.constant 32 : index
        %swap3A_619 = tpu.vector_load %arg9[%swap3A_616, %swap3A_617, %swap3A_618] {strides = array<i32>} : memref<4x200x64xf32, #tpu.memory_space<vmem>>, vector<1x1x16xf32>,
        %swap3A_620 = vector.shape_cast %swap3A_619 : vector<1x1x16xf32> to vector<16xf32>
        %swap3A_621 = vector.shape_cast %get3A_540 : vector<16xf32> to vector<1x1x16xf32>
        tpu.vector_store %arg9[%swap3A_616, %swap3A_617, %swap3A_618], %swap3A_621 {add = true, strides = array<i32>} : memref<4x200x64xf32, #tpu.memory_space<vmem>>, vector<1x1x16xf32>,
        %swap3A_622 = arith.constant 2 : i32
        %swap3A_623 = arith.index_cast %swap3A_622 : i32 to index
        %swap3A_624 = arith.index_cast %scan3A_528 : i32 to index
        %swap3A_625 = arith.constant 48 : index
        %swap3A_626 = tpu.vector_load %arg9[%swap3A_623, %swap3A_624, %swap3A_625] {strides = array<i32>} : memref<4x200x64xf32, #tpu.memory_space<vmem>>, vector<1x1x16xf32>,
        %swap3A_627 = vector.shape_cast %swap3A_626 : vector<1x1x16xf32> to vector<16xf32>
        %swap3A_628 = vector.shape_cast %get3A_544 : vector<16xf32> to vector<1x1x16xf32>
        tpu.vector_store %arg9[%swap3A_623, %swap3A_624, %swap3A_625], %swap3A_628 {add = true, strides = array<i32>} : memref<4x200x64xf32, #tpu.memory_space<vmem>>, vector<1x1x16xf32>,
        %swap3A_629 = arith.constant 3 : i32
        %swap3A_630 = arith.index_cast %swap3A_629 : i32 to index
        %swap3A_631 = arith.index_cast %scan3A_528 : i32 to index
        %swap3A_632 = arith.constant 0 : index
        %swap3A_633 = tpu.vector_load %arg9[%swap3A_630, %swap3A_631, %swap3A_632] {strides = array<i32>} : memref<4x200x64xf32, #tpu.memory_space<vmem>>, vector<1x1x16xf32>,
        %swap3A_634 = vector.shape_cast %swap3A_633 : vector<1x1x16xf32> to vector<16xf32>
        %swap3A_635 = vector.shape_cast %get3A_532 : vector<16xf32> to vector<1x1x16xf32>
        tpu.vector_store %arg9[%swap3A_630, %swap3A_631, %swap3A_632], %swap3A_635 {add = true, strides = array<i32>} : memref<4x200x64xf32, #tpu.memory_space<vmem>>, vector<1x1x16xf32>,
        %swap3A_636 = arith.constant 3 : i32
        %swap3A_637 = arith.index_cast %swap3A_636 : i32 to index
        %swap3A_638 = arith.index_cast %scan3A_528 : i32 to index
        %swap3A_639 = arith.constant 16 : index
        %swap3A_640 = tpu.vector_load %arg9[%swap3A_637, %swap3A_638, %swap3A_639] {strides = array<i32>} : memref<4x200x64xf32, #tpu.memory_space<vmem>>, vector<1x1x16xf32>,
        %swap3A_641 = vector.shape_cast %swap3A_640 : vector<1x1x16xf32> to vector<16xf32>
        %swap3A_642 = vector.shape_cast %get3A_536 : vector<16xf32> to vector<1x1x16xf32>
        tpu.vector_store %arg9[%swap3A_637, %swap3A_638, %swap3A_639], %swap3A_642 {add = true, strides = array<i32>} : memref<4x200x64xf32, #tpu.memory_space<vmem>>, vector<1x1x16xf32>,
        %swap3A_643 = arith.constant 3 : i32
        %swap3A_644 = arith.index_cast %swap3A_643 : i32 to index
        %swap3A_645 = arith.index_cast %scan3A_528 : i32 to index
        %swap3A_646 = arith.constant 32 : index
        %swap3A_647 = tpu.vector_load %arg9[%swap3A_644, %swap3A_645, %swap3A_646] {strides = array<i32>} : memref<4x200x64xf32, #tpu.memory_space<vmem>>, vector<1x1x16xf32>,
        %swap3A_648 = vector.shape_cast %swap3A_647 : vector<1x1x16xf32> to vector<16xf32>
        %swap3A_649 = vector.shape_cast %get3A_540 : vector<16xf32> to vector<1x1x16xf32>
        tpu.vector_store %arg9[%swap3A_644, %swap3A_645, %swap3A_646], %swap3A_649 {add = true, strides = array<i32>} : memref<4x200x64xf32, #tpu.memory_space<vmem>>, vector<1x1x16xf32>,
        %swap3A_650 = arith.constant 3 : i32
        %swap3A_651 = arith.index_cast %swap3A_650 : i32 to index
        %swap3A_652 = arith.index_cast %scan3A_528 : i32 to index
        %swap3A_653 = arith.constant 48 : index
        %swap3A_654 = tpu.vector_load %arg9[%swap3A_651, %swap3A_652, %swap3A_653] {strides = array<i32>} : memref<4x200x64xf32, #tpu.memory_space<vmem>>, vector<1x1x16xf32>,
        %swap3A_655 = vector.shape_cast %swap3A_654 : vector<1x1x16xf32> to vector<16xf32>
        %swap3A_656 = vector.shape_cast %get3A_544 : vector<16xf32> to vector<1x1x16xf32>
        tpu.vector_store %arg9[%swap3A_651, %swap3A_652, %swap3A_653], %swap3A_656 {add = true, strides = array<i32>} : memref<4x200x64xf32, #tpu.memory_space<vmem>>, vector<1x1x16xf32>,
        %scan3A_657 = arith.constant 2 : i32
        %scan3A_658 = arith.addi %scan3A_400, %scan3A_657 : i32
        %get3A_659 = arith.index_cast %scan3A_658 : i32 to index
        %get3A_660 = arith.constant 0 : index
        %get3A_661 = tpu.vector_load %arg6[%get3A_659, %get3A_660] {strides = array<i32>} : memref<200x64xf32, #tpu.memory_space<vmem>>, vector<1x16xf32>,
        %get3A_662 = vector.shape_cast %get3A_661 : vector<1x16xf32> to vector<16xf32>
        %get3A_663 = arith.index_cast %scan3A_658 : i32 to index
        %get3A_664 = arith.constant 16 : index
        %get3A_665 = tpu.vector_load %arg6[%get3A_663, %get3A_664] {strides = array<i32>} : memref<200x64xf32, #tpu.memory_space<vmem>>, vector<1x16xf32>,
        %get3A_666 = vector.shape_cast %get3A_665 : vector<1x16xf32> to vector<16xf32>
        %get3A_667 = arith.index_cast %scan3A_658 : i32 to index
        %get3A_668 = arith.constant 32 : index
        %get3A_669 = tpu.vector_load %arg6[%get3A_667, %get3A_668] {strides = array<i32>} : memref<200x64xf32, #tpu.memory_space<vmem>>, vector<1x16xf32>,
        %get3A_670 = vector.shape_cast %get3A_669 : vector<1x16xf32> to vector<16xf32>
        %get3A_671 = arith.index_cast %scan3A_658 : i32 to index
        %get3A_672 = arith.constant 48 : index
        %get3A_673 = tpu.vector_load %arg6[%get3A_671, %get3A_672] {strides = array<i32>} : memref<200x64xf32, #tpu.memory_space<vmem>>, vector<1x16xf32>,
        %get3A_674 = vector.shape_cast %get3A_673 : vector<1x16xf32> to vector<16xf32>
        %swap3A_675 = arith.constant 0 : i32
        %swap3A_676 = arith.index_cast %swap3A_675 : i32 to index
        %swap3A_677 = arith.index_cast %scan3A_658 : i32 to index
        %swap3A_678 = arith.constant 0 : index
        %swap3A_679 = tpu.vector_load %arg9[%swap3A_676, %swap3A_677, %swap3A_678] {strides = array<i32>} : memref<4x200x64xf32, #tpu.memory_space<vmem>>, vector<1x1x16xf32>,
        %swap3A_680 = vector.shape_cast %swap3A_679 : vector<1x1x16xf32> to vector<16xf32>
        %swap3A_681 = vector.shape_cast %get3A_662 : vector<16xf32> to vector<1x1x16xf32>
        tpu.vector_store %arg9[%swap3A_676, %swap3A_677, %swap3A_678], %swap3A_681 {add = true, strides = array<i32>} : memref<4x200x64xf32, #tpu.memory_space<vmem>>, vector<1x1x16xf32>,
        %swap3A_682 = arith.constant 0 : i32
        %swap3A_683 = arith.index_cast %swap3A_682 : i32 to index
        %swap3A_684 = arith.index_cast %scan3A_658 : i32 to index
        %swap3A_685 = arith.constant 16 : index
        %swap3A_686 = tpu.vector_load %arg9[%swap3A_683, %swap3A_684, %swap3A_685] {strides = array<i32>} : memref<4x200x64xf32, #tpu.memory_space<vmem>>, vector<1x1x16xf32>,
        %swap3A_687 = vector.shape_cast %swap3A_686 : vector<1x1x16xf32> to vector<16xf32>
        %swap3A_688 = vector.shape_cast %get3A_666 : vector<16xf32> to vector<1x1x16xf32>
        tpu.vector_store %arg9[%swap3A_683, %swap3A_684, %swap3A_685], %swap3A_688 {add = true, strides = array<i32>} : memref<4x200x64xf32, #tpu.memory_space<vmem>>, vector<1x1x16xf32>,
        %swap3A_689 = arith.constant 0 : i32
        %swap3A_690 = arith.index_cast %swap3A_689 : i32 to index
        %swap3A_691 = arith.index_cast %scan3A_658 : i32 to index
        %swap3A_692 = arith.constant 32 : index
        %swap3A_693 = tpu.vector_load %arg9[%swap3A_690, %swap3A_691, %swap3A_692] {strides = array<i32>} : memref<4x200x64xf32, #tpu.memory_space<vmem>>, vector<1x1x16xf32>,
        %swap3A_694 = vector.shape_cast %swap3A_693 : vector<1x1x16xf32> to vector<16xf32>
        %swap3A_695 = vector.shape_cast %get3A_670 : vector<16xf32> to vector<1x1x16xf32>
        tpu.vector_store %arg9[%swap3A_690, %swap3A_691, %swap3A_692], %swap3A_695 {add = true, strides = array<i32>} : memref<4x200x64xf32, #tpu.memory_space<vmem>>, vector<1x1x16xf32>,
        %swap3A_696 = arith.constant 0 : i32
        %swap3A_697 = arith.index_cast %swap3A_696 : i32 to index
        %swap3A_698 = arith.index_cast %scan3A_658 : i32 to index
        %swap3A_699 = arith.constant 48 : index
        %swap3A_700 = tpu.vector_load %arg9[%swap3A_697, %swap3A_698, %swap3A_699] {strides = array<i32>} : memref<4x200x64xf32, #tpu.memory_space<vmem>>, vector<1x1x16xf32>,
        %swap3A_701 = vector.shape_cast %swap3A_700 : vector<1x1x16xf32> to vector<16xf32>
        %swap3A_702 = vector.shape_cast %get3A_674 : vector<16xf32> to vector<1x1x16xf32>
        tpu.vector_store %arg9[%swap3A_697, %swap3A_698, %swap3A_699], %swap3A_702 {add = true, strides = array<i32>} : memref<4x200x64xf32, #tpu.memory_space<vmem>>, vector<1x1x16xf32>,
        %swap3A_703 = arith.constant 1 : i32
        %swap3A_704 = arith.index_cast %swap3A_703 : i32 to index
        %swap3A_705 = arith.index_cast %scan3A_658 : i32 to index
        %swap3A_706 = arith.constant 0 : index
        %swap3A_707 = tpu.vector_load %arg9[%swap3A_704, %swap3A_705, %swap3A_706] {strides = array<i32>} : memref<4x200x64xf32, #tpu.memory_space<vmem>>, vector<1x1x16xf32>,
        %swap3A_708 = vector.shape_cast %swap3A_707 : vector<1x1x16xf32> to vector<16xf32>
        %swap3A_709 = vector.shape_cast %get3A_662 : vector<16xf32> to vector<1x1x16xf32>
        tpu.vector_store %arg9[%swap3A_704, %swap3A_705, %swap3A_706], %swap3A_709 {add = true, strides = array<i32>} : memref<4x200x64xf32, #tpu.memory_space<vmem>>, vector<1x1x16xf32>,
        %swap3A_710 = arith.constant 1 : i32
        %swap3A_711 = arith.index_cast %swap3A_710 : i32 to index
        %swap3A_712 = arith.index_cast %scan3A_658 : i32 to index
        %swap3A_713 = arith.constant 16 : index
        %swap3A_714 = tpu.vector_load %arg9[%swap3A_711, %swap3A_712, %swap3A_713] {strides = array<i32>} : memref<4x200x64xf32, #tpu.memory_space<vmem>>, vector<1x1x16xf32>,
        %swap3A_715 = vector.shape_cast %swap3A_714 : vector<1x1x16xf32> to vector<16xf32>
        %swap3A_716 = vector.shape_cast %get3A_666 : vector<16xf32> to vector<1x1x16xf32>
        tpu.vector_store %arg9[%swap3A_711, %swap3A_712, %swap3A_713], %swap3A_716 {add = true, strides = array<i32>} : memref<4x200x64xf32, #tpu.memory_space<vmem>>, vector<1x1x16xf32>,
        %swap3A_717 = arith.constant 1 : i32
        %swap3A_718 = arith.index_cast %swap3A_717 : i32 to index
        %swap3A_719 = arith.index_cast %scan3A_658 : i32 to index
        %swap3A_720 = arith.constant 32 : index
        %swap3A_721 = tpu.vector_load %arg9[%swap3A_718, %swap3A_719, %swap3A_720] {strides = array<i32>} : memref<4x200x64xf32, #tpu.memory_space<vmem>>, vector<1x1x16xf32>,
        %swap3A_722 = vector.shape_cast %swap3A_721 : vector<1x1x16xf32> to vector<16xf32>
        %swap3A_723 = vector.shape_cast %get3A_670 : vector<16xf32> to vector<1x1x16xf32>
        tpu.vector_store %arg9[%swap3A_718, %swap3A_719, %swap3A_720], %swap3A_723 {add = true, strides = array<i32>} : memref<4x200x64xf32, #tpu.memory_space<vmem>>, vector<1x1x16xf32>,
        %swap3A_724 = arith.constant 1 : i32
        %swap3A_725 = arith.index_cast %swap3A_724 : i32 to index
        %swap3A_726 = arith.index_cast %scan3A_658 : i32 to index
        %swap3A_727 = arith.constant 48 : index
        %swap3A_728 = tpu.vector_load %arg9[%swap3A_725, %swap3A_726, %swap3A_727] {strides = array<i32>} : memref<4x200x64xf32, #tpu.memory_space<vmem>>, vector<1x1x16xf32>,
        %swap3A_729 = vector.shape_cast %swap3A_728 : vector<1x1x16xf32> to vector<16xf32>
        %swap3A_730 = vector.shape_cast %get3A_674 : vector<16xf32> to vector<1x1x16xf32>
        tpu.vector_store %arg9[%swap3A_725, %swap3A_726, %swap3A_727], %swap3A_730 {add = true, strides = array<i32>} : memref<4x200x64xf32, #tpu.memory_space<vmem>>, vector<1x1x16xf32>,
        %swap3A_731 = arith.constant 2 : i32
        %swap3A_732 = arith.index_cast %swap3A_731 : i32 to index
        %swap3A_733 = arith.index_cast %scan3A_658 : i32 to index
        %swap3A_734 = arith.constant 0 : index
        %swap3A_735 = tpu.vector_load %arg9[%swap3A_732, %swap3A_733, %swap3A_734] {strides = array<i32>} : memref<4x200x64xf32, #tpu.memory_space<vmem>>, vector<1x1x16xf32>,
        %swap3A_736 = vector.shape_cast %swap3A_735 : vector<1x1x16xf32> to vector<16xf32>
        %swap3A_737 = vector.shape_cast %get3A_662 : vector<16xf32> to vector<1x1x16xf32>
        tpu.vector_store %arg9[%swap3A_732, %swap3A_733, %swap3A_734], %swap3A_737 {add = true, strides = array<i32>} : memref<4x200x64xf32, #tpu.memory_space<vmem>>, vector<1x1x16xf32>,
        %swap3A_738 = arith.constant 2 : i32
        %swap3A_739 = arith.index_cast %swap3A_738 : i32 to index
        %swap3A_740 = arith.index_cast %scan3A_658 : i32 to index
        %swap3A_741 = arith.constant 16 : index
        %swap3A_742 = tpu.vector_load %arg9[%swap3A_739, %swap3A_740, %swap3A_741] {strides = array<i32>} : memref<4x200x64xf32, #tpu.memory_space<vmem>>, vector<1x1x16xf32>,
        %swap3A_743 = vector.shape_cast %swap3A_742 : vector<1x1x16xf32> to vector<16xf32>
        %swap3A_744 = vector.shape_cast %get3A_666 : vector<16xf32> to vector<1x1x16xf32>
        tpu.vector_store %arg9[%swap3A_739, %swap3A_740, %swap3A_741], %swap3A_744 {add = true, strides = array<i32>} : memref<4x200x64xf32, #tpu.memory_space<vmem>>, vector<1x1x16xf32>,
        %swap3A_745 = arith.constant 2 : i32
        %swap3A_746 = arith.index_cast %swap3A_745 : i32 to index
        %swap3A_747 = arith.index_cast %scan3A_658 : i32 to index
        %swap3A_748 = arith.constant 32 : index
        %swap3A_749 = tpu.vector_load %arg9[%swap3A_746, %swap3A_747, %swap3A_748] {strides = array<i32>} : memref<4x200x64xf32, #tpu.memory_space<vmem>>, vector<1x1x16xf32>,
        %swap3A_750 = vector.shape_cast %swap3A_749 : vector<1x1x16xf32> to vector<16xf32>
        %swap3A_751 = vector.shape_cast %get3A_670 : vector<16xf32> to vector<1x1x16xf32>
        tpu.vector_store %arg9[%swap3A_746, %swap3A_747, %swap3A_748], %swap3A_751 {add = true, strides = array<i32>} : memref<4x200x64xf32, #tpu.memory_space<vmem>>, vector<1x1x16xf32>,
        %swap3A_752 = arith.constant 2 : i32
        %swap3A_753 = arith.index_cast %swap3A_752 : i32 to index
        %swap3A_754 = arith.index_cast %scan3A_658 : i32 to index
        %swap3A_755 = arith.constant 48 : index
        %swap3A_756 = tpu.vector_load %arg9[%swap3A_753, %swap3A_754, %swap3A_755] {strides = array<i32>} : memref<4x200x64xf32, #tpu.memory_space<vmem>>, vector<1x1x16xf32>,
        %swap3A_757 = vector.shape_cast %swap3A_756 : vector<1x1x16xf32> to vector<16xf32>
        %swap3A_758 = vector.shape_cast %get3A_674 : vector<16xf32> to vector<1x1x16xf32>
        tpu.vector_store %arg9[%swap3A_753, %swap3A_754, %swap3A_755], %swap3A_758 {add = true, strides = array<i32>} : memref<4x200x64xf32, #tpu.memory_space<vmem>>, vector<1x1x16xf32>,
        %swap3A_759 = arith.constant 3 : i32
        %swap3A_760 = arith.index_cast %swap3A_759 : i32 to index
        %swap3A_761 = arith.index_cast %scan3A_658 : i32 to index
        %swap3A_762 = arith.constant 0 : index
        %swap3A_763 = tpu.vector_load %arg9[%swap3A_760, %swap3A_761, %swap3A_762] {strides = array<i32>} : memref<4x200x64xf32, #tpu.memory_space<vmem>>, vector<1x1x16xf32>,
        %swap3A_764 = vector.shape_cast %swap3A_763 : vector<1x1x16xf32> to vector<16xf32>
        %swap3A_765 = vector.shape_cast %get3A_662 : vector<16xf32> to vector<1x1x16xf32>
        tpu.vector_store %arg9[%swap3A_760, %swap3A_761, %swap3A_762], %swap3A_765 {add = true, strides = array<i32>} : memref<4x200x64xf32, #tpu.memory_space<vmem>>, vector<1x1x16xf32>,
        %swap3A_766 = arith.constant 3 : i32
        %swap3A_767 = arith.index_cast %swap3A_766 : i32 to index
        %swap3A_768 = arith.index_cast %scan3A_658 : i32 to index
        %swap3A_769 = arith.constant 16 : index
        %swap3A_770 = tpu.vector_load %arg9[%swap3A_767, %swap3A_768, %swap3A_769] {strides = array<i32>} : memref<4x200x64xf32, #tpu.memory_space<vmem>>, vector<1x1x16xf32>,
        %swap3A_771 = vector.shape_cast %swap3A_770 : vector<1x1x16xf32> to vector<16xf32>
        %swap3A_772 = vector.shape_cast %get3A_666 : vector<16xf32> to vector<1x1x16xf32>
        tpu.vector_store %arg9[%swap3A_767, %swap3A_768, %swap3A_769], %swap3A_772 {add = true, strides = array<i32>} : memref<4x200x64xf32, #tpu.memory_space<vmem>>, vector<1x1x16xf32>,
        %swap3A_773 = arith.constant 3 : i32
        %swap3A_774 = arith.index_cast %swap3A_773 : i32 to index
        %swap3A_775 = arith.index_cast %scan3A_658 : i32 to index
        %swap3A_776 = arith.constant 32 : index
        %swap3A_777 = tpu.vector_load %arg9[%swap3A_774, %swap3A_775, %swap3A_776] {strides = array<i32>} : memref<4x200x64xf32, #tpu.memory_space<vmem>>, vector<1x1x16xf32>,
        %swap3A_778 = vector.shape_cast %swap3A_777 : vector<1x1x16xf32> to vector<16xf32>
        %swap3A_779 = vector.shape_cast %get3A_670 : vector<16xf32> to vector<1x1x16xf32>
        tpu.vector_store %arg9[%swap3A_774, %swap3A_775, %swap3A_776], %swap3A_779 {add = true, strides = array<i32>} : memref<4x200x64xf32, #tpu.memory_space<vmem>>, vector<1x1x16xf32>,
        %swap3A_780 = arith.constant 3 : i32
        %swap3A_781 = arith.index_cast %swap3A_780 : i32 to index
        %swap3A_782 = arith.index_cast %scan3A_658 : i32 to index
        %swap3A_783 = arith.constant 48 : index
        %swap3A_784 = tpu.vector_load %arg9[%swap3A_781, %swap3A_782, %swap3A_783] {strides = array<i32>} : memref<4x200x64xf32, #tpu.memory_space<vmem>>, vector<1x1x16xf32>,
        %swap3A_785 = vector.shape_cast %swap3A_784 : vector<1x1x16xf32> to vector<16xf32>
        %swap3A_786 = vector.shape_cast %get3A_674 : vector<16xf32> to vector<1x1x16xf32>
        tpu.vector_store %arg9[%swap3A_781, %swap3A_782, %swap3A_783], %swap3A_786 {add = true, strides = array<i32>} : memref<4x200x64xf32, #tpu.memory_space<vmem>>, vector<1x1x16xf32>,
        %scan3A_787 = arith.constant 3 : i32
        %scan3A_788 = arith.addi %scan3A_400, %scan3A_787 : i32
        %get3A_789 = arith.index_cast %scan3A_788 : i32 to index
        %get3A_790 = arith.constant 0 : index
        %get3A_791 = tpu.vector_load %arg6[%get3A_789, %get3A_790] {strides = array<i32>} : memref<200x64xf32, #tpu.memory_space<vmem>>, vector<1x16xf32>,
        %get3A_792 = vector.shape_cast %get3A_791 : vector<1x16xf32> to vector<16xf32>
        %get3A_793 = arith.index_cast %scan3A_788 : i32 to index
        %get3A_794 = arith.constant 16 : index
        %get3A_795 = tpu.vector_load %arg6[%get3A_793, %get3A_794] {strides = array<i32>} : memref<200x64xf32, #tpu.memory_space<vmem>>, vector<1x16xf32>,
        %get3A_796 = vector.shape_cast %get3A_795 : vector<1x16xf32> to vector<16xf32>
        %get3A_797 = arith.index_cast %scan3A_788 : i32 to index
        %get3A_798 = arith.constant 32 : index
        %get3A_799 = tpu.vector_load %arg6[%get3A_797, %get3A_798] {strides = array<i32>} : memref<200x64xf32, #tpu.memory_space<vmem>>, vector<1x16xf32>,
        %get3A_800 = vector.shape_cast %get3A_799 : vector<1x16xf32> to vector<16xf32>
        %get3A_801 = arith.index_cast %scan3A_788 : i32 to index
        %get3A_802 = arith.constant 48 : index
        %get3A_803 = tpu.vector_load %arg6[%get3A_801, %get3A_802] {strides = array<i32>} : memref<200x64xf32, #tpu.memory_space<vmem>>, vector<1x16xf32>,
        %get3A_804 = vector.shape_cast %get3A_803 : vector<1x16xf32> to vector<16xf32>
        %swap3A_805 = arith.constant 0 : i32
        %swap3A_806 = arith.index_cast %swap3A_805 : i32 to index
        %swap3A_807 = arith.index_cast %scan3A_788 : i32 to index
        %swap3A_808 = arith.constant 0 : index
        %swap3A_809 = tpu.vector_load %arg9[%swap3A_806, %swap3A_807, %swap3A_808] {strides = array<i32>} : memref<4x200x64xf32, #tpu.memory_space<vmem>>, vector<1x1x16xf32>,
        %swap3A_810 = vector.shape_cast %swap3A_809 : vector<1x1x16xf32> to vector<16xf32>
        %swap3A_811 = vector.shape_cast %get3A_792 : vector<16xf32> to vector<1x1x16xf32>
        tpu.vector_store %arg9[%swap3A_806, %swap3A_807, %swap3A_808], %swap3A_811 {add = true, strides = array<i32>} : memref<4x200x64xf32, #tpu.memory_space<vmem>>, vector<1x1x16xf32>,
        %swap3A_812 = arith.constant 0 : i32
        %swap3A_813 = arith.index_cast %swap3A_812 : i32 to index
        %swap3A_814 = arith.index_cast %scan3A_788 : i32 to index
        %swap3A_815 = arith.constant 16 : index
        %swap3A_816 = tpu.vector_load %arg9[%swap3A_813, %swap3A_814, %swap3A_815] {strides = array<i32>} : memref<4x200x64xf32, #tpu.memory_space<vmem>>, vector<1x1x16xf32>,
        %swap3A_817 = vector.shape_cast %swap3A_816 : vector<1x1x16xf32> to vector<16xf32>
        %swap3A_818 = vector.shape_cast %get3A_796 : vector<16xf32> to vector<1x1x16xf32>
        tpu.vector_store %arg9[%swap3A_813, %swap3A_814, %swap3A_815], %swap3A_818 {add = true, strides = array<i32>} : memref<4x200x64xf32, #tpu.memory_space<vmem>>, vector<1x1x16xf32>,
        %swap3A_819 = arith.constant 0 : i32
        %swap3A_820 = arith.index_cast %swap3A_819 : i32 to index
        %swap3A_821 = arith.index_cast %scan3A_788 : i32 to index
        %swap3A_822 = arith.constant 32 : index
        %swap3A_823 = tpu.vector_load %arg9[%swap3A_820, %swap3A_821, %swap3A_822] {strides = array<i32>} : memref<4x200x64xf32, #tpu.memory_space<vmem>>, vector<1x1x16xf32>,
        %swap3A_824 = vector.shape_cast %swap3A_823 : vector<1x1x16xf32> to vector<16xf32>
        %swap3A_825 = vector.shape_cast %get3A_800 : vector<16xf32> to vector<1x1x16xf32>
        tpu.vector_store %arg9[%swap3A_820, %swap3A_821, %swap3A_822], %swap3A_825 {add = true, strides = array<i32>} : memref<4x200x64xf32, #tpu.memory_space<vmem>>, vector<1x1x16xf32>,
        %swap3A_826 = arith.constant 0 : i32
        %swap3A_827 = arith.index_cast %swap3A_826 : i32 to index
        %swap3A_828 = arith.index_cast %scan3A_788 : i32 to index
        %swap3A_829 = arith.constant 48 : index
        %swap3A_830 = tpu.vector_load %arg9[%swap3A_827, %swap3A_828, %swap3A_829] {strides = array<i32>} : memref<4x200x64xf32, #tpu.memory_space<vmem>>, vector<1x1x16xf32>,
        %swap3A_831 = vector.shape_cast %swap3A_830 : vector<1x1x16xf32> to vector<16xf32>
        %swap3A_832 = vector.shape_cast %get3A_804 : vector<16xf32> to vector<1x1x16xf32>
        tpu.vector_store %arg9[%swap3A_827, %swap3A_828, %swap3A_829], %swap3A_832 {add = true, strides = array<i32>} : memref<4x200x64xf32, #tpu.memory_space<vmem>>, vector<1x1x16xf32>,
        %swap3A_833 = arith.constant 1 : i32
        %swap3A_834 = arith.index_cast %swap3A_833 : i32 to index
        %swap3A_835 = arith.index_cast %scan3A_788 : i32 to index
        %swap3A_836 = arith.constant 0 : index
        %swap3A_837 = tpu.vector_load %arg9[%swap3A_834, %swap3A_835, %swap3A_836] {strides = array<i32>} : memref<4x200x64xf32, #tpu.memory_space<vmem>>, vector<1x1x16xf32>,
        %swap3A_838 = vector.shape_cast %swap3A_837 : vector<1x1x16xf32> to vector<16xf32>
        %swap3A_839 = vector.shape_cast %get3A_792 : vector<16xf32> to vector<1x1x16xf32>
        tpu.vector_store %arg9[%swap3A_834, %swap3A_835, %swap3A_836], %swap3A_839 {add = true, strides = array<i32>} : memref<4x200x64xf32, #tpu.memory_space<vmem>>, vector<1x1x16xf32>,
        %swap3A_840 = arith.constant 1 : i32
        %swap3A_841 = arith.index_cast %swap3A_840 : i32 to index
        %swap3A_842 = arith.index_cast %scan3A_788 : i32 to index
        %swap3A_843 = arith.constant 16 : index
        %swap3A_844 = tpu.vector_load %arg9[%swap3A_841, %swap3A_842, %swap3A_843] {strides = array<i32>} : memref<4x200x64xf32, #tpu.memory_space<vmem>>, vector<1x1x16xf32>,
        %swap3A_845 = vector.shape_cast %swap3A_844 : vector<1x1x16xf32> to vector<16xf32>
        %swap3A_846 = vector.shape_cast %get3A_796 : vector<16xf32> to vector<1x1x16xf32>
        tpu.vector_store %arg9[%swap3A_841, %swap3A_842, %swap3A_843], %swap3A_846 {add = true, strides = array<i32>} : memref<4x200x64xf32, #tpu.memory_space<vmem>>, vector<1x1x16xf32>,
        %swap3A_847 = arith.constant 1 : i32
        %swap3A_848 = arith.index_cast %swap3A_847 : i32 to index
        %swap3A_849 = arith.index_cast %scan3A_788 : i32 to index
        %swap3A_850 = arith.constant 32 : index
        %swap3A_851 = tpu.vector_load %arg9[%swap3A_848, %swap3A_849, %swap3A_850] {strides = array<i32>} : memref<4x200x64xf32, #tpu.memory_space<vmem>>, vector<1x1x16xf32>,
        %swap3A_852 = vector.shape_cast %swap3A_851 : vector<1x1x16xf32> to vector<16xf32>
        %swap3A_853 = vector.shape_cast %get3A_800 : vector<16xf32> to vector<1x1x16xf32>
        tpu.vector_store %arg9[%swap3A_848, %swap3A_849, %swap3A_850], %swap3A_853 {add = true, strides = array<i32>} : memref<4x200x64xf32, #tpu.memory_space<vmem>>, vector<1x1x16xf32>,
        %swap3A_854 = arith.constant 1 : i32
        %swap3A_855 = arith.index_cast %swap3A_854 : i32 to index
        %swap3A_856 = arith.index_cast %scan3A_788 : i32 to index
        %swap3A_857 = arith.constant 48 : index
        %swap3A_858 = tpu.vector_load %arg9[%swap3A_855, %swap3A_856, %swap3A_857] {strides = array<i32>} : memref<4x200x64xf32, #tpu.memory_space<vmem>>, vector<1x1x16xf32>,
        %swap3A_859 = vector.shape_cast %swap3A_858 : vector<1x1x16xf32> to vector<16xf32>
        %swap3A_860 = vector.shape_cast %get3A_804 : vector<16xf32> to vector<1x1x16xf32>
        tpu.vector_store %arg9[%swap3A_855, %swap3A_856, %swap3A_857], %swap3A_860 {add = true, strides = array<i32>} : memref<4x200x64xf32, #tpu.memory_space<vmem>>, vector<1x1x16xf32>,
        %swap3A_861 = arith.constant 2 : i32
        %swap3A_862 = arith.index_cast %swap3A_861 : i32 to index
        %swap3A_863 = arith.index_cast %scan3A_788 : i32 to index
        %swap3A_864 = arith.constant 0 : index
        %swap3A_865 = tpu.vector_load %arg9[%swap3A_862, %swap3A_863, %swap3A_864] {strides = array<i32>} : memref<4x200x64xf32, #tpu.memory_space<vmem>>, vector<1x1x16xf32>,
        %swap3A_866 = vector.shape_cast %swap3A_865 : vector<1x1x16xf32> to vector<16xf32>
        %swap3A_867 = vector.shape_cast %get3A_792 : vector<16xf32> to vector<1x1x16xf32>
        tpu.vector_store %arg9[%swap3A_862, %swap3A_863, %swap3A_864], %swap3A_867 {add = true, strides = array<i32>} : memref<4x200x64xf32, #tpu.memory_space<vmem>>, vector<1x1x16xf32>,
        %swap3A_868 = arith.constant 2 : i32
        %swap3A_869 = arith.index_cast %swap3A_868 : i32 to index
        %swap3A_870 = arith.index_cast %scan3A_788 : i32 to index
        %swap3A_871 = arith.constant 16 : index
        %swap3A_872 = tpu.vector_load %arg9[%swap3A_869, %swap3A_870, %swap3A_871] {strides = array<i32>} : memref<4x200x64xf32, #tpu.memory_space<vmem>>, vector<1x1x16xf32>,
        %swap3A_873 = vector.shape_cast %swap3A_872 : vector<1x1x16xf32> to vector<16xf32>
        %swap3A_874 = vector.shape_cast %get3A_796 : vector<16xf32> to vector<1x1x16xf32>
        tpu.vector_store %arg9[%swap3A_869, %swap3A_870, %swap3A_871], %swap3A_874 {add = true, strides = array<i32>} : memref<4x200x64xf32, #tpu.memory_space<vmem>>, vector<1x1x16xf32>,
        %swap3A_875 = arith.constant 2 : i32
        %swap3A_876 = arith.index_cast %swap3A_875 : i32 to index
        %swap3A_877 = arith.index_cast %scan3A_788 : i32 to index
        %swap3A_878 = arith.constant 32 : index
        %swap3A_879 = tpu.vector_load %arg9[%swap3A_876, %swap3A_877, %swap3A_878] {strides = array<i32>} : memref<4x200x64xf32, #tpu.memory_space<vmem>>, vector<1x1x16xf32>,
        %swap3A_880 = vector.shape_cast %swap3A_879 : vector<1x1x16xf32> to vector<16xf32>
        %swap3A_881 = vector.shape_cast %get3A_800 : vector<16xf32> to vector<1x1x16xf32>
        tpu.vector_store %arg9[%swap3A_876, %swap3A_877, %swap3A_878], %swap3A_881 {add = true, strides = array<i32>} : memref<4x200x64xf32, #tpu.memory_space<vmem>>, vector<1x1x16xf32>,
        %swap3A_882 = arith.constant 2 : i32
        %swap3A_883 = arith.index_cast %swap3A_882 : i32 to index
        %swap3A_884 = arith.index_cast %scan3A_788 : i32 to index
        %swap3A_885 = arith.constant 48 : index
        %swap3A_886 = tpu.vector_load %arg9[%swap3A_883, %swap3A_884, %swap3A_885] {strides = array<i32>} : memref<4x200x64xf32, #tpu.memory_space<vmem>>, vector<1x1x16xf32>,
        %swap3A_887 = vector.shape_cast %swap3A_886 : vector<1x1x16xf32> to vector<16xf32>
        %swap3A_888 = vector.shape_cast %get3A_804 : vector<16xf32> to vector<1x1x16xf32>
        tpu.vector_store %arg9[%swap3A_883, %swap3A_884, %swap3A_885], %swap3A_888 {add = true, strides = array<i32>} : memref<4x200x64xf32, #tpu.memory_space<vmem>>, vector<1x1x16xf32>,
        %swap3A_889 = arith.constant 3 : i32
        %swap3A_890 = arith.index_cast %swap3A_889 : i32 to index
        %swap3A_891 = arith.index_cast %scan3A_788 : i32 to index
        %swap3A_892 = arith.constant 0 : index
        %swap3A_893 = tpu.vector_load %arg9[%swap3A_890, %swap3A_891, %swap3A_892] {strides = array<i32>} : memref<4x200x64xf32, #tpu.memory_space<vmem>>, vector<1x1x16xf32>,
        %swap3A_894 = vector.shape_cast %swap3A_893 : vector<1x1x16xf32> to vector<16xf32>
        %swap3A_895 = vector.shape_cast %get3A_792 : vector<16xf32> to vector<1x1x16xf32>
        tpu.vector_store %arg9[%swap3A_890, %swap3A_891, %swap3A_892], %swap3A_895 {add = true, strides = array<i32>} : memref<4x200x64xf32, #tpu.memory_space<vmem>>, vector<1x1x16xf32>,
        %swap3A_896 = arith.constant 3 : i32
        %swap3A_897 = arith.index_cast %swap3A_896 : i32 to index
        %swap3A_898 = arith.index_cast %scan3A_788 : i32 to index
        %swap3A_899 = arith.constant 16 : index
        %swap3A_900 = tpu.vector_load %arg9[%swap3A_897, %swap3A_898, %swap3A_899] {strides = array<i32>} : memref<4x200x64xf32, #tpu.memory_space<vmem>>, vector<1x1x16xf32>,
        %swap3A_901 = vector.shape_cast %swap3A_900 : vector<1x1x16xf32> to vector<16xf32>
        %swap3A_902 = vector.shape_cast %get3A_796 : vector<16xf32> to vector<1x1x16xf32>
        tpu.vector_store %arg9[%swap3A_897, %swap3A_898, %swap3A_899], %swap3A_902 {add = true, strides = array<i32>} : memref<4x200x64xf32, #tpu.memory_space<vmem>>, vector<1x1x16xf32>,
        %swap3A_903 = arith.constant 3 : i32
        %swap3A_904 = arith.index_cast %swap3A_903 : i32 to index
        %swap3A_905 = arith.index_cast %scan3A_788 : i32 to index
        %swap3A_906 = arith.constant 32 : index
        %swap3A_907 = tpu.vector_load %arg9[%swap3A_904, %swap3A_905, %swap3A_906] {strides = array<i32>} : memref<4x200x64xf32, #tpu.memory_space<vmem>>, vector<1x1x16xf32>,
        %swap3A_908 = vector.shape_cast %swap3A_907 : vector<1x1x16xf32> to vector<16xf32>
        %swap3A_909 = vector.shape_cast %get3A_800 : vector<16xf32> to vector<1x1x16xf32>
        tpu.vector_store %arg9[%swap3A_904, %swap3A_905, %swap3A_906], %swap3A_909 {add = true, strides = array<i32>} : memref<4x200x64xf32, #tpu.memory_space<vmem>>, vector<1x1x16xf32>,
        %swap3A_910 = arith.constant 3 : i32
        %swap3A_911 = arith.index_cast %swap3A_910 : i32 to index
        %swap3A_912 = arith.index_cast %scan3A_788 : i32 to index
        %swap3A_913 = arith.constant 48 : index
        %swap3A_914 = tpu.vector_load %arg9[%swap3A_911, %swap3A_912, %swap3A_913] {strides = array<i32>} : memref<4x200x64xf32, #tpu.memory_space<vmem>>, vector<1x1x16xf32>,
        %swap3A_915 = vector.shape_cast %swap3A_914 : vector<1x1x16xf32> to vector<16xf32>
        %swap3A_916 = vector.shape_cast %get3A_804 : vector<16xf32> to vector<1x1x16xf32>
        tpu.vector_store %arg9[%swap3A_911, %swap3A_912, %swap3A_913], %swap3A_916 {add = true, strides = array<i32>} : memref<4x200x64xf32, #tpu.memory_space<vmem>>, vector<1x1x16xf32>,
      }
      %scan3A_259 = arith.constant 200 : i32
      %mul3A_260 = arith.constant 128 : i32
      %mul3A_261 = arith.muli %add3A, %mul3A_260 : i32
      %mul3A_262 = arith.constant 4 : i32
      %mul3A_263 = arith.muli %mul3A_146, %mul3A_262 : i32
      %add3A_264 = arith.addi %mul3A_261, %mul3A_263 : i32
      %dma_start3A_265 = arith.constant 0 : i32
      %dma_start3A_266 = arith.constant 0 : i32
      %dma_start3A_267 = tpu.memref_slice %arg5[%add3A_264, %dma_start3A_265, %dma_start3A_266] : memref<4096x200x128xf32, #tpu.memory_space<hbm>> -> memref<4x200x64xf32, #tpu.memory_space<hbm>>
      %dma_start3A_268 = arith.constant 0 : i32
      %dma_start3A_269 = arith.constant 0 : i32
      %dma_start3A_270 = tpu.memref_slice %arg5[%add3A_264, %dma_start3A_268, %dma_start3A_269] : memref<4096x200x128xf32, #tpu.memory_space<hbm>> -> memref<4x200x64xf32, #tpu.memory_space<hbm>>
      tpu.enqueue_dma source(%arg9 : memref<4x200x64xf32, #tpu.memory_space<vmem>>) target(%dma_start3A_270 : memref<4x200x64xf32, #tpu.memory_space<hbm>>) target_semaphore(%arg15 : memref<!tpu.dma_semaphore, #tpu.memory_space<semaphore_mem>>)
      %add3A_271 = arith.constant 1 : i32
      %add3A_272 = arith.addi %mul3A_146, %add3A_271 : i32
      %dma_wait3A_273 = arith.constant 0 : i32
      %dma_wait3A_274 = arith.constant 0 : i32
      %dma_wait3A_275 = arith.constant 0 : i32
      %dma_wait3A_276 = arith.constant 0 : i32
      %dma_wait3A_277 = tpu.memref_slice %arg10[%dma_wait3A_274, %dma_wait3A_275, %dma_wait3A_276] : memref<4x200x64xf32, #tpu.memory_space<vmem>> -> memref<1x100x64xf32, #tpu.memory_space<vmem>>
      %dma_wait3A_278 = tpu.memref_squeeze %dma_wait3A_277 : memref<1x100x64xf32, #tpu.memory_space<vmem>> -> memref<100x64xf32, #tpu.memory_space<vmem>>
      %dma_wait3A_279 = arith.constant 0 : i32
      %dma_wait3A_280 = tpu.memref_slice %arg8[%dma_wait3A_273, %dma_wait3A_279] : memref<8x100xi32, #tpu.memory_space<vmem>> -> memref<1x100xi32, #tpu.memory_space<vmem>>
      %dma_wait3A_281 = tpu.memref_squeeze %dma_wait3A_280 : memref<1x100xi32, #tpu.memory_space<vmem>> -> memref<100xi32, #tpu.memory_space<vmem>>
      %dma_wait3A_282 = arith.constant 0 : i32
      %dma_wait3A_283 = arith.constant 0 : i32
      %dma_wait3A_284 = tpu.memref_slice %arg2[%dma_wait3A_282, %dma_wait3A_283] : memref<100000x64xf32, #tpu.memory_space<hbm>> -> memref<100000x64xf32, #tpu.memory_space<hbm>>
      tpu.wait_indirect_dma semaphore(%arg14 : memref<!tpu.dma_semaphore, #tpu.memory_space<semaphore_mem>>) src(%dma_wait3A_284 : memref<100000x64xf32, #tpu.memory_space<hbm>>) dst(%dma_wait3A_278 : memref<100x64xf32, #tpu.memory_space<vmem>>)
      %dma_wait3A_285 = arith.constant 1 : i32
      %dma_wait3A_286 = arith.constant 0 : i32
      %dma_wait3A_287 = arith.constant 100 : i32
      %dma_wait3A_288 = arith.constant 0 : i32
      %dma_wait3A_289 = tpu.memref_slice %arg10[%dma_wait3A_286, %dma_wait3A_287, %dma_wait3A_288] : memref<4x200x64xf32, #tpu.memory_space<vmem>> -> memref<1x100x64xf32, #tpu.memory_space<vmem>>
      %dma_wait3A_290 = tpu.memref_squeeze %dma_wait3A_289 : memref<1x100x64xf32, #tpu.memory_space<vmem>> -> memref<100x64xf32, #tpu.memory_space<vmem>>
      %dma_wait3A_291 = arith.constant 0 : i32
      %dma_wait3A_292 = tpu.memref_slice %arg8[%dma_wait3A_285, %dma_wait3A_291] : memref<8x100xi32, #tpu.memory_space<vmem>> -> memref<1x100xi32, #tpu.memory_space<vmem>>
      %dma_wait3A_293 = tpu.memref_squeeze %dma_wait3A_292 : memref<1x100xi32, #tpu.memory_space<vmem>> -> memref<100xi32, #tpu.memory_space<vmem>>
      %dma_wait3A_294 = arith.constant 0 : i32
      %dma_wait3A_295 = arith.constant 0 : i32
      %dma_wait3A_296 = tpu.memref_slice %arg2[%dma_wait3A_294, %dma_wait3A_295] : memref<100000x64xf32, #tpu.memory_space<hbm>> -> memref<100000x64xf32, #tpu.memory_space<hbm>>
      tpu.wait_indirect_dma semaphore(%arg14 : memref<!tpu.dma_semaphore, #tpu.memory_space<semaphore_mem>>) src(%dma_wait3A_296 : memref<100000x64xf32, #tpu.memory_space<hbm>>) dst(%dma_wait3A_290 : memref<100x64xf32, #tpu.memory_space<vmem>>)
      %dma_wait3A_297 = arith.constant 2 : i32
      %dma_wait3A_298 = arith.constant 1 : i32
      %dma_wait3A_299 = arith.constant 0 : i32
      %dma_wait3A_300 = arith.constant 0 : i32
      %dma_wait3A_301 = tpu.memref_slice %arg10[%dma_wait3A_298, %dma_wait3A_299, %dma_wait3A_300] : memref<4x200x64xf32, #tpu.memory_space<vmem>> -> memref<1x100x64xf32, #tpu.memory_space<vmem>>
      %dma_wait3A_302 = tpu.memref_squeeze %dma_wait3A_301 : memref<1x100x64xf32, #tpu.memory_space<vmem>> -> memref<100x64xf32, #tpu.memory_space<vmem>>
      %dma_wait3A_303 = arith.constant 0 : i32
      %dma_wait3A_304 = tpu.memref_slice %arg8[%dma_wait3A_297, %dma_wait3A_303] : memref<8x100xi32, #tpu.memory_space<vmem>> -> memref<1x100xi32, #tpu.memory_space<vmem>>
      %dma_wait3A_305 = tpu.memref_squeeze %dma_wait3A_304 : memref<1x100xi32, #tpu.memory_space<vmem>> -> memref<100xi32, #tpu.memory_space<vmem>>
      %dma_wait3A_306 = arith.constant 0 : i32
      %dma_wait3A_307 = arith.constant 0 : i32
      %dma_wait3A_308 = tpu.memref_slice %arg2[%dma_wait3A_306, %dma_wait3A_307] : memref<100000x64xf32, #tpu.memory_space<hbm>> -> memref<100000x64xf32, #tpu.memory_space<hbm>>
      tpu.wait_indirect_dma semaphore(%arg14 : memref<!tpu.dma_semaphore, #tpu.memory_space<semaphore_mem>>) src(%dma_wait3A_308 : memref<100000x64xf32, #tpu.memory_space<hbm>>) dst(%dma_wait3A_302 : memref<100x64xf32, #tpu.memory_space<vmem>>)
      %dma_wait3A_309 = arith.constant 3 : i32
      %dma_wait3A_310 = arith.constant 1 : i32
      %dma_wait3A_311 = arith.constant 100 : i32
      %dma_wait3A_312 = arith.constant 0 : i32
      %dma_wait3A_313 = tpu.memref_slice %arg10[%dma_wait3A_310, %dma_wait3A_311, %dma_wait3A_312] : memref<4x200x64xf32, #tpu.memory_space<vmem>> -> memref<1x100x64xf32, #tpu.memory_space<vmem>>
      %dma_wait3A_314 = tpu.memref_squeeze %dma_wait3A_313 : memref<1x100x64xf32, #tpu.memory_space<vmem>> -> memref<100x64xf32, #tpu.memory_space<vmem>>
      %dma_wait3A_315 = arith.constant 0 : i32
      %dma_wait3A_316 = tpu.memref_slice %arg8[%dma_wait3A_309, %dma_wait3A_315] : memref<8x100xi32, #tpu.memory_space<vmem>> -> memref<1x100xi32, #tpu.memory_space<vmem>>
      %dma_wait3A_317 = tpu.memref_squeeze %dma_wait3A_316 : memref<1x100xi32, #tpu.memory_space<vmem>> -> memref<100xi32, #tpu.memory_space<vmem>>
      %dma_wait3A_318 = arith.constant 0 : i32
      %dma_wait3A_319 = arith.constant 0 : i32
      %dma_wait3A_320 = tpu.memref_slice %arg2[%dma_wait3A_318, %dma_wait3A_319] : memref<100000x64xf32, #tpu.memory_space<hbm>> -> memref<100000x64xf32, #tpu.memory_space<hbm>>
      tpu.wait_indirect_dma semaphore(%arg14 : memref<!tpu.dma_semaphore, #tpu.memory_space<semaphore_mem>>) src(%dma_wait3A_320 : memref<100000x64xf32, #tpu.memory_space<hbm>>) dst(%dma_wait3A_314 : memref<100x64xf32, #tpu.memory_space<vmem>>)
      %dma_wait3A_321 = arith.constant 4 : i32
      %dma_wait3A_322 = arith.constant 2 : i32
      %dma_wait3A_323 = arith.constant 0 : i32
      %dma_wait3A_324 = arith.constant 0 : i32
      %dma_wait3A_325 = tpu.memref_slice %arg10[%dma_wait3A_322, %dma_wait3A_323, %dma_wait3A_324] : memref<4x200x64xf32, #tpu.memory_space<vmem>> -> memref<1x100x64xf32, #tpu.memory_space<vmem>>
      %dma_wait3A_326 = tpu.memref_squeeze %dma_wait3A_325 : memref<1x100x64xf32, #tpu.memory_space<vmem>> -> memref<100x64xf32, #tpu.memory_space<vmem>>
      %dma_wait3A_327 = arith.constant 0 : i32
      %dma_wait3A_328 = tpu.memref_slice %arg8[%dma_wait3A_321, %dma_wait3A_327] : memref<8x100xi32, #tpu.memory_space<vmem>> -> memref<1x100xi32, #tpu.memory_space<vmem>>
      %dma_wait3A_329 = tpu.memref_squeeze %dma_wait3A_328 : memref<1x100xi32, #tpu.memory_space<vmem>> -> memref<100xi32, #tpu.memory_space<vmem>>
      %dma_wait3A_330 = arith.constant 0 : i32
      %dma_wait3A_331 = arith.constant 0 : i32
      %dma_wait3A_332 = tpu.memref_slice %arg2[%dma_wait3A_330, %dma_wait3A_331] : memref<100000x64xf32, #tpu.memory_space<hbm>> -> memref<100000x64xf32, #tpu.memory_space<hbm>>
      tpu.wait_indirect_dma semaphore(%arg14 : memref<!tpu.dma_semaphore, #tpu.memory_space<semaphore_mem>>) src(%dma_wait3A_332 : memref<100000x64xf32, #tpu.memory_space<hbm>>) dst(%dma_wait3A_326 : memref<100x64xf32, #tpu.memory_space<vmem>>)
      %dma_wait3A_333 = arith.constant 5 : i32
      %dma_wait3A_334 = arith.constant 2 : i32
      %dma_wait3A_335 = arith.constant 100 : i32
      %dma_wait3A_336 = arith.constant 0 : i32
      %dma_wait3A_337 = tpu.memref_slice %arg10[%dma_wait3A_334, %dma_wait3A_335, %dma_wait3A_336] : memref<4x200x64xf32, #tpu.memory_space<vmem>> -> memref<1x100x64xf32, #tpu.memory_space<vmem>>
      %dma_wait3A_338 = tpu.memref_squeeze %dma_wait3A_337 : memref<1x100x64xf32, #tpu.memory_space<vmem>> -> memref<100x64xf32, #tpu.memory_space<vmem>>
      %dma_wait3A_339 = arith.constant 0 : i32
      %dma_wait3A_340 = tpu.memref_slice %arg8[%dma_wait3A_333, %dma_wait3A_339] : memref<8x100xi32, #tpu.memory_space<vmem>> -> memref<1x100xi32, #tpu.memory_space<vmem>>
      %dma_wait3A_341 = tpu.memref_squeeze %dma_wait3A_340 : memref<1x100xi32, #tpu.memory_space<vmem>> -> memref<100xi32, #tpu.memory_space<vmem>>
      %dma_wait3A_342 = arith.constant 0 : i32
      %dma_wait3A_343 = arith.constant 0 : i32
      %dma_wait3A_344 = tpu.memref_slice %arg2[%dma_wait3A_342, %dma_wait3A_343] : memref<100000x64xf32, #tpu.memory_space<hbm>> -> memref<100000x64xf32, #tpu.memory_space<hbm>>
      tpu.wait_indirect_dma semaphore(%arg14 : memref<!tpu.dma_semaphore, #tpu.memory_space<semaphore_mem>>) src(%dma_wait3A_344 : memref<100000x64xf32, #tpu.memory_space<hbm>>) dst(%dma_wait3A_338 : memref<100x64xf32, #tpu.memory_space<vmem>>)
      %dma_wait3A_345 = arith.constant 6 : i32
      %dma_wait3A_346 = arith.constant 3 : i32
      %dma_wait3A_347 = arith.constant 0 : i32
      %dma_wait3A_348 = arith.constant 0 : i32
      %dma_wait3A_349 = tpu.memref_slice %arg10[%dma_wait3A_346, %dma_wait3A_347, %dma_wait3A_348] : memref<4x200x64xf32, #tpu.memory_space<vmem>> -> memref<1x100x64xf32, #tpu.memory_space<vmem>>
      %dma_wait3A_350 = tpu.memref_squeeze %dma_wait3A_349 : memref<1x100x64xf32, #tpu.memory_space<vmem>> -> memref<100x64xf32, #tpu.memory_space<vmem>>
      %dma_wait3A_351 = arith.constant 0 : i32
      %dma_wait3A_352 = tpu.memref_slice %arg8[%dma_wait3A_345, %dma_wait3A_351] : memref<8x100xi32, #tpu.memory_space<vmem>> -> memref<1x100xi32, #tpu.memory_space<vmem>>
      %dma_wait3A_353 = tpu.memref_squeeze %dma_wait3A_352 : memref<1x100xi32, #tpu.memory_space<vmem>> -> memref<100xi32, #tpu.memory_space<vmem>>
      %dma_wait3A_354 = arith.constant 0 : i32
      %dma_wait3A_355 = arith.constant 0 : i32
      %dma_wait3A_356 = tpu.memref_slice %arg2[%dma_wait3A_354, %dma_wait3A_355] : memref<100000x64xf32, #tpu.memory_space<hbm>> -> memref<100000x64xf32, #tpu.memory_space<hbm>>
      tpu.wait_indirect_dma semaphore(%arg14 : memref<!tpu.dma_semaphore, #tpu.memory_space<semaphore_mem>>) src(%dma_wait3A_356 : memref<100000x64xf32, #tpu.memory_space<hbm>>) dst(%dma_wait3A_350 : memref<100x64xf32, #tpu.memory_space<vmem>>)
      %dma_wait3A_357 = arith.constant 7 : i32
      %dma_wait3A_358 = arith.constant 3 : i32
      %dma_wait3A_359 = arith.constant 100 : i32
      %dma_wait3A_360 = arith.constant 0 : i32
      %dma_wait3A_361 = tpu.memref_slice %arg10[%dma_wait3A_358, %dma_wait3A_359, %dma_wait3A_360] : memref<4x200x64xf32, #tpu.memory_space<vmem>> -> memref<1x100x64xf32, #tpu.memory_space<vmem>>
      %dma_wait3A_362 = tpu.memref_squeeze %dma_wait3A_361 : memref<1x100x64xf32, #tpu.memory_space<vmem>> -> memref<100x64xf32, #tpu.memory_space<vmem>>
      %dma_wait3A_363 = arith.constant 0 : i32
      %dma_wait3A_364 = tpu.memref_slice %arg8[%dma_wait3A_357, %dma_wait3A_363] : memref<8x100xi32, #tpu.memory_space<vmem>> -> memref<1x100xi32, #tpu.memory_space<vmem>>
      %dma_wait3A_365 = tpu.memref_squeeze %dma_wait3A_364 : memref<1x100xi32, #tpu.memory_space<vmem>> -> memref<100xi32, #tpu.memory_space<vmem>>
      %dma_wait3A_366 = arith.constant 0 : i32
      %dma_wait3A_367 = arith.constant 0 : i32
      %dma_wait3A_368 = tpu.memref_slice %arg2[%dma_wait3A_366, %dma_wait3A_367] : memref<100000x64xf32, #tpu.memory_space<hbm>> -> memref<100000x64xf32, #tpu.memory_space<hbm>>
      tpu.wait_indirect_dma semaphore(%arg14 : memref<!tpu.dma_semaphore, #tpu.memory_space<semaphore_mem>>) src(%dma_wait3A_368 : memref<100000x64xf32, #tpu.memory_space<hbm>>) dst(%dma_wait3A_362 : memref<100x64xf32, #tpu.memory_space<vmem>>)
      %add3A_369 = arith.constant 2 : i32
      %add3A_370 = arith.addi %add3A_272, %add3A_369 : i32
      %lt3A_371 = arith.constant 32 : i32
      %lt3A_372 = arith.cmpi slt, %add3A_370, %lt3A_371 : i32
      %convert_element_type3A_373 = arith.extui %lt3A_372 : i1 to i32
      %cond3A_374 = arith.constant 0 : i32
      %cond3A_375 = arith.cmpi ne, %convert_element_type3A_373, %cond3A_374 : i32
      scf.if %cond3A_375 {
        %add3A_400 = arith.constant 2 : i32
        %add3A_401 = arith.addi %add3A_272, %add3A_400 : i32
        %mul3A_402 = arith.constant 256 : i32
        %mul3A_403 = arith.muli %add3A, %mul3A_402 : i32
        %mul3A_404 = arith.constant 8 : i32
        %mul3A_405 = arith.muli %add3A_401, %mul3A_404 : i32
        %add3A_406 = arith.addi %mul3A_403, %mul3A_405 : i32
        %dma_start3A_407 = arith.constant 0 : i32
        %dma_start3A_408 = tpu.memref_slice %arg4[%add3A_406, %dma_start3A_407] : memref<8192x100xi32, #tpu.memory_space<hbm>> -> memref<8x100xi32, #tpu.memory_space<hbm>>
        %dma_start3A_409 = arith.constant 0 : i32
        %dma_start3A_410 = tpu.memref_slice %arg4[%add3A_406, %dma_start3A_409] : memref<8192x100xi32, #tpu.memory_space<hbm>> -> memref<8x100xi32, #tpu.memory_space<hbm>>
        tpu.enqueue_dma source(%dma_start3A_410 : memref<8x100xi32, #tpu.memory_space<hbm>>) target(%arg8 : memref<8x100xi32, #tpu.memory_space<vmem>>) target_semaphore(%arg12 : memref<!tpu.dma_semaphore, #tpu.memory_space<semaphore_mem>>)
      } else {
      }
      %add3A_376 = arith.constant 1 : i32
      %add3A_377 = arith.addi %add3A_272, %add3A_376 : i32
      %lt3A_378 = arith.constant 32 : i32
      %lt3A_379 = arith.cmpi slt, %add3A_377, %lt3A_378 : i32
      %convert_element_type3A_380 = arith.extui %lt3A_379 : i1 to i32
      %cond3A_381 = arith.constant 0 : i32
      %cond3A_382 = arith.cmpi ne, %convert_element_type3A_380, %cond3A_381 : i32
      scf.if %cond3A_382 {
        %add3A_400 = arith.constant 1 : i32
        %add3A_401 = arith.addi %add3A_272, %add3A_400 : i32
        %mul3A_402 = arith.constant 256 : i32
        %mul3A_403 = arith.muli %add3A, %mul3A_402 : i32
        %mul3A_404 = arith.constant 8 : i32
        %mul3A_405 = arith.muli %add3A_401, %mul3A_404 : i32
        %add3A_406 = arith.addi %mul3A_403, %mul3A_405 : i32
        %dma_wait3A_407 = arith.constant 0 : i32
        %dma_wait3A_408 = tpu.memref_slice %arg4[%add3A_406, %dma_wait3A_407] : memref<8192x100xi32, #tpu.memory_space<hbm>> -> memref<8x100xi32, #tpu.memory_space<hbm>>
        %dma_wait3A_409 = arith.constant 0 : i32
        %dma_wait3A_410 = tpu.memref_slice %arg4[%add3A_406, %dma_wait3A_409] : memref<8192x100xi32, #tpu.memory_space<hbm>> -> memref<8x100xi32, #tpu.memory_space<hbm>>
        tpu.wait_dma2 semaphore(%arg11 : memref<!tpu.dma_semaphore, #tpu.memory_space<semaphore_mem>>) src(%dma_wait3A_410 : memref<8x100xi32, #tpu.memory_space<hbm>>) dst(%arg7 : memref<8x100xi32, #tpu.memory_space<vmem>>)
        %ge3A = arith.constant 1 : i32
        %ge3A_411 = arith.cmpi sge, %add3A_272, %ge3A : i32
        %convert_element_type3A_412 = arith.extui %ge3A_411 : i1 to i32
        %cond3A_413 = arith.constant 0 : i32
        %cond3A_414 = arith.cmpi ne, %convert_element_type3A_412, %cond3A_413 : i32
        scf.if %cond3A_414 {
          %sub3A = arith.constant 1 : i32
          %sub3A_511 = arith.subi %add3A_272, %sub3A : i32
          %mul3A_512 = arith.constant 128 : i32
          %mul3A_513 = arith.muli %add3A, %mul3A_512 : i32
          %mul3A_514 = arith.constant 4 : i32
          %mul3A_515 = arith.muli %sub3A_511, %mul3A_514 : i32
          %add3A_516 = arith.addi %mul3A_513, %mul3A_515 : i32
          %dma_wait3A_517 = arith.constant 0 : i32
          %dma_wait3A_518 = arith.constant 0 : i32
          %dma_wait3A_519 = tpu.memref_slice %arg5[%add3A_516, %dma_wait3A_517, %dma_wait3A_518] : memref<4096x200x128xf32, #tpu.memory_space<hbm>> -> memref<4x200x64xf32, #tpu.memory_space<hbm>>
          %dma_wait3A_520 = arith.constant 0 : i32
          %dma_wait3A_521 = arith.constant 0 : i32
          %dma_wait3A_522 = tpu.memref_slice %arg5[%add3A_516, %dma_wait3A_520, %dma_wait3A_521] : memref<4096x200x128xf32, #tpu.memory_space<hbm>> -> memref<4x200x64xf32, #tpu.memory_space<hbm>>
          tpu.wait_dma2 semaphore(%arg15 : memref<!tpu.dma_semaphore, #tpu.memory_space<semaphore_mem>>) src(%arg9 : memref<4x200x64xf32, #tpu.memory_space<vmem>>) dst(%dma_wait3A_522 : memref<4x200x64xf32, #tpu.memory_space<hbm>>)
        } else {
        }
        %dma_start3A_415 = arith.constant 0 : i32
        %dma_start3A_416 = arith.constant 0 : i32
        %dma_start3A_417 = arith.constant 0 : i32
        %dma_start3A_418 = arith.constant 0 : i32
        %dma_start3A_419 = tpu.memref_slice %arg9[%dma_start3A_416, %dma_start3A_417, %dma_start3A_418] : memref<4x200x64xf32, #tpu.memory_space<vmem>> -> memref<1x100x64xf32, #tpu.memory_space<vmem>>
        %dma_start3A_420 = tpu.memref_squeeze %dma_start3A_419 : memref<1x100x64xf32, #tpu.memory_space<vmem>> -> memref<100x64xf32, #tpu.memory_space<vmem>>
        %dma_start3A_421 = arith.constant 0 : i32
        %dma_start3A_422 = tpu.memref_slice %arg7[%dma_start3A_415, %dma_start3A_421] : memref<8x100xi32, #tpu.memory_space<vmem>> -> memref<1x100xi32, #tpu.memory_space<vmem>>
        %dma_start3A_423 = tpu.memref_squeeze %dma_start3A_422 : memref<1x100xi32, #tpu.memory_space<vmem>> -> memref<100xi32, #tpu.memory_space<vmem>>
        %dma_start3A_424 = arith.constant 0 : i32
        %dma_start3A_425 = arith.constant 0 : i32
        %dma_start3A_426 = tpu.memref_slice %arg2[%dma_start3A_424, %dma_start3A_425] : memref<100000x64xf32, #tpu.memory_space<hbm>> -> memref<100000x64xf32, #tpu.memory_space<hbm>>
        tpu.enqueue_indirect_dma source(%dma_start3A_426 : memref<100000x64xf32, #tpu.memory_space<hbm>>) target(%dma_start3A_420 : memref<100x64xf32, #tpu.memory_space<vmem>>) offsets(%dma_start3A_423 : memref<100xi32, #tpu.memory_space<vmem>>) semaphore(%arg13 : memref<!tpu.dma_semaphore, #tpu.memory_space<semaphore_mem>>)
        %dma_start3A_427 = arith.constant 1 : i32
        %dma_start3A_428 = arith.constant 0 : i32
        %dma_start3A_429 = arith.constant 100 : i32
        %dma_start3A_430 = arith.constant 0 : i32
        %dma_start3A_431 = tpu.memref_slice %arg9[%dma_start3A_428, %dma_start3A_429, %dma_start3A_430] : memref<4x200x64xf32, #tpu.memory_space<vmem>> -> memref<1x100x64xf32, #tpu.memory_space<vmem>>
        %dma_start3A_432 = tpu.memref_squeeze %dma_start3A_431 : memref<1x100x64xf32, #tpu.memory_space<vmem>> -> memref<100x64xf32, #tpu.memory_space<vmem>>
        %dma_start3A_433 = arith.constant 0 : i32
        %dma_start3A_434 = tpu.memref_slice %arg7[%dma_start3A_427, %dma_start3A_433] : memref<8x100xi32, #tpu.memory_space<vmem>> -> memref<1x100xi32, #tpu.memory_space<vmem>>
        %dma_start3A_435 = tpu.memref_squeeze %dma_start3A_434 : memref<1x100xi32, #tpu.memory_space<vmem>> -> memref<100xi32, #tpu.memory_space<vmem>>
        %dma_start3A_436 = arith.constant 0 : i32
        %dma_start3A_437 = arith.constant 0 : i32
        %dma_start3A_438 = tpu.memref_slice %arg2[%dma_start3A_436, %dma_start3A_437] : memref<100000x64xf32, #tpu.memory_space<hbm>> -> memref<100000x64xf32, #tpu.memory_space<hbm>>
        tpu.enqueue_indirect_dma source(%dma_start3A_438 : memref<100000x64xf32, #tpu.memory_space<hbm>>) target(%dma_start3A_432 : memref<100x64xf32, #tpu.memory_space<vmem>>) offsets(%dma_start3A_435 : memref<100xi32, #tpu.memory_space<vmem>>) semaphore(%arg13 : memref<!tpu.dma_semaphore, #tpu.memory_space<semaphore_mem>>)
        %dma_start3A_439 = arith.constant 2 : i32
        %dma_start3A_440 = arith.constant 1 : i32
        %dma_start3A_441 = arith.constant 0 : i32
        %dma_start3A_442 = arith.constant 0 : i32
        %dma_start3A_443 = tpu.memref_slice %arg9[%dma_start3A_440, %dma_start3A_441, %dma_start3A_442] : memref<4x200x64xf32, #tpu.memory_space<vmem>> -> memref<1x100x64xf32, #tpu.memory_space<vmem>>
        %dma_start3A_444 = tpu.memref_squeeze %dma_start3A_443 : memref<1x100x64xf32, #tpu.memory_space<vmem>> -> memref<100x64xf32, #tpu.memory_space<vmem>>
        %dma_start3A_445 = arith.constant 0 : i32
        %dma_start3A_446 = tpu.memref_slice %arg7[%dma_start3A_439, %dma_start3A_445] : memref<8x100xi32, #tpu.memory_space<vmem>> -> memref<1x100xi32, #tpu.memory_space<vmem>>
        %dma_start3A_447 = tpu.memref_squeeze %dma_start3A_446 : memref<1x100xi32, #tpu.memory_space<vmem>> -> memref<100xi32, #tpu.memory_space<vmem>>
        %dma_start3A_448 = arith.constant 0 : i32
        %dma_start3A_449 = arith.constant 0 : i32
        %dma_start3A_450 = tpu.memref_slice %arg2[%dma_start3A_448, %dma_start3A_449] : memref<100000x64xf32, #tpu.memory_space<hbm>> -> memref<100000x64xf32, #tpu.memory_space<hbm>>
        tpu.enqueue_indirect_dma source(%dma_start3A_450 : memref<100000x64xf32, #tpu.memory_space<hbm>>) target(%dma_start3A_444 : memref<100x64xf32, #tpu.memory_space<vmem>>) offsets(%dma_start3A_447 : memref<100xi32, #tpu.memory_space<vmem>>) semaphore(%arg13 : memref<!tpu.dma_semaphore, #tpu.memory_space<semaphore_mem>>)
        %dma_start3A_451 = arith.constant 3 : i32
        %dma_start3A_452 = arith.constant 1 : i32
        %dma_start3A_453 = arith.constant 100 : i32
        %dma_start3A_454 = arith.constant 0 : i32
        %dma_start3A_455 = tpu.memref_slice %arg9[%dma_start3A_452, %dma_start3A_453, %dma_start3A_454] : memref<4x200x64xf32, #tpu.memory_space<vmem>> -> memref<1x100x64xf32, #tpu.memory_space<vmem>>
        %dma_start3A_456 = tpu.memref_squeeze %dma_start3A_455 : memref<1x100x64xf32, #tpu.memory_space<vmem>> -> memref<100x64xf32, #tpu.memory_space<vmem>>
        %dma_start3A_457 = arith.constant 0 : i32
        %dma_start3A_458 = tpu.memref_slice %arg7[%dma_start3A_451, %dma_start3A_457] : memref<8x100xi32, #tpu.memory_space<vmem>> -> memref<1x100xi32, #tpu.memory_space<vmem>>
        %dma_start3A_459 = tpu.memref_squeeze %dma_start3A_458 : memref<1x100xi32, #tpu.memory_space<vmem>> -> memref<100xi32, #tpu.memory_space<vmem>>
        %dma_start3A_460 = arith.constant 0 : i32
        %dma_start3A_461 = arith.constant 0 : i32
        %dma_start3A_462 = tpu.memref_slice %arg2[%dma_start3A_460, %dma_start3A_461] : memref<100000x64xf32, #tpu.memory_space<hbm>> -> memref<100000x64xf32, #tpu.memory_space<hbm>>
        tpu.enqueue_indirect_dma source(%dma_start3A_462 : memref<100000x64xf32, #tpu.memory_space<hbm>>) target(%dma_start3A_456 : memref<100x64xf32, #tpu.memory_space<vmem>>) offsets(%dma_start3A_459 : memref<100xi32, #tpu.memory_space<vmem>>) semaphore(%arg13 : memref<!tpu.dma_semaphore, #tpu.memory_space<semaphore_mem>>)
        %dma_start3A_463 = arith.constant 4 : i32
        %dma_start3A_464 = arith.constant 2 : i32
        %dma_start3A_465 = arith.constant 0 : i32
        %dma_start3A_466 = arith.constant 0 : i32
        %dma_start3A_467 = tpu.memref_slice %arg9[%dma_start3A_464, %dma_start3A_465, %dma_start3A_466] : memref<4x200x64xf32, #tpu.memory_space<vmem>> -> memref<1x100x64xf32, #tpu.memory_space<vmem>>
        %dma_start3A_468 = tpu.memref_squeeze %dma_start3A_467 : memref<1x100x64xf32, #tpu.memory_space<vmem>> -> memref<100x64xf32, #tpu.memory_space<vmem>>
        %dma_start3A_469 = arith.constant 0 : i32
        %dma_start3A_470 = tpu.memref_slice %arg7[%dma_start3A_463, %dma_start3A_469] : memref<8x100xi32, #tpu.memory_space<vmem>> -> memref<1x100xi32, #tpu.memory_space<vmem>>
        %dma_start3A_471 = tpu.memref_squeeze %dma_start3A_470 : memref<1x100xi32, #tpu.memory_space<vmem>> -> memref<100xi32, #tpu.memory_space<vmem>>
        %dma_start3A_472 = arith.constant 0 : i32
        %dma_start3A_473 = arith.constant 0 : i32
        %dma_start3A_474 = tpu.memref_slice %arg2[%dma_start3A_472, %dma_start3A_473] : memref<100000x64xf32, #tpu.memory_space<hbm>> -> memref<100000x64xf32, #tpu.memory_space<hbm>>
        tpu.enqueue_indirect_dma source(%dma_start3A_474 : memref<100000x64xf32, #tpu.memory_space<hbm>>) target(%dma_start3A_468 : memref<100x64xf32, #tpu.memory_space<vmem>>) offsets(%dma_start3A_471 : memref<100xi32, #tpu.memory_space<vmem>>) semaphore(%arg13 : memref<!tpu.dma_semaphore, #tpu.memory_space<semaphore_mem>>)
        %dma_start3A_475 = arith.constant 5 : i32
        %dma_start3A_476 = arith.constant 2 : i32
        %dma_start3A_477 = arith.constant 100 : i32
        %dma_start3A_478 = arith.constant 0 : i32
        %dma_start3A_479 = tpu.memref_slice %arg9[%dma_start3A_476, %dma_start3A_477, %dma_start3A_478] : memref<4x200x64xf32, #tpu.memory_space<vmem>> -> memref<1x100x64xf32, #tpu.memory_space<vmem>>
        %dma_start3A_480 = tpu.memref_squeeze %dma_start3A_479 : memref<1x100x64xf32, #tpu.memory_space<vmem>> -> memref<100x64xf32, #tpu.memory_space<vmem>>
        %dma_start3A_481 = arith.constant 0 : i32
        %dma_start3A_482 = tpu.memref_slice %arg7[%dma_start3A_475, %dma_start3A_481] : memref<8x100xi32, #tpu.memory_space<vmem>> -> memref<1x100xi32, #tpu.memory_space<vmem>>
        %dma_start3A_483 = tpu.memref_squeeze %dma_start3A_482 : memref<1x100xi32, #tpu.memory_space<vmem>> -> memref<100xi32, #tpu.memory_space<vmem>>
        %dma_start3A_484 = arith.constant 0 : i32
        %dma_start3A_485 = arith.constant 0 : i32
        %dma_start3A_486 = tpu.memref_slice %arg2[%dma_start3A_484, %dma_start3A_485] : memref<100000x64xf32, #tpu.memory_space<hbm>> -> memref<100000x64xf32, #tpu.memory_space<hbm>>
        tpu.enqueue_indirect_dma source(%dma_start3A_486 : memref<100000x64xf32, #tpu.memory_space<hbm>>) target(%dma_start3A_480 : memref<100x64xf32, #tpu.memory_space<vmem>>) offsets(%dma_start3A_483 : memref<100xi32, #tpu.memory_space<vmem>>) semaphore(%arg13 : memref<!tpu.dma_semaphore, #tpu.memory_space<semaphore_mem>>)
        %dma_start3A_487 = arith.constant 6 : i32
        %dma_start3A_488 = arith.constant 3 : i32
        %dma_start3A_489 = arith.constant 0 : i32
        %dma_start3A_490 = arith.constant 0 : i32
        %dma_start3A_491 = tpu.memref_slice %arg9[%dma_start3A_488, %dma_start3A_489, %dma_start3A_490] : memref<4x200x64xf32, #tpu.memory_space<vmem>> -> memref<1x100x64xf32, #tpu.memory_space<vmem>>
        %dma_start3A_492 = tpu.memref_squeeze %dma_start3A_491 : memref<1x100x64xf32, #tpu.memory_space<vmem>> -> memref<100x64xf32, #tpu.memory_space<vmem>>
        %dma_start3A_493 = arith.constant 0 : i32
        %dma_start3A_494 = tpu.memref_slice %arg7[%dma_start3A_487, %dma_start3A_493] : memref<8x100xi32, #tpu.memory_space<vmem>> -> memref<1x100xi32, #tpu.memory_space<vmem>>
        %dma_start3A_495 = tpu.memref_squeeze %dma_start3A_494 : memref<1x100xi32, #tpu.memory_space<vmem>> -> memref<100xi32, #tpu.memory_space<vmem>>
        %dma_start3A_496 = arith.constant 0 : i32
        %dma_start3A_497 = arith.constant 0 : i32
        %dma_start3A_498 = tpu.memref_slice %arg2[%dma_start3A_496, %dma_start3A_497] : memref<100000x64xf32, #tpu.memory_space<hbm>> -> memref<100000x64xf32, #tpu.memory_space<hbm>>
        tpu.enqueue_indirect_dma source(%dma_start3A_498 : memref<100000x64xf32, #tpu.memory_space<hbm>>) target(%dma_start3A_492 : memref<100x64xf32, #tpu.memory_space<vmem>>) offsets(%dma_start3A_495 : memref<100xi32, #tpu.memory_space<vmem>>) semaphore(%arg13 : memref<!tpu.dma_semaphore, #tpu.memory_space<semaphore_mem>>)
        %dma_start3A_499 = arith.constant 7 : i32
        %dma_start3A_500 = arith.constant 3 : i32
        %dma_start3A_501 = arith.constant 100 : i32
        %dma_start3A_502 = arith.constant 0 : i32
        %dma_start3A_503 = tpu.memref_slice %arg9[%dma_start3A_500, %dma_start3A_501, %dma_start3A_502] : memref<4x200x64xf32, #tpu.memory_space<vmem>> -> memref<1x100x64xf32, #tpu.memory_space<vmem>>
        %dma_start3A_504 = tpu.memref_squeeze %dma_start3A_503 : memref<1x100x64xf32, #tpu.memory_space<vmem>> -> memref<100x64xf32, #tpu.memory_space<vmem>>
        %dma_start3A_505 = arith.constant 0 : i32
        %dma_start3A_506 = tpu.memref_slice %arg7[%dma_start3A_499, %dma_start3A_505] : memref<8x100xi32, #tpu.memory_space<vmem>> -> memref<1x100xi32, #tpu.memory_space<vmem>>
        %dma_start3A_507 = tpu.memref_squeeze %dma_start3A_506 : memref<1x100xi32, #tpu.memory_space<vmem>> -> memref<100xi32, #tpu.memory_space<vmem>>
        %dma_start3A_508 = arith.constant 0 : i32
        %dma_start3A_509 = arith.constant 0 : i32
        %dma_start3A_510 = tpu.memref_slice %arg2[%dma_start3A_508, %dma_start3A_509] : memref<100000x64xf32, #tpu.memory_space<hbm>> -> memref<100000x64xf32, #tpu.memory_space<hbm>>
        tpu.enqueue_indirect_dma source(%dma_start3A_510 : memref<100000x64xf32, #tpu.memory_space<hbm>>) target(%dma_start3A_504 : memref<100x64xf32, #tpu.memory_space<vmem>>) offsets(%dma_start3A_507 : memref<100xi32, #tpu.memory_space<vmem>>) semaphore(%arg13 : memref<!tpu.dma_semaphore, #tpu.memory_space<semaphore_mem>>)
      } else {
      }
      %scan3A_383 = arith.constant 0 : i32
      %scan3A_384 = arith.constant 0 : i32
      %scan3A_385 = arith.constant 200 : i32
      %scan3A_386 = arith.addi %scan3A_384, %scan3A_385 : i32
      %scan3A_387 = arith.constant 4 : i32
      scf.for %scan3A_400 = %scan3A_384 to %scan3A_386 step %scan3A_387  : i32 {
        %get3A = arith.index_cast %scan3A_400 : i32 to index
        %get3A_401 = arith.constant 0 : index
        %get3A_402 = tpu.vector_load %arg6[%get3A, %get3A_401] {strides = array<i32>} : memref<200x64xf32, #tpu.memory_space<vmem>>, vector<1x16xf32>,
        %get3A_403 = vector.shape_cast %get3A_402 : vector<1x16xf32> to vector<16xf32>
        %get3A_404 = arith.index_cast %scan3A_400 : i32 to index
        %get3A_405 = arith.constant 16 : index
        %get3A_406 = tpu.vector_load %arg6[%get3A_404, %get3A_405] {strides = array<i32>} : memref<200x64xf32, #tpu.memory_space<vmem>>, vector<1x16xf32>,
        %get3A_407 = vector.shape_cast %get3A_406 : vector<1x16xf32> to vector<16xf32>
        %get3A_408 = arith.index_cast %scan3A_400 : i32 to index
        %get3A_409 = arith.constant 32 : index
        %get3A_410 = tpu.vector_load %arg6[%get3A_408, %get3A_409] {strides = array<i32>} : memref<200x64xf32, #tpu.memory_space<vmem>>, vector<1x16xf32>,
        %get3A_411 = vector.shape_cast %get3A_410 : vector<1x16xf32> to vector<16xf32>
        %get3A_412 = arith.index_cast %scan3A_400 : i32 to index
        %get3A_413 = arith.constant 48 : index
        %get3A_414 = tpu.vector_load %arg6[%get3A_412, %get3A_413] {strides = array<i32>} : memref<200x64xf32, #tpu.memory_space<vmem>>, vector<1x16xf32>,
        %get3A_415 = vector.shape_cast %get3A_414 : vector<1x16xf32> to vector<16xf32>
        %swap3A = arith.constant 0 : i32
        %swap3A_416 = arith.index_cast %swap3A : i32 to index
        %swap3A_417 = arith.index_cast %scan3A_400 : i32 to index
        %swap3A_418 = arith.constant 0 : index
        %swap3A_419 = tpu.vector_load %arg10[%swap3A_416, %swap3A_417, %swap3A_418] {strides = array<i32>} : memref<4x200x64xf32, #tpu.memory_space<vmem>>, vector<1x1x16xf32>,
        %swap3A_420 = vector.shape_cast %swap3A_419 : vector<1x1x16xf32> to vector<16xf32>
        %swap3A_421 = vector.shape_cast %get3A_403 : vector<16xf32> to vector<1x1x16xf32>
        tpu.vector_store %arg10[%swap3A_416, %swap3A_417, %swap3A_418], %swap3A_421 {add = true, strides = array<i32>} : memref<4x200x64xf32, #tpu.memory_space<vmem>>, vector<1x1x16xf32>,
        %swap3A_422 = arith.constant 0 : i32
        %swap3A_423 = arith.index_cast %swap3A_422 : i32 to index
        %swap3A_424 = arith.index_cast %scan3A_400 : i32 to index
        %swap3A_425 = arith.constant 16 : index
        %swap3A_426 = tpu.vector_load %arg10[%swap3A_423, %swap3A_424, %swap3A_425] {strides = array<i32>} : memref<4x200x64xf32, #tpu.memory_space<vmem>>, vector<1x1x16xf32>,
        %swap3A_427 = vector.shape_cast %swap3A_426 : vector<1x1x16xf32> to vector<16xf32>
        %swap3A_428 = vector.shape_cast %get3A_407 : vector<16xf32> to vector<1x1x16xf32>
        tpu.vector_store %arg10[%swap3A_423, %swap3A_424, %swap3A_425], %swap3A_428 {add = true, strides = array<i32>} : memref<4x200x64xf32, #tpu.memory_space<vmem>>, vector<1x1x16xf32>,
        %swap3A_429 = arith.constant 0 : i32
        %swap3A_430 = arith.index_cast %swap3A_429 : i32 to index
        %swap3A_431 = arith.index_cast %scan3A_400 : i32 to index
        %swap3A_432 = arith.constant 32 : index
        %swap3A_433 = tpu.vector_load %arg10[%swap3A_430, %swap3A_431, %swap3A_432] {strides = array<i32>} : memref<4x200x64xf32, #tpu.memory_space<vmem>>, vector<1x1x16xf32>,
        %swap3A_434 = vector.shape_cast %swap3A_433 : vector<1x1x16xf32> to vector<16xf32>
        %swap3A_435 = vector.shape_cast %get3A_411 : vector<16xf32> to vector<1x1x16xf32>
        tpu.vector_store %arg10[%swap3A_430, %swap3A_431, %swap3A_432], %swap3A_435 {add = true, strides = array<i32>} : memref<4x200x64xf32, #tpu.memory_space<vmem>>, vector<1x1x16xf32>,
        %swap3A_436 = arith.constant 0 : i32
        %swap3A_437 = arith.index_cast %swap3A_436 : i32 to index
        %swap3A_438 = arith.index_cast %scan3A_400 : i32 to index
        %swap3A_439 = arith.constant 48 : index
        %swap3A_440 = tpu.vector_load %arg10[%swap3A_437, %swap3A_438, %swap3A_439] {strides = array<i32>} : memref<4x200x64xf32, #tpu.memory_space<vmem>>, vector<1x1x16xf32>,
        %swap3A_441 = vector.shape_cast %swap3A_440 : vector<1x1x16xf32> to vector<16xf32>
        %swap3A_442 = vector.shape_cast %get3A_415 : vector<16xf32> to vector<1x1x16xf32>
        tpu.vector_store %arg10[%swap3A_437, %swap3A_438, %swap3A_439], %swap3A_442 {add = true, strides = array<i32>} : memref<4x200x64xf32, #tpu.memory_space<vmem>>, vector<1x1x16xf32>,
        %swap3A_443 = arith.constant 1 : i32
        %swap3A_444 = arith.index_cast %swap3A_443 : i32 to index
        %swap3A_445 = arith.index_cast %scan3A_400 : i32 to index
        %swap3A_446 = arith.constant 0 : index
        %swap3A_447 = tpu.vector_load %arg10[%swap3A_444, %swap3A_445, %swap3A_446] {strides = array<i32>} : memref<4x200x64xf32, #tpu.memory_space<vmem>>, vector<1x1x16xf32>,
        %swap3A_448 = vector.shape_cast %swap3A_447 : vector<1x1x16xf32> to vector<16xf32>
        %swap3A_449 = vector.shape_cast %get3A_403 : vector<16xf32> to vector<1x1x16xf32>
        tpu.vector_store %arg10[%swap3A_444, %swap3A_445, %swap3A_446], %swap3A_449 {add = true, strides = array<i32>} : memref<4x200x64xf32, #tpu.memory_space<vmem>>, vector<1x1x16xf32>,
        %swap3A_450 = arith.constant 1 : i32
        %swap3A_451 = arith.index_cast %swap3A_450 : i32 to index
        %swap3A_452 = arith.index_cast %scan3A_400 : i32 to index
        %swap3A_453 = arith.constant 16 : index
        %swap3A_454 = tpu.vector_load %arg10[%swap3A_451, %swap3A_452, %swap3A_453] {strides = array<i32>} : memref<4x200x64xf32, #tpu.memory_space<vmem>>, vector<1x1x16xf32>,
        %swap3A_455 = vector.shape_cast %swap3A_454 : vector<1x1x16xf32> to vector<16xf32>
        %swap3A_456 = vector.shape_cast %get3A_407 : vector<16xf32> to vector<1x1x16xf32>
        tpu.vector_store %arg10[%swap3A_451, %swap3A_452, %swap3A_453], %swap3A_456 {add = true, strides = array<i32>} : memref<4x200x64xf32, #tpu.memory_space<vmem>>, vector<1x1x16xf32>,
        %swap3A_457 = arith.constant 1 : i32
        %swap3A_458 = arith.index_cast %swap3A_457 : i32 to index
        %swap3A_459 = arith.index_cast %scan3A_400 : i32 to index
        %swap3A_460 = arith.constant 32 : index
        %swap3A_461 = tpu.vector_load %arg10[%swap3A_458, %swap3A_459, %swap3A_460] {strides = array<i32>} : memref<4x200x64xf32, #tpu.memory_space<vmem>>, vector<1x1x16xf32>,
        %swap3A_462 = vector.shape_cast %swap3A_461 : vector<1x1x16xf32> to vector<16xf32>
        %swap3A_463 = vector.shape_cast %get3A_411 : vector<16xf32> to vector<1x1x16xf32>
        tpu.vector_store %arg10[%swap3A_458, %swap3A_459, %swap3A_460], %swap3A_463 {add = true, strides = array<i32>} : memref<4x200x64xf32, #tpu.memory_space<vmem>>, vector<1x1x16xf32>,
        %swap3A_464 = arith.constant 1 : i32
        %swap3A_465 = arith.index_cast %swap3A_464 : i32 to index
        %swap3A_466 = arith.index_cast %scan3A_400 : i32 to index
        %swap3A_467 = arith.constant 48 : index
        %swap3A_468 = tpu.vector_load %arg10[%swap3A_465, %swap3A_466, %swap3A_467] {strides = array<i32>} : memref<4x200x64xf32, #tpu.memory_space<vmem>>, vector<1x1x16xf32>,
        %swap3A_469 = vector.shape_cast %swap3A_468 : vector<1x1x16xf32> to vector<16xf32>
        %swap3A_470 = vector.shape_cast %get3A_415 : vector<16xf32> to vector<1x1x16xf32>
        tpu.vector_store %arg10[%swap3A_465, %swap3A_466, %swap3A_467], %swap3A_470 {add = true, strides = array<i32>} : memref<4x200x64xf32, #tpu.memory_space<vmem>>, vector<1x1x16xf32>,
        %swap3A_471 = arith.constant 2 : i32
        %swap3A_472 = arith.index_cast %swap3A_471 : i32 to index
        %swap3A_473 = arith.index_cast %scan3A_400 : i32 to index
        %swap3A_474 = arith.constant 0 : index
        %swap3A_475 = tpu.vector_load %arg10[%swap3A_472, %swap3A_473, %swap3A_474] {strides = array<i32>} : memref<4x200x64xf32, #tpu.memory_space<vmem>>, vector<1x1x16xf32>,
        %swap3A_476 = vector.shape_cast %swap3A_475 : vector<1x1x16xf32> to vector<16xf32>
        %swap3A_477 = vector.shape_cast %get3A_403 : vector<16xf32> to vector<1x1x16xf32>
        tpu.vector_store %arg10[%swap3A_472, %swap3A_473, %swap3A_474], %swap3A_477 {add = true, strides = array<i32>} : memref<4x200x64xf32, #tpu.memory_space<vmem>>, vector<1x1x16xf32>,
        %swap3A_478 = arith.constant 2 : i32
        %swap3A_479 = arith.index_cast %swap3A_478 : i32 to index
        %swap3A_480 = arith.index_cast %scan3A_400 : i32 to index
        %swap3A_481 = arith.constant 16 : index
        %swap3A_482 = tpu.vector_load %arg10[%swap3A_479, %swap3A_480, %swap3A_481] {strides = array<i32>} : memref<4x200x64xf32, #tpu.memory_space<vmem>>, vector<1x1x16xf32>,
        %swap3A_483 = vector.shape_cast %swap3A_482 : vector<1x1x16xf32> to vector<16xf32>
        %swap3A_484 = vector.shape_cast %get3A_407 : vector<16xf32> to vector<1x1x16xf32>
        tpu.vector_store %arg10[%swap3A_479, %swap3A_480, %swap3A_481], %swap3A_484 {add = true, strides = array<i32>} : memref<4x200x64xf32, #tpu.memory_space<vmem>>, vector<1x1x16xf32>,
        %swap3A_485 = arith.constant 2 : i32
        %swap3A_486 = arith.index_cast %swap3A_485 : i32 to index
        %swap3A_487 = arith.index_cast %scan3A_400 : i32 to index
        %swap3A_488 = arith.constant 32 : index
        %swap3A_489 = tpu.vector_load %arg10[%swap3A_486, %swap3A_487, %swap3A_488] {strides = array<i32>} : memref<4x200x64xf32, #tpu.memory_space<vmem>>, vector<1x1x16xf32>,
        %swap3A_490 = vector.shape_cast %swap3A_489 : vector<1x1x16xf32> to vector<16xf32>
        %swap3A_491 = vector.shape_cast %get3A_411 : vector<16xf32> to vector<1x1x16xf32>
        tpu.vector_store %arg10[%swap3A_486, %swap3A_487, %swap3A_488], %swap3A_491 {add = true, strides = array<i32>} : memref<4x200x64xf32, #tpu.memory_space<vmem>>, vector<1x1x16xf32>,
        %swap3A_492 = arith.constant 2 : i32
        %swap3A_493 = arith.index_cast %swap3A_492 : i32 to index
        %swap3A_494 = arith.index_cast %scan3A_400 : i32 to index
        %swap3A_495 = arith.constant 48 : index
        %swap3A_496 = tpu.vector_load %arg10[%swap3A_493, %swap3A_494, %swap3A_495] {strides = array<i32>} : memref<4x200x64xf32, #tpu.memory_space<vmem>>, vector<1x1x16xf32>,
        %swap3A_497 = vector.shape_cast %swap3A_496 : vector<1x1x16xf32> to vector<16xf32>
        %swap3A_498 = vector.shape_cast %get3A_415 : vector<16xf32> to vector<1x1x16xf32>
        tpu.vector_store %arg10[%swap3A_493, %swap3A_494, %swap3A_495], %swap3A_498 {add = true, strides = array<i32>} : memref<4x200x64xf32, #tpu.memory_space<vmem>>, vector<1x1x16xf32>,
        %swap3A_499 = arith.constant 3 : i32
        %swap3A_500 = arith.index_cast %swap3A_499 : i32 to index
        %swap3A_501 = arith.index_cast %scan3A_400 : i32 to index
        %swap3A_502 = arith.constant 0 : index
        %swap3A_503 = tpu.vector_load %arg10[%swap3A_500, %swap3A_501, %swap3A_502] {strides = array<i32>} : memref<4x200x64xf32, #tpu.memory_space<vmem>>, vector<1x1x16xf32>,
        %swap3A_504 = vector.shape_cast %swap3A_503 : vector<1x1x16xf32> to vector<16xf32>
        %swap3A_505 = vector.shape_cast %get3A_403 : vector<16xf32> to vector<1x1x16xf32>
        tpu.vector_store %arg10[%swap3A_500, %swap3A_501, %swap3A_502], %swap3A_505 {add = true, strides = array<i32>} : memref<4x200x64xf32, #tpu.memory_space<vmem>>, vector<1x1x16xf32>,
        %swap3A_506 = arith.constant 3 : i32
        %swap3A_507 = arith.index_cast %swap3A_506 : i32 to index
        %swap3A_508 = arith.index_cast %scan3A_400 : i32 to index
        %swap3A_509 = arith.constant 16 : index
        %swap3A_510 = tpu.vector_load %arg10[%swap3A_507, %swap3A_508, %swap3A_509] {strides = array<i32>} : memref<4x200x64xf32, #tpu.memory_space<vmem>>, vector<1x1x16xf32>,
        %swap3A_511 = vector.shape_cast %swap3A_510 : vector<1x1x16xf32> to vector<16xf32>
        %swap3A_512 = vector.shape_cast %get3A_407 : vector<16xf32> to vector<1x1x16xf32>
        tpu.vector_store %arg10[%swap3A_507, %swap3A_508, %swap3A_509], %swap3A_512 {add = true, strides = array<i32>} : memref<4x200x64xf32, #tpu.memory_space<vmem>>, vector<1x1x16xf32>,
        %swap3A_513 = arith.constant 3 : i32
        %swap3A_514 = arith.index_cast %swap3A_513 : i32 to index
        %swap3A_515 = arith.index_cast %scan3A_400 : i32 to index
        %swap3A_516 = arith.constant 32 : index
        %swap3A_517 = tpu.vector_load %arg10[%swap3A_514, %swap3A_515, %swap3A_516] {strides = array<i32>} : memref<4x200x64xf32, #tpu.memory_space<vmem>>, vector<1x1x16xf32>,
        %swap3A_518 = vector.shape_cast %swap3A_517 : vector<1x1x16xf32> to vector<16xf32>
        %swap3A_519 = vector.shape_cast %get3A_411 : vector<16xf32> to vector<1x1x16xf32>
        tpu.vector_store %arg10[%swap3A_514, %swap3A_515, %swap3A_516], %swap3A_519 {add = true, strides = array<i32>} : memref<4x200x64xf32, #tpu.memory_space<vmem>>, vector<1x1x16xf32>,
        %swap3A_520 = arith.constant 3 : i32
        %swap3A_521 = arith.index_cast %swap3A_520 : i32 to index
        %swap3A_522 = arith.index_cast %scan3A_400 : i32 to index
        %swap3A_523 = arith.constant 48 : index
        %swap3A_524 = tpu.vector_load %arg10[%swap3A_521, %swap3A_522, %swap3A_523] {strides = array<i32>} : memref<4x200x64xf32, #tpu.memory_space<vmem>>, vector<1x1x16xf32>,
        %swap3A_525 = vector.shape_cast %swap3A_524 : vector<1x1x16xf32> to vector<16xf32>
        %swap3A_526 = vector.shape_cast %get3A_415 : vector<16xf32> to vector<1x1x16xf32>
        tpu.vector_store %arg10[%swap3A_521, %swap3A_522, %swap3A_523], %swap3A_526 {add = true, strides = array<i32>} : memref<4x200x64xf32, #tpu.memory_space<vmem>>, vector<1x1x16xf32>,
        %scan3A_527 = arith.constant 1 : i32
        %scan3A_528 = arith.addi %scan3A_400, %scan3A_527 : i32
        %get3A_529 = arith.index_cast %scan3A_528 : i32 to index
        %get3A_530 = arith.constant 0 : index
        %get3A_531 = tpu.vector_load %arg6[%get3A_529, %get3A_530] {strides = array<i32>} : memref<200x64xf32, #tpu.memory_space<vmem>>, vector<1x16xf32>,
        %get3A_532 = vector.shape_cast %get3A_531 : vector<1x16xf32> to vector<16xf32>
        %get3A_533 = arith.index_cast %scan3A_528 : i32 to index
        %get3A_534 = arith.constant 16 : index
        %get3A_535 = tpu.vector_load %arg6[%get3A_533, %get3A_534] {strides = array<i32>} : memref<200x64xf32, #tpu.memory_space<vmem>>, vector<1x16xf32>,
        %get3A_536 = vector.shape_cast %get3A_535 : vector<1x16xf32> to vector<16xf32>
        %get3A_537 = arith.index_cast %scan3A_528 : i32 to index
        %get3A_538 = arith.constant 32 : index
        %get3A_539 = tpu.vector_load %arg6[%get3A_537, %get3A_538] {strides = array<i32>} : memref<200x64xf32, #tpu.memory_space<vmem>>, vector<1x16xf32>,
        %get3A_540 = vector.shape_cast %get3A_539 : vector<1x16xf32> to vector<16xf32>
        %get3A_541 = arith.index_cast %scan3A_528 : i32 to index
        %get3A_542 = arith.constant 48 : index
        %get3A_543 = tpu.vector_load %arg6[%get3A_541, %get3A_542] {strides = array<i32>} : memref<200x64xf32, #tpu.memory_space<vmem>>, vector<1x16xf32>,
        %get3A_544 = vector.shape_cast %get3A_543 : vector<1x16xf32> to vector<16xf32>
        %swap3A_545 = arith.constant 0 : i32
        %swap3A_546 = arith.index_cast %swap3A_545 : i32 to index
        %swap3A_547 = arith.index_cast %scan3A_528 : i32 to index
        %swap3A_548 = arith.constant 0 : index
        %swap3A_549 = tpu.vector_load %arg10[%swap3A_546, %swap3A_547, %swap3A_548] {strides = array<i32>} : memref<4x200x64xf32, #tpu.memory_space<vmem>>, vector<1x1x16xf32>,
        %swap3A_550 = vector.shape_cast %swap3A_549 : vector<1x1x16xf32> to vector<16xf32>
        %swap3A_551 = vector.shape_cast %get3A_532 : vector<16xf32> to vector<1x1x16xf32>
        tpu.vector_store %arg10[%swap3A_546, %swap3A_547, %swap3A_548], %swap3A_551 {add = true, strides = array<i32>} : memref<4x200x64xf32, #tpu.memory_space<vmem>>, vector<1x1x16xf32>,
        %swap3A_552 = arith.constant 0 : i32
        %swap3A_553 = arith.index_cast %swap3A_552 : i32 to index
        %swap3A_554 = arith.index_cast %scan3A_528 : i32 to index
        %swap3A_555 = arith.constant 16 : index
        %swap3A_556 = tpu.vector_load %arg10[%swap3A_553, %swap3A_554, %swap3A_555] {strides = array<i32>} : memref<4x200x64xf32, #tpu.memory_space<vmem>>, vector<1x1x16xf32>,
        %swap3A_557 = vector.shape_cast %swap3A_556 : vector<1x1x16xf32> to vector<16xf32>
        %swap3A_558 = vector.shape_cast %get3A_536 : vector<16xf32> to vector<1x1x16xf32>
        tpu.vector_store %arg10[%swap3A_553, %swap3A_554, %swap3A_555], %swap3A_558 {add = true, strides = array<i32>} : memref<4x200x64xf32, #tpu.memory_space<vmem>>, vector<1x1x16xf32>,
        %swap3A_559 = arith.constant 0 : i32
        %swap3A_560 = arith.index_cast %swap3A_559 : i32 to index
        %swap3A_561 = arith.index_cast %scan3A_528 : i32 to index
        %swap3A_562 = arith.constant 32 : index
        %swap3A_563 = tpu.vector_load %arg10[%swap3A_560, %swap3A_561, %swap3A_562] {strides = array<i32>} : memref<4x200x64xf32, #tpu.memory_space<vmem>>, vector<1x1x16xf32>,
        %swap3A_564 = vector.shape_cast %swap3A_563 : vector<1x1x16xf32> to vector<16xf32>
        %swap3A_565 = vector.shape_cast %get3A_540 : vector<16xf32> to vector<1x1x16xf32>
        tpu.vector_store %arg10[%swap3A_560, %swap3A_561, %swap3A_562], %swap3A_565 {add = true, strides = array<i32>} : memref<4x200x64xf32, #tpu.memory_space<vmem>>, vector<1x1x16xf32>,
        %swap3A_566 = arith.constant 0 : i32
        %swap3A_567 = arith.index_cast %swap3A_566 : i32 to index
        %swap3A_568 = arith.index_cast %scan3A_528 : i32 to index
        %swap3A_569 = arith.constant 48 : index
        %swap3A_570 = tpu.vector_load %arg10[%swap3A_567, %swap3A_568, %swap3A_569] {strides = array<i32>} : memref<4x200x64xf32, #tpu.memory_space<vmem>>, vector<1x1x16xf32>,
        %swap3A_571 = vector.shape_cast %swap3A_570 : vector<1x1x16xf32> to vector<16xf32>
        %swap3A_572 = vector.shape_cast %get3A_544 : vector<16xf32> to vector<1x1x16xf32>
        tpu.vector_store %arg10[%swap3A_567, %swap3A_568, %swap3A_569], %swap3A_572 {add = true, strides = array<i32>} : memref<4x200x64xf32, #tpu.memory_space<vmem>>, vector<1x1x16xf32>,
        %swap3A_573 = arith.constant 1 : i32
        %swap3A_574 = arith.index_cast %swap3A_573 : i32 to index
        %swap3A_575 = arith.index_cast %scan3A_528 : i32 to index
        %swap3A_576 = arith.constant 0 : index
        %swap3A_577 = tpu.vector_load %arg10[%swap3A_574, %swap3A_575, %swap3A_576] {strides = array<i32>} : memref<4x200x64xf32, #tpu.memory_space<vmem>>, vector<1x1x16xf32>,
        %swap3A_578 = vector.shape_cast %swap3A_577 : vector<1x1x16xf32> to vector<16xf32>
        %swap3A_579 = vector.shape_cast %get3A_532 : vector<16xf32> to vector<1x1x16xf32>
        tpu.vector_store %arg10[%swap3A_574, %swap3A_575, %swap3A_576], %swap3A_579 {add = true, strides = array<i32>} : memref<4x200x64xf32, #tpu.memory_space<vmem>>, vector<1x1x16xf32>,
        %swap3A_580 = arith.constant 1 : i32
        %swap3A_581 = arith.index_cast %swap3A_580 : i32 to index
        %swap3A_582 = arith.index_cast %scan3A_528 : i32 to index
        %swap3A_583 = arith.constant 16 : index
        %swap3A_584 = tpu.vector_load %arg10[%swap3A_581, %swap3A_582, %swap3A_583] {strides = array<i32>} : memref<4x200x64xf32, #tpu.memory_space<vmem>>, vector<1x1x16xf32>,
        %swap3A_585 = vector.shape_cast %swap3A_584 : vector<1x1x16xf32> to vector<16xf32>
        %swap3A_586 = vector.shape_cast %get3A_536 : vector<16xf32> to vector<1x1x16xf32>
        tpu.vector_store %arg10[%swap3A_581, %swap3A_582, %swap3A_583], %swap3A_586 {add = true, strides = array<i32>} : memref<4x200x64xf32, #tpu.memory_space<vmem>>, vector<1x1x16xf32>,
        %swap3A_587 = arith.constant 1 : i32
        %swap3A_588 = arith.index_cast %swap3A_587 : i32 to index
        %swap3A_589 = arith.index_cast %scan3A_528 : i32 to index
        %swap3A_590 = arith.constant 32 : index
        %swap3A_591 = tpu.vector_load %arg10[%swap3A_588, %swap3A_589, %swap3A_590] {strides = array<i32>} : memref<4x200x64xf32, #tpu.memory_space<vmem>>, vector<1x1x16xf32>,
        %swap3A_592 = vector.shape_cast %swap3A_591 : vector<1x1x16xf32> to vector<16xf32>
        %swap3A_593 = vector.shape_cast %get3A_540 : vector<16xf32> to vector<1x1x16xf32>
        tpu.vector_store %arg10[%swap3A_588, %swap3A_589, %swap3A_590], %swap3A_593 {add = true, strides = array<i32>} : memref<4x200x64xf32, #tpu.memory_space<vmem>>, vector<1x1x16xf32>,
        %swap3A_594 = arith.constant 1 : i32
        %swap3A_595 = arith.index_cast %swap3A_594 : i32 to index
        %swap3A_596 = arith.index_cast %scan3A_528 : i32 to index
        %swap3A_597 = arith.constant 48 : index
        %swap3A_598 = tpu.vector_load %arg10[%swap3A_595, %swap3A_596, %swap3A_597] {strides = array<i32>} : memref<4x200x64xf32, #tpu.memory_space<vmem>>, vector<1x1x16xf32>,
        %swap3A_599 = vector.shape_cast %swap3A_598 : vector<1x1x16xf32> to vector<16xf32>
        %swap3A_600 = vector.shape_cast %get3A_544 : vector<16xf32> to vector<1x1x16xf32>
        tpu.vector_store %arg10[%swap3A_595, %swap3A_596, %swap3A_597], %swap3A_600 {add = true, strides = array<i32>} : memref<4x200x64xf32, #tpu.memory_space<vmem>>, vector<1x1x16xf32>,
        %swap3A_601 = arith.constant 2 : i32
        %swap3A_602 = arith.index_cast %swap3A_601 : i32 to index
        %swap3A_603 = arith.index_cast %scan3A_528 : i32 to index
        %swap3A_604 = arith.constant 0 : index
        %swap3A_605 = tpu.vector_load %arg10[%swap3A_602, %swap3A_603, %swap3A_604] {strides = array<i32>} : memref<4x200x64xf32, #tpu.memory_space<vmem>>, vector<1x1x16xf32>,
        %swap3A_606 = vector.shape_cast %swap3A_605 : vector<1x1x16xf32> to vector<16xf32>
        %swap3A_607 = vector.shape_cast %get3A_532 : vector<16xf32> to vector<1x1x16xf32>
        tpu.vector_store %arg10[%swap3A_602, %swap3A_603, %swap3A_604], %swap3A_607 {add = true, strides = array<i32>} : memref<4x200x64xf32, #tpu.memory_space<vmem>>, vector<1x1x16xf32>,
        %swap3A_608 = arith.constant 2 : i32
        %swap3A_609 = arith.index_cast %swap3A_608 : i32 to index
        %swap3A_610 = arith.index_cast %scan3A_528 : i32 to index
        %swap3A_611 = arith.constant 16 : index
        %swap3A_612 = tpu.vector_load %arg10[%swap3A_609, %swap3A_610, %swap3A_611] {strides = array<i32>} : memref<4x200x64xf32, #tpu.memory_space<vmem>>, vector<1x1x16xf32>,
        %swap3A_613 = vector.shape_cast %swap3A_612 : vector<1x1x16xf32> to vector<16xf32>
        %swap3A_614 = vector.shape_cast %get3A_536 : vector<16xf32> to vector<1x1x16xf32>
        tpu.vector_store %arg10[%swap3A_609, %swap3A_610, %swap3A_611], %swap3A_614 {add = true, strides = array<i32>} : memref<4x200x64xf32, #tpu.memory_space<vmem>>, vector<1x1x16xf32>,
        %swap3A_615 = arith.constant 2 : i32
        %swap3A_616 = arith.index_cast %swap3A_615 : i32 to index
        %swap3A_617 = arith.index_cast %scan3A_528 : i32 to index
        %swap3A_618 = arith.constant 32 : index
        %swap3A_619 = tpu.vector_load %arg10[%swap3A_616, %swap3A_617, %swap3A_618] {strides = array<i32>} : memref<4x200x64xf32, #tpu.memory_space<vmem>>, vector<1x1x16xf32>,
        %swap3A_620 = vector.shape_cast %swap3A_619 : vector<1x1x16xf32> to vector<16xf32>
        %swap3A_621 = vector.shape_cast %get3A_540 : vector<16xf32> to vector<1x1x16xf32>
        tpu.vector_store %arg10[%swap3A_616, %swap3A_617, %swap3A_618], %swap3A_621 {add = true, strides = array<i32>} : memref<4x200x64xf32, #tpu.memory_space<vmem>>, vector<1x1x16xf32>,
        %swap3A_622 = arith.constant 2 : i32
        %swap3A_623 = arith.index_cast %swap3A_622 : i32 to index
        %swap3A_624 = arith.index_cast %scan3A_528 : i32 to index
        %swap3A_625 = arith.constant 48 : index
        %swap3A_626 = tpu.vector_load %arg10[%swap3A_623, %swap3A_624, %swap3A_625] {strides = array<i32>} : memref<4x200x64xf32, #tpu.memory_space<vmem>>, vector<1x1x16xf32>,
        %swap3A_627 = vector.shape_cast %swap3A_626 : vector<1x1x16xf32> to vector<16xf32>
        %swap3A_628 = vector.shape_cast %get3A_544 : vector<16xf32> to vector<1x1x16xf32>
        tpu.vector_store %arg10[%swap3A_623, %swap3A_624, %swap3A_625], %swap3A_628 {add = true, strides = array<i32>} : memref<4x200x64xf32, #tpu.memory_space<vmem>>, vector<1x1x16xf32>,
        %swap3A_629 = arith.constant 3 : i32
        %swap3A_630 = arith.index_cast %swap3A_629 : i32 to index
        %swap3A_631 = arith.index_cast %scan3A_528 : i32 to index
        %swap3A_632 = arith.constant 0 : index
        %swap3A_633 = tpu.vector_load %arg10[%swap3A_630, %swap3A_631, %swap3A_632] {strides = array<i32>} : memref<4x200x64xf32, #tpu.memory_space<vmem>>, vector<1x1x16xf32>,
        %swap3A_634 = vector.shape_cast %swap3A_633 : vector<1x1x16xf32> to vector<16xf32>
        %swap3A_635 = vector.shape_cast %get3A_532 : vector<16xf32> to vector<1x1x16xf32>
        tpu.vector_store %arg10[%swap3A_630, %swap3A_631, %swap3A_632], %swap3A_635 {add = true, strides = array<i32>} : memref<4x200x64xf32, #tpu.memory_space<vmem>>, vector<1x1x16xf32>,
        %swap3A_636 = arith.constant 3 : i32
        %swap3A_637 = arith.index_cast %swap3A_636 : i32 to index
        %swap3A_638 = arith.index_cast %scan3A_528 : i32 to index
        %swap3A_639 = arith.constant 16 : index
        %swap3A_640 = tpu.vector_load %arg10[%swap3A_637, %swap3A_638, %swap3A_639] {strides = array<i32>} : memref<4x200x64xf32, #tpu.memory_space<vmem>>, vector<1x1x16xf32>,
        %swap3A_641 = vector.shape_cast %swap3A_640 : vector<1x1x16xf32> to vector<16xf32>
        %swap3A_642 = vector.shape_cast %get3A_536 : vector<16xf32> to vector<1x1x16xf32>
        tpu.vector_store %arg10[%swap3A_637, %swap3A_638, %swap3A_639], %swap3A_642 {add = true, strides = array<i32>} : memref<4x200x64xf32, #tpu.memory_space<vmem>>, vector<1x1x16xf32>,
        %swap3A_643 = arith.constant 3 : i32
        %swap3A_644 = arith.index_cast %swap3A_643 : i32 to index
        %swap3A_645 = arith.index_cast %scan3A_528 : i32 to index
        %swap3A_646 = arith.constant 32 : index
        %swap3A_647 = tpu.vector_load %arg10[%swap3A_644, %swap3A_645, %swap3A_646] {strides = array<i32>} : memref<4x200x64xf32, #tpu.memory_space<vmem>>, vector<1x1x16xf32>,
        %swap3A_648 = vector.shape_cast %swap3A_647 : vector<1x1x16xf32> to vector<16xf32>
        %swap3A_649 = vector.shape_cast %get3A_540 : vector<16xf32> to vector<1x1x16xf32>
        tpu.vector_store %arg10[%swap3A_644, %swap3A_645, %swap3A_646], %swap3A_649 {add = true, strides = array<i32>} : memref<4x200x64xf32, #tpu.memory_space<vmem>>, vector<1x1x16xf32>,
        %swap3A_650 = arith.constant 3 : i32
        %swap3A_651 = arith.index_cast %swap3A_650 : i32 to index
        %swap3A_652 = arith.index_cast %scan3A_528 : i32 to index
        %swap3A_653 = arith.constant 48 : index
        %swap3A_654 = tpu.vector_load %arg10[%swap3A_651, %swap3A_652, %swap3A_653] {strides = array<i32>} : memref<4x200x64xf32, #tpu.memory_space<vmem>>, vector<1x1x16xf32>,
        %swap3A_655 = vector.shape_cast %swap3A_654 : vector<1x1x16xf32> to vector<16xf32>
        %swap3A_656 = vector.shape_cast %get3A_544 : vector<16xf32> to vector<1x1x16xf32>
        tpu.vector_store %arg10[%swap3A_651, %swap3A_652, %swap3A_653], %swap3A_656 {add = true, strides = array<i32>} : memref<4x200x64xf32, #tpu.memory_space<vmem>>, vector<1x1x16xf32>,
        %scan3A_657 = arith.constant 2 : i32
        %scan3A_658 = arith.addi %scan3A_400, %scan3A_657 : i32
        %get3A_659 = arith.index_cast %scan3A_658 : i32 to index
        %get3A_660 = arith.constant 0 : index
        %get3A_661 = tpu.vector_load %arg6[%get3A_659, %get3A_660] {strides = array<i32>} : memref<200x64xf32, #tpu.memory_space<vmem>>, vector<1x16xf32>,
        %get3A_662 = vector.shape_cast %get3A_661 : vector<1x16xf32> to vector<16xf32>
        %get3A_663 = arith.index_cast %scan3A_658 : i32 to index
        %get3A_664 = arith.constant 16 : index
        %get3A_665 = tpu.vector_load %arg6[%get3A_663, %get3A_664] {strides = array<i32>} : memref<200x64xf32, #tpu.memory_space<vmem>>, vector<1x16xf32>,
        %get3A_666 = vector.shape_cast %get3A_665 : vector<1x16xf32> to vector<16xf32>
        %get3A_667 = arith.index_cast %scan3A_658 : i32 to index
        %get3A_668 = arith.constant 32 : index
        %get3A_669 = tpu.vector_load %arg6[%get3A_667, %get3A_668] {strides = array<i32>} : memref<200x64xf32, #tpu.memory_space<vmem>>, vector<1x16xf32>,
        %get3A_670 = vector.shape_cast %get3A_669 : vector<1x16xf32> to vector<16xf32>
        %get3A_671 = arith.index_cast %scan3A_658 : i32 to index
        %get3A_672 = arith.constant 48 : index
        %get3A_673 = tpu.vector_load %arg6[%get3A_671, %get3A_672] {strides = array<i32>} : memref<200x64xf32, #tpu.memory_space<vmem>>, vector<1x16xf32>,
        %get3A_674 = vector.shape_cast %get3A_673 : vector<1x16xf32> to vector<16xf32>
        %swap3A_675 = arith.constant 0 : i32
        %swap3A_676 = arith.index_cast %swap3A_675 : i32 to index
        %swap3A_677 = arith.index_cast %scan3A_658 : i32 to index
        %swap3A_678 = arith.constant 0 : index
        %swap3A_679 = tpu.vector_load %arg10[%swap3A_676, %swap3A_677, %swap3A_678] {strides = array<i32>} : memref<4x200x64xf32, #tpu.memory_space<vmem>>, vector<1x1x16xf32>,
        %swap3A_680 = vector.shape_cast %swap3A_679 : vector<1x1x16xf32> to vector<16xf32>
        %swap3A_681 = vector.shape_cast %get3A_662 : vector<16xf32> to vector<1x1x16xf32>
        tpu.vector_store %arg10[%swap3A_676, %swap3A_677, %swap3A_678], %swap3A_681 {add = true, strides = array<i32>} : memref<4x200x64xf32, #tpu.memory_space<vmem>>, vector<1x1x16xf32>,
        %swap3A_682 = arith.constant 0 : i32
        %swap3A_683 = arith.index_cast %swap3A_682 : i32 to index
        %swap3A_684 = arith.index_cast %scan3A_658 : i32 to index
        %swap3A_685 = arith.constant 16 : index
        %swap3A_686 = tpu.vector_load %arg10[%swap3A_683, %swap3A_684, %swap3A_685] {strides = array<i32>} : memref<4x200x64xf32, #tpu.memory_space<vmem>>, vector<1x1x16xf32>,
        %swap3A_687 = vector.shape_cast %swap3A_686 : vector<1x1x16xf32> to vector<16xf32>
        %swap3A_688 = vector.shape_cast %get3A_666 : vector<16xf32> to vector<1x1x16xf32>
        tpu.vector_store %arg10[%swap3A_683, %swap3A_684, %swap3A_685], %swap3A_688 {add = true, strides = array<i32>} : memref<4x200x64xf32, #tpu.memory_space<vmem>>, vector<1x1x16xf32>,
        %swap3A_689 = arith.constant 0 : i32
        %swap3A_690 = arith.index_cast %swap3A_689 : i32 to index
        %swap3A_691 = arith.index_cast %scan3A_658 : i32 to index
        %swap3A_692 = arith.constant 32 : index
        %swap3A_693 = tpu.vector_load %arg10[%swap3A_690, %swap3A_691, %swap3A_692] {strides = array<i32>} : memref<4x200x64xf32, #tpu.memory_space<vmem>>, vector<1x1x16xf32>,
        %swap3A_694 = vector.shape_cast %swap3A_693 : vector<1x1x16xf32> to vector<16xf32>
        %swap3A_695 = vector.shape_cast %get3A_670 : vector<16xf32> to vector<1x1x16xf32>
        tpu.vector_store %arg10[%swap3A_690, %swap3A_691, %swap3A_692], %swap3A_695 {add = true, strides = array<i32>} : memref<4x200x64xf32, #tpu.memory_space<vmem>>, vector<1x1x16xf32>,
        %swap3A_696 = arith.constant 0 : i32
        %swap3A_697 = arith.index_cast %swap3A_696 : i32 to index
        %swap3A_698 = arith.index_cast %scan3A_658 : i32 to index
        %swap3A_699 = arith.constant 48 : index
        %swap3A_700 = tpu.vector_load %arg10[%swap3A_697, %swap3A_698, %swap3A_699] {strides = array<i32>} : memref<4x200x64xf32, #tpu.memory_space<vmem>>, vector<1x1x16xf32>,
        %swap3A_701 = vector.shape_cast %swap3A_700 : vector<1x1x16xf32> to vector<16xf32>
        %swap3A_702 = vector.shape_cast %get3A_674 : vector<16xf32> to vector<1x1x16xf32>
        tpu.vector_store %arg10[%swap3A_697, %swap3A_698, %swap3A_699], %swap3A_702 {add = true, strides = array<i32>} : memref<4x200x64xf32, #tpu.memory_space<vmem>>, vector<1x1x16xf32>,
        %swap3A_703 = arith.constant 1 : i32
        %swap3A_704 = arith.index_cast %swap3A_703 : i32 to index
        %swap3A_705 = arith.index_cast %scan3A_658 : i32 to index
        %swap3A_706 = arith.constant 0 : index
        %swap3A_707 = tpu.vector_load %arg10[%swap3A_704, %swap3A_705, %swap3A_706] {strides = array<i32>} : memref<4x200x64xf32, #tpu.memory_space<vmem>>, vector<1x1x16xf32>,
        %swap3A_708 = vector.shape_cast %swap3A_707 : vector<1x1x16xf32> to vector<16xf32>
        %swap3A_709 = vector.shape_cast %get3A_662 : vector<16xf32> to vector<1x1x16xf32>
        tpu.vector_store %arg10[%swap3A_704, %swap3A_705, %swap3A_706], %swap3A_709 {add = true, strides = array<i32>} : memref<4x200x64xf32, #tpu.memory_space<vmem>>, vector<1x1x16xf32>,
        %swap3A_710 = arith.constant 1 : i32
        %swap3A_711 = arith.index_cast %swap3A_710 : i32 to index
        %swap3A_712 = arith.index_cast %scan3A_658 : i32 to index
        %swap3A_713 = arith.constant 16 : index
        %swap3A_714 = tpu.vector_load %arg10[%swap3A_711, %swap3A_712, %swap3A_713] {strides = array<i32>} : memref<4x200x64xf32, #tpu.memory_space<vmem>>, vector<1x1x16xf32>,
        %swap3A_715 = vector.shape_cast %swap3A_714 : vector<1x1x16xf32> to vector<16xf32>
        %swap3A_716 = vector.shape_cast %get3A_666 : vector<16xf32> to vector<1x1x16xf32>
        tpu.vector_store %arg10[%swap3A_711, %swap3A_712, %swap3A_713], %swap3A_716 {add = true, strides = array<i32>} : memref<4x200x64xf32, #tpu.memory_space<vmem>>, vector<1x1x16xf32>,
        %swap3A_717 = arith.constant 1 : i32
        %swap3A_718 = arith.index_cast %swap3A_717 : i32 to index
        %swap3A_719 = arith.index_cast %scan3A_658 : i32 to index
        %swap3A_720 = arith.constant 32 : index
        %swap3A_721 = tpu.vector_load %arg10[%swap3A_718, %swap3A_719, %swap3A_720] {strides = array<i32>} : memref<4x200x64xf32, #tpu.memory_space<vmem>>, vector<1x1x16xf32>,
        %swap3A_722 = vector.shape_cast %swap3A_721 : vector<1x1x16xf32> to vector<16xf32>
        %swap3A_723 = vector.shape_cast %get3A_670 : vector<16xf32> to vector<1x1x16xf32>
        tpu.vector_store %arg10[%swap3A_718, %swap3A_719, %swap3A_720], %swap3A_723 {add = true, strides = array<i32>} : memref<4x200x64xf32, #tpu.memory_space<vmem>>, vector<1x1x16xf32>,
        %swap3A_724 = arith.constant 1 : i32
        %swap3A_725 = arith.index_cast %swap3A_724 : i32 to index
        %swap3A_726 = arith.index_cast %scan3A_658 : i32 to index
        %swap3A_727 = arith.constant 48 : index
        %swap3A_728 = tpu.vector_load %arg10[%swap3A_725, %swap3A_726, %swap3A_727] {strides = array<i32>} : memref<4x200x64xf32, #tpu.memory_space<vmem>>, vector<1x1x16xf32>,
        %swap3A_729 = vector.shape_cast %swap3A_728 : vector<1x1x16xf32> to vector<16xf32>
        %swap3A_730 = vector.shape_cast %get3A_674 : vector<16xf32> to vector<1x1x16xf32>
        tpu.vector_store %arg10[%swap3A_725, %swap3A_726, %swap3A_727], %swap3A_730 {add = true, strides = array<i32>} : memref<4x200x64xf32, #tpu.memory_space<vmem>>, vector<1x1x16xf32>,
        %swap3A_731 = arith.constant 2 : i32
        %swap3A_732 = arith.index_cast %swap3A_731 : i32 to index
        %swap3A_733 = arith.index_cast %scan3A_658 : i32 to index
        %swap3A_734 = arith.constant 0 : index
        %swap3A_735 = tpu.vector_load %arg10[%swap3A_732, %swap3A_733, %swap3A_734] {strides = array<i32>} : memref<4x200x64xf32, #tpu.memory_space<vmem>>, vector<1x1x16xf32>,
        %swap3A_736 = vector.shape_cast %swap3A_735 : vector<1x1x16xf32> to vector<16xf32>
        %swap3A_737 = vector.shape_cast %get3A_662 : vector<16xf32> to vector<1x1x16xf32>
        tpu.vector_store %arg10[%swap3A_732, %swap3A_733, %swap3A_734], %swap3A_737 {add = true, strides = array<i32>} : memref<4x200x64xf32, #tpu.memory_space<vmem>>, vector<1x1x16xf32>,
        %swap3A_738 = arith.constant 2 : i32
        %swap3A_739 = arith.index_cast %swap3A_738 : i32 to index
        %swap3A_740 = arith.index_cast %scan3A_658 : i32 to index
        %swap3A_741 = arith.constant 16 : index
        %swap3A_742 = tpu.vector_load %arg10[%swap3A_739, %swap3A_740, %swap3A_741] {strides = array<i32>} : memref<4x200x64xf32, #tpu.memory_space<vmem>>, vector<1x1x16xf32>,
        %swap3A_743 = vector.shape_cast %swap3A_742 : vector<1x1x16xf32> to vector<16xf32>
        %swap3A_744 = vector.shape_cast %get3A_666 : vector<16xf32> to vector<1x1x16xf32>
        tpu.vector_store %arg10[%swap3A_739, %swap3A_740, %swap3A_741], %swap3A_744 {add = true, strides = array<i32>} : memref<4x200x64xf32, #tpu.memory_space<vmem>>, vector<1x1x16xf32>,
        %swap3A_745 = arith.constant 2 : i32
        %swap3A_746 = arith.index_cast %swap3A_745 : i32 to index
        %swap3A_747 = arith.index_cast %scan3A_658 : i32 to index
        %swap3A_748 = arith.constant 32 : index
        %swap3A_749 = tpu.vector_load %arg10[%swap3A_746, %swap3A_747, %swap3A_748] {strides = array<i32>} : memref<4x200x64xf32, #tpu.memory_space<vmem>>, vector<1x1x16xf32>,
        %swap3A_750 = vector.shape_cast %swap3A_749 : vector<1x1x16xf32> to vector<16xf32>
        %swap3A_751 = vector.shape_cast %get3A_670 : vector<16xf32> to vector<1x1x16xf32>
        tpu.vector_store %arg10[%swap3A_746, %swap3A_747, %swap3A_748], %swap3A_751 {add = true, strides = array<i32>} : memref<4x200x64xf32, #tpu.memory_space<vmem>>, vector<1x1x16xf32>,
        %swap3A_752 = arith.constant 2 : i32
        %swap3A_753 = arith.index_cast %swap3A_752 : i32 to index
        %swap3A_754 = arith.index_cast %scan3A_658 : i32 to index
        %swap3A_755 = arith.constant 48 : index
        %swap3A_756 = tpu.vector_load %arg10[%swap3A_753, %swap3A_754, %swap3A_755] {strides = array<i32>} : memref<4x200x64xf32, #tpu.memory_space<vmem>>, vector<1x1x16xf32>,
        %swap3A_757 = vector.shape_cast %swap3A_756 : vector<1x1x16xf32> to vector<16xf32>
        %swap3A_758 = vector.shape_cast %get3A_674 : vector<16xf32> to vector<1x1x16xf32>
        tpu.vector_store %arg10[%swap3A_753, %swap3A_754, %swap3A_755], %swap3A_758 {add = true, strides = array<i32>} : memref<4x200x64xf32, #tpu.memory_space<vmem>>, vector<1x1x16xf32>,
        %swap3A_759 = arith.constant 3 : i32
        %swap3A_760 = arith.index_cast %swap3A_759 : i32 to index
        %swap3A_761 = arith.index_cast %scan3A_658 : i32 to index
        %swap3A_762 = arith.constant 0 : index
        %swap3A_763 = tpu.vector_load %arg10[%swap3A_760, %swap3A_761, %swap3A_762] {strides = array<i32>} : memref<4x200x64xf32, #tpu.memory_space<vmem>>, vector<1x1x16xf32>,
        %swap3A_764 = vector.shape_cast %swap3A_763 : vector<1x1x16xf32> to vector<16xf32>
        %swap3A_765 = vector.shape_cast %get3A_662 : vector<16xf32> to vector<1x1x16xf32>
        tpu.vector_store %arg10[%swap3A_760, %swap3A_761, %swap3A_762], %swap3A_765 {add = true, strides = array<i32>} : memref<4x200x64xf32, #tpu.memory_space<vmem>>, vector<1x1x16xf32>,
        %swap3A_766 = arith.constant 3 : i32
        %swap3A_767 = arith.index_cast %swap3A_766 : i32 to index
        %swap3A_768 = arith.index_cast %scan3A_658 : i32 to index
        %swap3A_769 = arith.constant 16 : index
        %swap3A_770 = tpu.vector_load %arg10[%swap3A_767, %swap3A_768, %swap3A_769] {strides = array<i32>} : memref<4x200x64xf32, #tpu.memory_space<vmem>>, vector<1x1x16xf32>,
        %swap3A_771 = vector.shape_cast %swap3A_770 : vector<1x1x16xf32> to vector<16xf32>
        %swap3A_772 = vector.shape_cast %get3A_666 : vector<16xf32> to vector<1x1x16xf32>
        tpu.vector_store %arg10[%swap3A_767, %swap3A_768, %swap3A_769], %swap3A_772 {add = true, strides = array<i32>} : memref<4x200x64xf32, #tpu.memory_space<vmem>>, vector<1x1x16xf32>,
        %swap3A_773 = arith.constant 3 : i32
        %swap3A_774 = arith.index_cast %swap3A_773 : i32 to index
        %swap3A_775 = arith.index_cast %scan3A_658 : i32 to index
        %swap3A_776 = arith.constant 32 : index
        %swap3A_777 = tpu.vector_load %arg10[%swap3A_774, %swap3A_775, %swap3A_776] {strides = array<i32>} : memref<4x200x64xf32, #tpu.memory_space<vmem>>, vector<1x1x16xf32>,
        %swap3A_778 = vector.shape_cast %swap3A_777 : vector<1x1x16xf32> to vector<16xf32>
        %swap3A_779 = vector.shape_cast %get3A_670 : vector<16xf32> to vector<1x1x16xf32>
        tpu.vector_store %arg10[%swap3A_774, %swap3A_775, %swap3A_776], %swap3A_779 {add = true, strides = array<i32>} : memref<4x200x64xf32, #tpu.memory_space<vmem>>, vector<1x1x16xf32>,
        %swap3A_780 = arith.constant 3 : i32
        %swap3A_781 = arith.index_cast %swap3A_780 : i32 to index
        %swap3A_782 = arith.index_cast %scan3A_658 : i32 to index
        %swap3A_783 = arith.constant 48 : index
        %swap3A_784 = tpu.vector_load %arg10[%swap3A_781, %swap3A_782, %swap3A_783] {strides = array<i32>} : memref<4x200x64xf32, #tpu.memory_space<vmem>>, vector<1x1x16xf32>,
        %swap3A_785 = vector.shape_cast %swap3A_784 : vector<1x1x16xf32> to vector<16xf32>
        %swap3A_786 = vector.shape_cast %get3A_674 : vector<16xf32> to vector<1x1x16xf32>
        tpu.vector_store %arg10[%swap3A_781, %swap3A_782, %swap3A_783], %swap3A_786 {add = true, strides = array<i32>} : memref<4x200x64xf32, #tpu.memory_space<vmem>>, vector<1x1x16xf32>,
        %scan3A_787 = arith.constant 3 : i32
        %scan3A_788 = arith.addi %scan3A_400, %scan3A_787 : i32
        %get3A_789 = arith.index_cast %scan3A_788 : i32 to index
        %get3A_790 = arith.constant 0 : index
        %get3A_791 = tpu.vector_load %arg6[%get3A_789, %get3A_790] {strides = array<i32>} : memref<200x64xf32, #tpu.memory_space<vmem>>, vector<1x16xf32>,
        %get3A_792 = vector.shape_cast %get3A_791 : vector<1x16xf32> to vector<16xf32>
        %get3A_793 = arith.index_cast %scan3A_788 : i32 to index
        %get3A_794 = arith.constant 16 : index
        %get3A_795 = tpu.vector_load %arg6[%get3A_793, %get3A_794] {strides = array<i32>} : memref<200x64xf32, #tpu.memory_space<vmem>>, vector<1x16xf32>,
        %get3A_796 = vector.shape_cast %get3A_795 : vector<1x16xf32> to vector<16xf32>
        %get3A_797 = arith.index_cast %scan3A_788 : i32 to index
        %get3A_798 = arith.constant 32 : index
        %get3A_799 = tpu.vector_load %arg6[%get3A_797, %get3A_798] {strides = array<i32>} : memref<200x64xf32, #tpu.memory_space<vmem>>, vector<1x16xf32>,
        %get3A_800 = vector.shape_cast %get3A_799 : vector<1x16xf32> to vector<16xf32>
        %get3A_801 = arith.index_cast %scan3A_788 : i32 to index
        %get3A_802 = arith.constant 48 : index
        %get3A_803 = tpu.vector_load %arg6[%get3A_801, %get3A_802] {strides = array<i32>} : memref<200x64xf32, #tpu.memory_space<vmem>>, vector<1x16xf32>,
        %get3A_804 = vector.shape_cast %get3A_803 : vector<1x16xf32> to vector<16xf32>
        %swap3A_805 = arith.constant 0 : i32
        %swap3A_806 = arith.index_cast %swap3A_805 : i32 to index
        %swap3A_807 = arith.index_cast %scan3A_788 : i32 to index
        %swap3A_808 = arith.constant 0 : index
        %swap3A_809 = tpu.vector_load %arg10[%swap3A_806, %swap3A_807, %swap3A_808] {strides = array<i32>} : memref<4x200x64xf32, #tpu.memory_space<vmem>>, vector<1x1x16xf32>,
        %swap3A_810 = vector.shape_cast %swap3A_809 : vector<1x1x16xf32> to vector<16xf32>
        %swap3A_811 = vector.shape_cast %get3A_792 : vector<16xf32> to vector<1x1x16xf32>
        tpu.vector_store %arg10[%swap3A_806, %swap3A_807, %swap3A_808], %swap3A_811 {add = true, strides = array<i32>} : memref<4x200x64xf32, #tpu.memory_space<vmem>>, vector<1x1x16xf32>,
        %swap3A_812 = arith.constant 0 : i32
        %swap3A_813 = arith.index_cast %swap3A_812 : i32 to index
        %swap3A_814 = arith.index_cast %scan3A_788 : i32 to index
        %swap3A_815 = arith.constant 16 : index
        %swap3A_816 = tpu.vector_load %arg10[%swap3A_813, %swap3A_814, %swap3A_815] {strides = array<i32>} : memref<4x200x64xf32, #tpu.memory_space<vmem>>, vector<1x1x16xf32>,
        %swap3A_817 = vector.shape_cast %swap3A_816 : vector<1x1x16xf32> to vector<16xf32>
        %swap3A_818 = vector.shape_cast %get3A_796 : vector<16xf32> to vector<1x1x16xf32>
        tpu.vector_store %arg10[%swap3A_813, %swap3A_814, %swap3A_815], %swap3A_818 {add = true, strides = array<i32>} : memref<4x200x64xf32, #tpu.memory_space<vmem>>, vector<1x1x16xf32>,
        %swap3A_819 = arith.constant 0 : i32
        %swap3A_820 = arith.index_cast %swap3A_819 : i32 to index
        %swap3A_821 = arith.index_cast %scan3A_788 : i32 to index
        %swap3A_822 = arith.constant 32 : index
        %swap3A_823 = tpu.vector_load %arg10[%swap3A_820, %swap3A_821, %swap3A_822] {strides = array<i32>} : memref<4x200x64xf32, #tpu.memory_space<vmem>>, vector<1x1x16xf32>,
        %swap3A_824 = vector.shape_cast %swap3A_823 : vector<1x1x16xf32> to vector<16xf32>
        %swap3A_825 = vector.shape_cast %get3A_800 : vector<16xf32> to vector<1x1x16xf32>
        tpu.vector_store %arg10[%swap3A_820, %swap3A_821, %swap3A_822], %swap3A_825 {add = true, strides = array<i32>} : memref<4x200x64xf32, #tpu.memory_space<vmem>>, vector<1x1x16xf32>,
        %swap3A_826 = arith.constant 0 : i32
        %swap3A_827 = arith.index_cast %swap3A_826 : i32 to index
        %swap3A_828 = arith.index_cast %scan3A_788 : i32 to index
        %swap3A_829 = arith.constant 48 : index
        %swap3A_830 = tpu.vector_load %arg10[%swap3A_827, %swap3A_828, %swap3A_829] {strides = array<i32>} : memref<4x200x64xf32, #tpu.memory_space<vmem>>, vector<1x1x16xf32>,
        %swap3A_831 = vector.shape_cast %swap3A_830 : vector<1x1x16xf32> to vector<16xf32>
        %swap3A_832 = vector.shape_cast %get3A_804 : vector<16xf32> to vector<1x1x16xf32>
        tpu.vector_store %arg10[%swap3A_827, %swap3A_828, %swap3A_829], %swap3A_832 {add = true, strides = array<i32>} : memref<4x200x64xf32, #tpu.memory_space<vmem>>, vector<1x1x16xf32>,
        %swap3A_833 = arith.constant 1 : i32
        %swap3A_834 = arith.index_cast %swap3A_833 : i32 to index
        %swap3A_835 = arith.index_cast %scan3A_788 : i32 to index
        %swap3A_836 = arith.constant 0 : index
        %swap3A_837 = tpu.vector_load %arg10[%swap3A_834, %swap3A_835, %swap3A_836] {strides = array<i32>} : memref<4x200x64xf32, #tpu.memory_space<vmem>>, vector<1x1x16xf32>,
        %swap3A_838 = vector.shape_cast %swap3A_837 : vector<1x1x16xf32> to vector<16xf32>
        %swap3A_839 = vector.shape_cast %get3A_792 : vector<16xf32> to vector<1x1x16xf32>
        tpu.vector_store %arg10[%swap3A_834, %swap3A_835, %swap3A_836], %swap3A_839 {add = true, strides = array<i32>} : memref<4x200x64xf32, #tpu.memory_space<vmem>>, vector<1x1x16xf32>,
        %swap3A_840 = arith.constant 1 : i32
        %swap3A_841 = arith.index_cast %swap3A_840 : i32 to index
        %swap3A_842 = arith.index_cast %scan3A_788 : i32 to index
        %swap3A_843 = arith.constant 16 : index
        %swap3A_844 = tpu.vector_load %arg10[%swap3A_841, %swap3A_842, %swap3A_843] {strides = array<i32>} : memref<4x200x64xf32, #tpu.memory_space<vmem>>, vector<1x1x16xf32>,
        %swap3A_845 = vector.shape_cast %swap3A_844 : vector<1x1x16xf32> to vector<16xf32>
        %swap3A_846 = vector.shape_cast %get3A_796 : vector<16xf32> to vector<1x1x16xf32>
        tpu.vector_store %arg10[%swap3A_841, %swap3A_842, %swap3A_843], %swap3A_846 {add = true, strides = array<i32>} : memref<4x200x64xf32, #tpu.memory_space<vmem>>, vector<1x1x16xf32>,
        %swap3A_847 = arith.constant 1 : i32
        %swap3A_848 = arith.index_cast %swap3A_847 : i32 to index
        %swap3A_849 = arith.index_cast %scan3A_788 : i32 to index
        %swap3A_850 = arith.constant 32 : index
        %swap3A_851 = tpu.vector_load %arg10[%swap3A_848, %swap3A_849, %swap3A_850] {strides = array<i32>} : memref<4x200x64xf32, #tpu.memory_space<vmem>>, vector<1x1x16xf32>,
        %swap3A_852 = vector.shape_cast %swap3A_851 : vector<1x1x16xf32> to vector<16xf32>
        %swap3A_853 = vector.shape_cast %get3A_800 : vector<16xf32> to vector<1x1x16xf32>
        tpu.vector_store %arg10[%swap3A_848, %swap3A_849, %swap3A_850], %swap3A_853 {add = true, strides = array<i32>} : memref<4x200x64xf32, #tpu.memory_space<vmem>>, vector<1x1x16xf32>,
        %swap3A_854 = arith.constant 1 : i32
        %swap3A_855 = arith.index_cast %swap3A_854 : i32 to index
        %swap3A_856 = arith.index_cast %scan3A_788 : i32 to index
        %swap3A_857 = arith.constant 48 : index
        %swap3A_858 = tpu.vector_load %arg10[%swap3A_855, %swap3A_856, %swap3A_857] {strides = array<i32>} : memref<4x200x64xf32, #tpu.memory_space<vmem>>, vector<1x1x16xf32>,
        %swap3A_859 = vector.shape_cast %swap3A_858 : vector<1x1x16xf32> to vector<16xf32>
        %swap3A_860 = vector.shape_cast %get3A_804 : vector<16xf32> to vector<1x1x16xf32>
        tpu.vector_store %arg10[%swap3A_855, %swap3A_856, %swap3A_857], %swap3A_860 {add = true, strides = array<i32>} : memref<4x200x64xf32, #tpu.memory_space<vmem>>, vector<1x1x16xf32>,
        %swap3A_861 = arith.constant 2 : i32
        %swap3A_862 = arith.index_cast %swap3A_861 : i32 to index
        %swap3A_863 = arith.index_cast %scan3A_788 : i32 to index
        %swap3A_864 = arith.constant 0 : index
        %swap3A_865 = tpu.vector_load %arg10[%swap3A_862, %swap3A_863, %swap3A_864] {strides = array<i32>} : memref<4x200x64xf32, #tpu.memory_space<vmem>>, vector<1x1x16xf32>,
        %swap3A_866 = vector.shape_cast %swap3A_865 : vector<1x1x16xf32> to vector<16xf32>
        %swap3A_867 = vector.shape_cast %get3A_792 : vector<16xf32> to vector<1x1x16xf32>
        tpu.vector_store %arg10[%swap3A_862, %swap3A_863, %swap3A_864], %swap3A_867 {add = true, strides = array<i32>} : memref<4x200x64xf32, #tpu.memory_space<vmem>>, vector<1x1x16xf32>,
        %swap3A_868 = arith.constant 2 : i32
        %swap3A_869 = arith.index_cast %swap3A_868 : i32 to index
        %swap3A_870 = arith.index_cast %scan3A_788 : i32 to index
        %swap3A_871 = arith.constant 16 : index
        %swap3A_872 = tpu.vector_load %arg10[%swap3A_869, %swap3A_870, %swap3A_871] {strides = array<i32>} : memref<4x200x64xf32, #tpu.memory_space<vmem>>, vector<1x1x16xf32>,
        %swap3A_873 = vector.shape_cast %swap3A_872 : vector<1x1x16xf32> to vector<16xf32>
        %swap3A_874 = vector.shape_cast %get3A_796 : vector<16xf32> to vector<1x1x16xf32>
        tpu.vector_store %arg10[%swap3A_869, %swap3A_870, %swap3A_871], %swap3A_874 {add = true, strides = array<i32>} : memref<4x200x64xf32, #tpu.memory_space<vmem>>, vector<1x1x16xf32>,
        %swap3A_875 = arith.constant 2 : i32
        %swap3A_876 = arith.index_cast %swap3A_875 : i32 to index
        %swap3A_877 = arith.index_cast %scan3A_788 : i32 to index
        %swap3A_878 = arith.constant 32 : index
        %swap3A_879 = tpu.vector_load %arg10[%swap3A_876, %swap3A_877, %swap3A_878] {strides = array<i32>} : memref<4x200x64xf32, #tpu.memory_space<vmem>>, vector<1x1x16xf32>,
        %swap3A_880 = vector.shape_cast %swap3A_879 : vector<1x1x16xf32> to vector<16xf32>
        %swap3A_881 = vector.shape_cast %get3A_800 : vector<16xf32> to vector<1x1x16xf32>
        tpu.vector_store %arg10[%swap3A_876, %swap3A_877, %swap3A_878], %swap3A_881 {add = true, strides = array<i32>} : memref<4x200x64xf32, #tpu.memory_space<vmem>>, vector<1x1x16xf32>,
        %swap3A_882 = arith.constant 2 : i32
        %swap3A_883 = arith.index_cast %swap3A_882 : i32 to index
        %swap3A_884 = arith.index_cast %scan3A_788 : i32 to index
        %swap3A_885 = arith.constant 48 : index
        %swap3A_886 = tpu.vector_load %arg10[%swap3A_883, %swap3A_884, %swap3A_885] {strides = array<i32>} : memref<4x200x64xf32, #tpu.memory_space<vmem>>, vector<1x1x16xf32>,
        %swap3A_887 = vector.shape_cast %swap3A_886 : vector<1x1x16xf32> to vector<16xf32>
        %swap3A_888 = vector.shape_cast %get3A_804 : vector<16xf32> to vector<1x1x16xf32>
        tpu.vector_store %arg10[%swap3A_883, %swap3A_884, %swap3A_885], %swap3A_888 {add = true, strides = array<i32>} : memref<4x200x64xf32, #tpu.memory_space<vmem>>, vector<1x1x16xf32>,
        %swap3A_889 = arith.constant 3 : i32
        %swap3A_890 = arith.index_cast %swap3A_889 : i32 to index
        %swap3A_891 = arith.index_cast %scan3A_788 : i32 to index
        %swap3A_892 = arith.constant 0 : index
        %swap3A_893 = tpu.vector_load %arg10[%swap3A_890, %swap3A_891, %swap3A_892] {strides = array<i32>} : memref<4x200x64xf32, #tpu.memory_space<vmem>>, vector<1x1x16xf32>,
        %swap3A_894 = vector.shape_cast %swap3A_893 : vector<1x1x16xf32> to vector<16xf32>
        %swap3A_895 = vector.shape_cast %get3A_792 : vector<16xf32> to vector<1x1x16xf32>
        tpu.vector_store %arg10[%swap3A_890, %swap3A_891, %swap3A_892], %swap3A_895 {add = true, strides = array<i32>} : memref<4x200x64xf32, #tpu.memory_space<vmem>>, vector<1x1x16xf32>,
        %swap3A_896 = arith.constant 3 : i32
        %swap3A_897 = arith.index_cast %swap3A_896 : i32 to index
        %swap3A_898 = arith.index_cast %scan3A_788 : i32 to index
        %swap3A_899 = arith.constant 16 : index
        %swap3A_900 = tpu.vector_load %arg10[%swap3A_897, %swap3A_898, %swap3A_899] {strides = array<i32>} : memref<4x200x64xf32, #tpu.memory_space<vmem>>, vector<1x1x16xf32>,
        %swap3A_901 = vector.shape_cast %swap3A_900 : vector<1x1x16xf32> to vector<16xf32>
        %swap3A_902 = vector.shape_cast %get3A_796 : vector<16xf32> to vector<1x1x16xf32>
        tpu.vector_store %arg10[%swap3A_897, %swap3A_898, %swap3A_899], %swap3A_902 {add = true, strides = array<i32>} : memref<4x200x64xf32, #tpu.memory_space<vmem>>, vector<1x1x16xf32>,
        %swap3A_903 = arith.constant 3 : i32
        %swap3A_904 = arith.index_cast %swap3A_903 : i32 to index
        %swap3A_905 = arith.index_cast %scan3A_788 : i32 to index
        %swap3A_906 = arith.constant 32 : index
        %swap3A_907 = tpu.vector_load %arg10[%swap3A_904, %swap3A_905, %swap3A_906] {strides = array<i32>} : memref<4x200x64xf32, #tpu.memory_space<vmem>>, vector<1x1x16xf32>,
        %swap3A_908 = vector.shape_cast %swap3A_907 : vector<1x1x16xf32> to vector<16xf32>
        %swap3A_909 = vector.shape_cast %get3A_800 : vector<16xf32> to vector<1x1x16xf32>
        tpu.vector_store %arg10[%swap3A_904, %swap3A_905, %swap3A_906], %swap3A_909 {add = true, strides = array<i32>} : memref<4x200x64xf32, #tpu.memory_space<vmem>>, vector<1x1x16xf32>,
        %swap3A_910 = arith.constant 3 : i32
        %swap3A_911 = arith.index_cast %swap3A_910 : i32 to index
        %swap3A_912 = arith.index_cast %scan3A_788 : i32 to index
        %swap3A_913 = arith.constant 48 : index
        %swap3A_914 = tpu.vector_load %arg10[%swap3A_911, %swap3A_912, %swap3A_913] {strides = array<i32>} : memref<4x200x64xf32, #tpu.memory_space<vmem>>, vector<1x1x16xf32>,
        %swap3A_915 = vector.shape_cast %swap3A_914 : vector<1x1x16xf32> to vector<16xf32>
        %swap3A_916 = vector.shape_cast %get3A_804 : vector<16xf32> to vector<1x1x16xf32>
        tpu.vector_store %arg10[%swap3A_911, %swap3A_912, %swap3A_913], %swap3A_916 {add = true, strides = array<i32>} : memref<4x200x64xf32, #tpu.memory_space<vmem>>, vector<1x1x16xf32>,
      }
      %scan3A_388 = arith.constant 200 : i32
      %mul3A_389 = arith.constant 128 : i32
      %mul3A_390 = arith.muli %add3A, %mul3A_389 : i32
      %mul3A_391 = arith.constant 4 : i32
      %mul3A_392 = arith.muli %add3A_272, %mul3A_391 : i32
      %add3A_393 = arith.addi %mul3A_390, %mul3A_392 : i32
      %dma_start3A_394 = arith.constant 0 : i32
      %dma_start3A_395 = arith.constant 0 : i32
      %dma_start3A_396 = tpu.memref_slice %arg5[%add3A_393, %dma_start3A_394, %dma_start3A_395] : memref<4096x200x128xf32, #tpu.memory_space<hbm>> -> memref<4x200x64xf32, #tpu.memory_space<hbm>>
      %dma_start3A_397 = arith.constant 0 : i32
      %dma_start3A_398 = arith.constant 0 : i32
      %dma_start3A_399 = tpu.memref_slice %arg5[%add3A_393, %dma_start3A_397, %dma_start3A_398] : memref<4096x200x128xf32, #tpu.memory_space<hbm>> -> memref<4x200x64xf32, #tpu.memory_space<hbm>>
      tpu.enqueue_dma source(%arg10 : memref<4x200x64xf32, #tpu.memory_space<vmem>>) target(%dma_start3A_399 : memref<4x200x64xf32, #tpu.memory_space<hbm>>) target_semaphore(%arg16 : memref<!tpu.dma_semaphore, #tpu.memory_space<semaphore_mem>>)
    }
    %scan3A_123 = arith.constant 16 : i32
    %mul3A_124 = arith.constant 128 : i32
    %mul3A_125 = arith.muli %add3A, %mul3A_124 : i32
    %add3A_126 = arith.constant 120 : i32
    %add3A_127 = arith.addi %mul3A_125, %add3A_126 : i32
    %dma_wait3A_128 = arith.constant 0 : i32
    %dma_wait3A_129 = arith.constant 0 : i32
    %dma_wait3A_130 = tpu.memref_slice %arg5[%add3A_127, %dma_wait3A_128, %dma_wait3A_129] : memref<4096x200x128xf32, #tpu.memory_space<hbm>> -> memref<4x200x64xf32, #tpu.memory_space<hbm>>
    %dma_wait3A_131 = arith.constant 0 : i32
    %dma_wait3A_132 = arith.constant 0 : i32
    %dma_wait3A_133 = tpu.memref_slice %arg5[%add3A_127, %dma_wait3A_131, %dma_wait3A_132] : memref<4096x200x128xf32, #tpu.memory_space<hbm>> -> memref<4x200x64xf32, #tpu.memory_space<hbm>>
    tpu.wait_dma2 semaphore(%arg15 : memref<!tpu.dma_semaphore, #tpu.memory_space<semaphore_mem>>) src(%arg9 : memref<4x200x64xf32, #tpu.memory_space<vmem>>) dst(%dma_wait3A_133 : memref<4x200x64xf32, #tpu.memory_space<hbm>>)
    %mul3A_134 = arith.constant 128 : i32
    %mul3A_135 = arith.muli %add3A, %mul3A_134 : i32
    %add3A_136 = arith.constant 124 : i32
    %add3A_137 = arith.addi %mul3A_135, %add3A_136 : i32
    %dma_wait3A_138 = arith.constant 0 : i32
    %dma_wait3A_139 = arith.constant 0 : i32
    %dma_wait3A_140 = tpu.memref_slice %arg5[%add3A_137, %dma_wait3A_138, %dma_wait3A_139] : memref<4096x200x128xf32, #tpu.memory_space<hbm>> -> memref<4x200x64xf32, #tpu.memory_space<hbm>>
    %dma_wait3A_141 = arith.constant 0 : i32
    %dma_wait3A_142 = arith.constant 0 : i32
    %dma_wait3A_143 = tpu.memref_slice %arg5[%add3A_137, %dma_wait3A_141, %dma_wait3A_142] : memref<4096x200x128xf32, #tpu.memory_space<hbm>> -> memref<4x200x64xf32, #tpu.memory_space<hbm>>
    tpu.wait_dma2 semaphore(%arg16 : memref<!tpu.dma_semaphore, #tpu.memory_space<semaphore_mem>>) src(%arg10 : memref<4x200x64xf32, #tpu.memory_space<vmem>>) dst(%dma_wait3A_143 : memref<4x200x64xf32, #tpu.memory_space<hbm>>)
    return
  }
}

</mosaic_0001>

<sc_bundles>
// kernel: kernel.3.cloned.1.call-start
scs
__scs_entry_jumppad:
0x0: {  	(pc) =	sbr.rel $0x88, $3  }
0x1: {  	(tag) =	ssettag $0x0;
	lr =	simm.s32 $0x1  }
0x2: {  	[smem:$0x3F9E] =	sst lr;
	_ =	strace $0xD0000000  }
0x3: {  	_ = 	snop  }
0x4: {  	_ = 	snop  }
0x5: {  	_ = 	snop  }
0x6: {  	_ = 	snop  }
0x7: {  	_ = 	snop  }
__scs_overlays_trampoline_lowered:
0x8: {  	[smem:$0x3FAD] =	sst s0  }
0x9: {  	[smem:$0x3FAE] =	sst s1  }
0xa: {  	[smem:$0x3FAF] =	sst s2  }
0xb: {  	[smem:$0x3FB0] =	sst s3  }
0xc: {  	[smem:$0x3FB1] =	sst s4  }
0xd: {  	[smem:$0x3FB2] =	sst s5  }
0xe: {  	[smem:$0x3FB3] =	sst s6  }
0xf: {  	[smem:$0x3FB4] =	sst s7  }
0x10: {  	[smem:$0x3FB5] =	sst s8  }
0x11: {  	[smem:$0x3FB6] =	sst s9;
	s0 =	simm.s32 @!p0 $0x0  }
0x12: {  	s1 =	sld [smem:$0x3F9C];
	s0 =	simm.s32 @p0 $0x1  }
0x13: {  	[smem:$0x3FB7] =	sst s0;
	s0 =	simm.s32 @!p1 $0x0  }
0x14: {  	s2 =	sld [smem:$0x3F9B];
	s0 =	simm.s32 @p1 $0x1  }
0x15: {  	[smem:$0x3FB8] =	sst s0;
	s0 =	simm.s32 @!p2 $0x0  }
0x16: {  	s3 =	sld [smem:$0x3FDB];
	s0 =	simm.s32 @p2 $0x1  }
0x17: {  	s4 =	simm.s32 $0x1BF5;
	[smem:$0x3FBA] =	sst s0  }
0x18: {  	s0 =	sld [smem:$0x3F9D];
	_ =	swait.ge [sflag:s4], $0x0  }
0x19: {  	s7 =	sld [smem:$0x3F9E]  }
0x1a: {  	s8 =	sadd.s32 $0xFFFFE003, lr  }
0x1b: {  	s9 =	sadd.s32 $0xFFFFFEF7, lr;
	s5 =	simm.s32 $0xFFFFFFFF;
	p2 =	slt.u32 s8, $0xFFFFF086  }
0x1c: {  	p1 =	slt.u32 s9, $0xF7A;
	s5 =	simm.s32 @!p2 $0x0  }
0x1d: {  	s5 =	simm.s32 @p1 $0x1;
	p0 =	seq.s32 s7, s2  }
0x1e: {  	s7 =	smul.u32 @!p0 $0xF7A, s2;
	p2 =	seq.s32 @!p0 s5, $0x0  }
0x1f: {  	s9 =	smul.u32 $0xF7A, s1;
	s8 =	simm.s32 @!p0 $0x1BF5;
	p2 =	por !p2, p0  }
0x20: {  	[sflag:s8] =	ssyncset.s32 @!p0 $0xFFFFF086;
	s6 =	sadd.s32 @!p0 s3, s7;
	s7 =	simm.s32 @!p0 $0x108  }
0x21: {  	s3 =	sadd.s32 s3, s9;
	s6 =	sadd.s32 @!p0 $0x88, s6;
	s7 =	simm.s32 @p2 $0x1082  }
0x22: {  	[simem:s7], [sflag:s8] =	dma.local @!p0 [hbm:s6], $0xF7A  }
0x23: {  	s9 =	sor.u32 $0xD0000000, s2;
	s6 =	simm.s32 $0x108;
	_ =	swait.ge @!p0 [sflag:s8], $0x0  }
0x24: {  	s3 =	sadd.s32 $0x88, s3;
	s6 =	simm.s32 @!p1 $0x1082;
	[sflag:s4] =	ssyncset.s32 $0xFFFFF086  }
0x25: {  	[simem:s6], [sflag:s4] =	dma.local [hbm:s3], $0xF7A  }
0x26: {  	[smem:$0x3F9E] =	sst s1;
	(tag) =	ssettag s2;
	_ =	strace s9  }
0x27: {  	s1 =	sld [smem:$0x3FAE]  }
0x28: {  	s2 =	sld [smem:$0x3FAF]  }
0x29: {  	s4 =	sld [smem:$0x3FB1]  }
0x2a: {  	p0 =	seq.s32 s5, $0x0;
	s5 =	sld [smem:$0x3FB2]  }
0x2b: {  	s6 =	sld [smem:$0x3FB3]  }
0x2c: {  	s7 =	sld [smem:$0x3FB4]  }
0x2d: {  	s3 =	simm.s32 $0x108;
	s8 =	sld [smem:$0x3FB5]  }
0x2e: {  	s3 =	simm.s32 @!p0 $0x1082;
	s9 =	sld [smem:$0x3FB6]  }
0x2f: {  	lr =	sadd.s32 s0, s3;
	s0 =	sld [smem:$0x3FAD]  }
0x30: {  	s3 =	sld [smem:$0x3FB0]  }
0x31: {  	[smem:$0x3FB9] =	sst s10  }
0x32: {  	s10 =	sld [smem:$0x3FB7];
	_ =	sdelay $0x3  }
0x33: {  	p0 =	seq.s32 s10, $0x1;
	s10 =	sld [smem:$0x3FB9];
	_ =	sdelay $0x3  }
0x34: {  	[smem:$0x3FB9] =	sst s10  }
0x35: {  	s10 =	sld [smem:$0x3FB8];
	_ =	sdelay $0x3  }
0x36: {  	p1 =	seq.s32 s10, $0x1;
	s10 =	sld [smem:$0x3FB9];
	_ =	sdelay $0x3  }
0x37: {  	[smem:$0x3FB9] =	sst s10  }
0x38: {  	s10 =	sld [smem:$0x3FBA]  }
0x39: {  	_ = 	snop;
	(pc) =	sbr.ind lr, $3  }
0x3a: {  	_ = 	snop  }
0x3b: {  	_ = 	snop  }
0x3c: {  	p2 =	seq.s32 s10, $0x1;
	s10 =	sld [smem:$0x3FB9]  }
0x3d: {  	_ =	shalt  }
0x3e: {  	_ =	shalt  }
0x3f: {  	_ =	shalt  }
0x40: {  	_ =	shalt  }
0x41: {  	_ =	shalt  }
0x42: {  	_ =	shalt  }
0x43: {  	_ =	shalt  }
0x44: {  	_ =	shalt  }
0x45: {  	_ =	shalt  }
0x46: {  	_ =	shalt  }
0x47: {  	_ =	shalt  }
0x48: {  	_ =	shalt  }
0x49: {  	_ =	shalt  }
0x4a: {  	_ =	shalt  }
0x4b: {  	_ =	shalt  }
0x4c: {  	_ =	shalt  }
0x4d: {  	_ =	shalt  }
0x4e: {  	_ =	shalt  }
0x4f: {  	_ =	shalt  }
0x50: {  	_ =	shalt  }
0x51: {  	_ =	shalt  }
0x52: {  	_ =	shalt  }
0x53: {  	_ =	shalt  }
0x54: {  	_ =	shalt  }
0x55: {  	_ =	shalt  }
0x56: {  	_ =	shalt  }
0x57: {  	_ =	shalt  }
0x58: {  	_ =	shalt  }
0x59: {  	_ =	shalt  }
0x5a: {  	_ =	shalt  }
0x5b: {  	_ =	shalt  }
0x5c: {  	_ =	shalt  }
0x5d: {  	_ =	shalt  }
0x5e: {  	_ =	shalt  }
0x5f: {  	_ =	shalt  }
0x60: {  	_ =	shalt  }
0x61: {  	_ =	shalt  }
0x62: {  	_ =	shalt  }
0x63: {  	_ =	shalt  }
0x64: {  	_ =	shalt  }
0x65: {  	_ =	shalt  }
0x66: {  	_ =	shalt  }
0x67: {  	_ =	shalt  }
0x68: {  	_ =	shalt  }
0x69: {  	_ =	shalt  }
0x6a: {  	_ =	shalt  }
0x6b: {  	_ =	shalt  }
0x6c: {  	_ =	shalt  }
0x6d: {  	_ =	shalt  }
0x6e: {  	_ =	shalt  }
0x6f: {  	_ =	shalt  }
0x70: {  	_ =	shalt  }
0x71: {  	_ =	shalt  }
0x72: {  	_ =	shalt  }
0x73: {  	_ =	shalt  }
0x74: {  	_ =	shalt  }
0x75: {  	_ =	shalt  }
0x76: {  	_ =	shalt  }
0x77: {  	_ =	shalt  }
0x78: {  	_ =	shalt  }
0x79: {  	_ =	shalt  }
0x7a: {  	_ =	shalt  }
0x7b: {  	_ =	shalt  }
0x7c: {  	_ =	shalt  }
0x7d: {  	_ =	shalt  }
0x7e: {  	_ =	shalt  }
0x7f: {  	_ =	shalt  }
0x80: {  	_ =	shalt  }
0x81: {  	_ =	shalt  }
0x82: {  	_ =	shalt  }
0x83: {  	_ =	shalt  }
0x84: {  	_ =	shalt  }
0x85: {  	_ =	shalt  }
0x86: {  	_ =	shalt  }
0x87: {  	_ =	shalt  }
.Lfunc_end0:
.L_simem_size_0:
called_computation.1_lowered:
.L_overlay_start_0:
0x88: {  	s2 =	sld [smem:$0x3FD9]  }
0x89: {  	s3 =	sld [smem:$0x3FFE];
	_ =	sdelay $0x1  }
0x8a: {  	s1 =	srdreg.scid  }
0x8b: {  	s0 =	sand.u32 $0x1, s1  }
0x8c: {  	s16 =	sshll.u32 s0, $0xA;
	s2 =	sadd.s32 s3, s2  }
0x8d: {  	s2 =	sadd.s32 s2, s16  }
0x8e: {  	[smem:$0x3FC5] =	sst s2  }
0x8f: {  	_ = 	snop  }
0x90: {  	(tm) =	ssettm $0x1  }
0x91: {  	s17 =	sld [smem:$0x3FFB];
	_ =	sdelay $0x3  }
0x92: {  	_ =	strace s17  }
0x93: {  	s2 =	sld [smem:$0x3FFC];
	_ =	sdelay $0x3  }
0x94: {  	_ =	strace s2  }
0x95: {  	s2 =	sld [smem:$0x3FFD];
	_ =	sdelay $0x3  }
0x96: {  	_ =	strace s2  }
0x97: {  	_ =	strace $0x8FFFFFFF  }
0x98: {  	s18 =	sld [smem:$0x3FDB];
	_ =	sdelay $0x1  }
0x99: {  	s19 =	simm.s32 $_scs_section_size  }
0x9a: {  	s4 =	simm.s32 $_size__tile_overlayer_lowered;
	s5 =	simm.s32 $_tile_overlayer_lowered  }
0x9b: {  	s22 =	simm.s32 $0x1BFF;
	s21 =	sshll.u32 s5, $0x1;
	s2 =	sadd.s32 s19, s18  }
0x9c: {  	s6 =	simm.s32 $0x0;
	s20 =	sshll.u32 s4, $0x1;
	s4 =	sadd.s32 s21, s2  }
0x9d: {  	[timem:s6], [sflag:s22] =	dma.local [hbm:s4], s20  }
0x9e: {  	_ =	swait.ge [sflag:s22], s20  }
0x9f: {  	s3 =	ssub.s32 $0x0, s20;
	[sflag:s22] =	ssyncset.done $0x0  }
0xa0: {  	[sflag:s22] =	ssyncadd.s32 s3;
	_ =	sdelay $0x1  }
0xa1: {  	s23 =	simm.s32 $0x1B8B  }
0xa2: {  	_ =	swait.ge [sflag:s23], $0x1  }
0xa3: {  	[sflag:s23] =	ssyncset.done $0x0  }
0xa4: {  	s25 =	simm.s32 $0x1B8E;
	s24 =	sld [smem:$0x3FFE];
	[sflag:s23] =	ssyncadd.s32 $0xFFFFFFFF  }
0xa5: {  	s26 =	simm.s32 $execute0_lowered;
	[smem:$0x3FD2] =	sst s25  }
0xa6: {  	s4 =	sshll.u32 s26, $0x1;
	_ =	strace $0x80000046;
	[dreg:$0x1] =	wrdreg $0xFFFFFFFF  }
0xa7: {  	s28 =	simm.s32 $_size_execute0_lowered;
	s2 =	sadd.s32 s2, s4;
	[dreg:$0x0] =	wrdreg $0x0  }
0xa8: {  	s4 =	sshll.u32 s28, $0x1;
	[dreg:$0x2] =	wrdreg s2  }
0xa9: {  	[dreg:$0x3] =	wrdreg s4  }
0xaa: {  	[dreg:$0x4] =	wrdreg $0xC0  }
0xab: {  	_ =	task [dreg:s6], $0x5FFFF  }
0xac: {  	[dreg:$0x1] =	wrdreg $0xFFFFFFFF  }
0xad: {  	[dreg:$0x0] =	wrdreg $0x60  }
0xae: {  	[dreg:$0x2] =	wrdreg s24  }
0xaf: {  	[dreg:$0x3] =	wrdreg $0x9  }
0xb0: {  	_ =	task.clear_ibuf [dreg:s6], $0x4FFFF;
	_ =	strace $0x90000046  }
0xb1: {  	s29 =	simm.s32 $0x9;
	_ =	strace $0x80000048  }
0xb2: {  	_ =	swait.ge [sflag:s29], $0x1  }
0xb3: {  	[sflag:s29] =	ssyncadd.s32 $0xFFFFFFFF  }
0xb4: {  	_ =	strace $0x90000048  }
0xb5: {  	_ =	sfence  }
0xb6: {  	s30 =	sld [smem:$0x0];
	_ =	sdelay $0x2  }
0xb7: {  	s31 =	sshll.u32 s1, $0xD;
	s1 =	sshrl.u32 s1, $0x2  }
0xb8: {  	s3 =	sand.u32 $0x4000, s31;
	s1 =	sadd.s32 s1, s30  }
0xb9: {  	s0 =	sor.u32 s3, s0;
	s1 =	sshll.u32 s1, $0x11  }
0xba: {  	s0 =	sor.u32 s1, s0  }
0xbb: {  	s0 =	sadd.s32 $0x8F2B, s0  }
0xbc: {  	[sflag:s0] =	ssyncadd.remote.s32 $0x1  }
0xbd: {  	_ =	sfence.sel $0xFFFF  }
0xbe: {  	[dreg:$0x0] =	wrdreg $0xFFFFFFFF;
	(pc) =	sbr.abs _section_cstart, $3  }
0xbf: {  	[dreg:$0x1] =	wrdreg $0xFFFFFFFF  }
0xc0: {  	_ =	task.clear_ibuf [dreg:s6], $0x2FFFF;
	_ =	strace $0x9FFFFFFF  }
0xc1: {  	(tm) =	ssettm $0x7FFFFFFF  }
tec
execute0_lowered:
.L_overlay_start_1:
0x0: {  	(tag) =	ssettag $0x1  }
0x1: {  	s0 =	rddreg [dreg:$0x0];
	s3 =	simm.s32 $0x0  }
0x2: {  	s1 =	srdreg.scid;
	s2 =	stileid.u32;
	s16 =	simm.s32 $0x64  }
0x3: {  	s18 =	simm.s32 $0x3;
	s19 =	simm.s32 $0x2;
	s20 =	simm.s32 $0x10080  }
0x4: {  	s28 =	simm.s32 $0x36E0;
	s29 =	simm.s32 $0x16480;
	s30 =	simm.s32 $0x3748  }
0x5: {  	s31 =	simm.s32 $0x17D80;
	s14 =	simm.s32 $0x3818;
	s8 =	simm.s32 $0x1AF80  }
0x6: {  	s12 =	simm.s32 $0x40;
	s7 =	simm.s32 $0x80;
	s17 =	simm.s32 $0x0  }
0x7: {  	[smem:$0x7FF] =	sst s3;
	s1 =	sand.u32 $0x1, s1;
	s2 =	sshll.u32 s2, $0x1  }
0x8: {  	s3 =	sadd.s32 $0x1B200, s0;
	s4 =	sadd.s32 $0xA00, s0;
	s5 =	sadd.s32 $0x1200, s0  }
0x9: {  	s6 =	sadd.s32 $0xDE800, s0;
	_ =	strace $0x80000047;
	s2 =	sor.u32 s1, s2  }
0xa: {  	[dreg:$0x2] =	wrdreg s4;
	s1 =	ssub.s32 $0x2, s1;
	s24 =	smul.u32 $0xD00, s2  }
0xb: {  	s25 =	sshrl.u32 s1, $0x1;
	s26 =	sshll.u32 s2, $0x8;
	s10 =	sshll.u32 s2, $0x7  }
0xc: {  	s2 =	simm.s32 $0x4;
	s0 =	ssub.s32 s1, s25;
	s9 =	sor.u32 $0x10, s26  }
0xd: {  	s11 =	sor.u32 $0x18, s26;
	s1 =	simm.s32 $0x3540;
	s4 =	sadd.s32 s5, s24  }
0xe: {  	s25 =	simm.s32 $0x3678;
	s0 =	smax.u32 s0, $0x1;
	[dreg:$0x3] =	wrdreg s4  }
0xf: {  	s26 =	simm.s32 $0x14B80;
	s4 =	sadd.s32 $0x68, s4;
	[dreg:$0x5] =	wrdreg s0  }
0x10: {  	s0 =	simm.s32 $0x37B0;
	[dreg:$0x4] =	wrdreg s4;
	s4 =	simm.s32 $0x19680  }
.LBB2_1:
0x11: {  	[dreg:$0x6] =	wrdreg s17  }
0x12: {  	s13 =	simm.s32 $0x0;
	s15 =	rddreg [dreg:$0x2];
	s22 =	simm.s32 $0x7  }
0x13: {  	[tilespmem:s13], [sflag:$0x7] =	stream.linear.gather [hbm4b:s15+s13], $0x3200, $0x38;
	[tilespmem:$0x1C880] =	vst v63  }
0x14: {  	_ =	swait.ge [sflag:s22], $0x3200  }
0x15: {  	s24 =	simm.s32 $0x3200;
	[sflag:s22] =	ssyncset.done $0x0  }
0x16: {  	s21 =	simm.s32 $0x1;
	s23 =	rddreg [dreg:$0x3];
	[sflag:s22] =	ssyncadd.s32 $0xFFFFCE00  }
0x17: {  	[tilespmem:s24], [sflag:$0x1] =	stream.linear.gather [hbm4b:s23+s13], $0x340, $0x38;
	[tilespmem:$0x1C880] =	vst v63  }
0x18: {  	_ =	swait.ge [sflag:s21], $0x340  }
0x19: {  	[sflag:s21] =	ssyncset.done $0x0  }
0x1a: {  	s22 =	simm.s32 $0x3880;
	[sflag:s21] =	ssyncadd.s32 $0xFFFFFCC0  }
0x1b: {  	[tilespmem:s22], [sflag:$0x3] =	stream.indirect.gather [hbm4b:s3+s16], $0x40, s24, s16, $0xb8;
	[tilespmem:$0x1C880] =	vst v63  }
0x1c: {  	s23 =	simm.s32 $0x3268;
	s24 =	simm.s32 $0x5180  }
0x1d: {  	[tilespmem:s24], [sflag:$0x3] =	stream.indirect.gather [hbm4b:s3+s16], $0x40, s23, s16, $0xb8;
	[tilespmem:$0x1C880] =	vst v63  }
0x1e: {  	s21 =	simm.s32 $0x32D0;
	s22 =	simm.s32 $0x6A80  }
0x1f: {  	[tilespmem:s22], [sflag:$0x3] =	stream.indirect.gather [hbm4b:s3+s16], $0x40, s21, s16, $0xb8;
	[tilespmem:$0x1C880] =	vst v63  }
0x20: {  	s23 =	simm.s32 $0x3338;
	s24 =	simm.s32 $0x8380  }
0x21: {  	[tilespmem:s24], [sflag:$0x3] =	stream.indirect.gather [hbm4b:s3+s16], $0x40, s23, s16, $0xb8;
	[tilespmem:$0x1C880] =	vst v63  }
0x22: {  	s21 =	simm.s32 $0x33A0;
	s22 =	simm.s32 $0x9C80  }
0x23: {  	[tilespmem:s22], [sflag:$0x3] =	stream.indirect.gather [hbm4b:s3+s16], $0x40, s21, s16, $0xb8;
	[tilespmem:$0x1C880] =	vst v63  }
0x24: {  	s23 =	simm.s32 $0x3408;
	s24 =	simm.s32 $0xB580  }
0x25: {  	[tilespmem:s24], [sflag:$0x3] =	stream.indirect.gather [hbm4b:s3+s16], $0x40, s23, s16, $0xb8;
	[tilespmem:$0x1C880] =	vst v63  }
0x26: {  	s17 =	simm.s32 $0x3470;
	s21 =	simm.s32 $0xCE80  }
0x27: {  	[tilespmem:s21], [sflag:$0x3] =	stream.indirect.gather [hbm4b:s3+s16], $0x40, s17, s16, $0xb8;
	[tilespmem:$0x1C880] =	vst v63  }
0x28: {  	s22 =	simm.s32 $0x34D8;
	s23 =	simm.s32 $0xE780  }
0x29: {  	[tilespmem:s23], [sflag:$0x3] =	stream.indirect.gather [hbm4b:s3+s16], $0x40, s22, s16, $0xb8;
	[tilespmem:$0x1C880] =	vst v63  }
0x2a: {  	s15 =	simm.s32 $0x0;
	s24 =	rddreg [dreg:$0x4]  }
0x2b: {  	[tilespmem:s1], [sflag:$0x2] =	stream.linear.gather [hbm4b:s24+s13], $0x340, $0x38;
	[tilespmem:$0x1C880] =	vst v63  }
.LBB2_2:
0x2c: {  	_ =	swait.ge [sflag:s18], $0x1900  }
0x2d: {  	[sflag:s18] =	ssyncset.done $0x0  }
0x2e: {  	[sflag:s18] =	ssyncadd.s32 $0xFFFFE700  }
0x2f: {  	_ =	swait.ge [sflag:s18], $0x1900  }
0x30: {  	[sflag:s18] =	ssyncset.done $0x0  }
0x31: {  	[sflag:s18] =	ssyncadd.s32 $0xFFFFE700  }
0x32: {  	_ =	swait.ge [sflag:s18], $0x1900  }
0x33: {  	[sflag:s18] =	ssyncset.done $0x0  }
0x34: {  	[sflag:s18] =	ssyncadd.s32 $0xFFFFE700  }
0x35: {  	_ =	swait.ge [sflag:s18], $0x1900  }
0x36: {  	[sflag:s18] =	ssyncset.done $0x0  }
0x37: {  	[sflag:s18] =	ssyncadd.s32 $0xFFFFE700  }
0x38: {  	_ =	swait.ge [sflag:s18], $0x1900  }
0x39: {  	[sflag:s18] =	ssyncset.done $0x0  }
0x3a: {  	[sflag:s18] =	ssyncadd.s32 $0xFFFFE700  }
0x3b: {  	_ =	swait.ge [sflag:s18], $0x1900  }
0x3c: {  	[sflag:s18] =	ssyncset.done $0x0  }
0x3d: {  	[sflag:s18] =	ssyncadd.s32 $0xFFFFE700  }
0x3e: {  	p0 =	seq.s32 s15, $0xF;
	_ =	swait.ge [sflag:s18], $0x1900  }
0x3f: {  	s21 =	sshll.u32 @!p0 s15, $0x4;
	[sflag:s18] =	ssyncset.done $0x0  }
0x40: {  	s13 =	sadd.s32 @!p0 s21, s9;
	[sflag:s18] =	ssyncadd.s32 $0xFFFFE700  }
0x41: {  	s13 =	smul.u32 @!p0 $0xD, s13;
	_ =	swait.ge [sflag:s18], $0x1900  }
0x42: {  	s17 =	simm.s32 @!p0 $0x0;
	[sflag:s18] =	ssyncset.done $0x0  }
0x43: {  	s22 =	simm.s32 @!p0 $0x3200;
	s13 =	sadd.s32 @!p0 s5, s13;
	[sflag:s18] =	ssyncadd.s32 $0xFFFFE700  }
0x44: {  	[tilespmem:s22], [sflag:$0x1] =	stream.linear.gather @!p0 [hbm4b:s13+s17], $0x340, $0x38;
	[tilespmem:$0x1C880] =	vst v63  }
0x45: {  	_ =	swait.ge [sflag:s19], $0x340  }
0x46: {  	p1 =	seq.s32 s15, $0x0;
	[sflag:s19] =	ssyncset.done $0x0  }
0x47: {  	s13 =	simm.s32 @!p1 $0x6;
	[sflag:s19] =	ssyncadd.s32 $0xFFFFFCC0  }
0x48: {  	_ =	swait.ge @!p1 [sflag:s13], $0xC800  }
0x49: {  	[sflag:s13] =	ssyncset.done @!p1 $0x0  }
0x4a: {  	[sflag:s13] =	ssyncadd.s32 @!p1 $0xFFFF3800  }
0x4b: {  	[tilespmem:s20], [sflag:$0x4] =	stream.indirect.gather [hbm4b:s3+s16], $0x40, s1, s16, $0xb8;
	[tilespmem:$0x1C880] =	vst v63  }
0x4c: {  	s17 =	simm.s32 $0x35A8;
	s22 =	simm.s32 $0x11980  }
0x4d: {  	[tilespmem:s22], [sflag:$0x4] =	stream.indirect.gather [hbm4b:s3+s16], $0x40, s17, s16, $0xb8;
	[tilespmem:$0x1C880] =	vst v63  }
0x4e: {  	s23 =	simm.s32 $0x3610;
	s24 =	simm.s32 $0x13280  }
0x4f: {  	[tilespmem:s24], [sflag:$0x4] =	stream.indirect.gather [hbm4b:s3+s16], $0x40, s23, s16, $0xb8;
	[tilespmem:$0x1C880] =	vst v63  }
0x50: {  	_ = 	snop  }
0x51: {  	[tilespmem:s26], [sflag:$0x4] =	stream.indirect.gather [hbm4b:s3+s16], $0x40, s25, s16, $0xb8;
	[tilespmem:$0x1C880] =	vst v63  }
0x52: {  	_ = 	snop  }
0x53: {  	[tilespmem:s29], [sflag:$0x4] =	stream.indirect.gather [hbm4b:s3+s16], $0x40, s28, s16, $0xb8;
	[tilespmem:$0x1C880] =	vst v63  }
0x54: {  	_ = 	snop  }
0x55: {  	[tilespmem:s31], [sflag:$0x4] =	stream.indirect.gather [hbm4b:s3+s16], $0x40, s30, s16, $0xb8;
	[tilespmem:$0x1C880] =	vst v63  }
0x56: {  	_ = 	snop  }
0x57: {  	[tilespmem:s4], [sflag:$0x4] =	stream.indirect.gather [hbm4b:s3+s16], $0x40, s0, s16, $0xb8;
	[tilespmem:$0x1C880] =	vst v63  }
0x58: {  	s22 =	simm.s32 $0x0  }
0x59: {  	[tilespmem:s8], [sflag:$0x4] =	stream.indirect.gather [hbm4b:s3+s16], $0x40, s14, s16, $0xb8;
	[tilespmem:$0x1C880] =	vst v63  }
0x5a: {  	v1 =	vld [tilespmem:s22+$0xF0]  }
0x5b: {  	v2 =	vld [tilespmem:s22+$0x0]  }
0x5c: {  	v3 =	vld [tilespmem:s22+$0x10]  }
0x5d: {  	v4 =	vld [tilespmem:s22+$0x20]  }
0x5e: {  	v5 =	vld [tilespmem:s22+$0x30]  }
0x5f: {  	v6 =	vld [tilespmem:s22+$0x40]  }
0x60: {  	v7 =	vld [tilespmem:s22+$0x50]  }
0x61: {  	v8 =	vld [tilespmem:s22+$0x60]  }
0x62: {  	v9 =	vld [tilespmem:s22+$0x70]  }
0x63: {  	v10 =	vld [tilespmem:s22+$0x80]  }
0x64: {  	v11 =	vld [tilespmem:s22+$0x90]  }
0x65: {  	v12 =	vld [tilespmem:s22+$0xA0]  }
0x66: {  	v13 =	vld [tilespmem:s22+$0xB0]  }
0x67: {  	v14 =	vld [tilespmem:s22+$0xC0]  }
0x68: {  	v15 =	vld [tilespmem:s22+$0xD0]  }
0x69: {  	v0 =	vld [tilespmem:s22+$0xE0]  }
0x6a: {  	[tilespmem:s22+$0xCF70] =	vst.add.f32.msk $0xffff, v1  }
0x6b: {  	[tilespmem:s22+$0x3880] =	vst.add.f32.msk $0xffff, v2  }
0x6c: {  	[tilespmem:s22+$0x3890] =	vst.add.f32.msk $0xffff, v3  }
0x6d: {  	[tilespmem:s22+$0x38A0] =	vst.add.f32.msk $0xffff, v4  }
0x6e: {  	[tilespmem:s22+$0x38B0] =	vst.add.f32.msk $0xffff, v5  }
0x6f: {  	[tilespmem:s22+$0x6A80] =	vst.add.f32.msk $0xffff, v2  }
0x70: {  	[tilespmem:s22+$0x6A90] =	vst.add.f32.msk $0xffff, v3  }
0x71: {  	[tilespmem:s22+$0x6AA0] =	vst.add.f32.msk $0xffff, v4  }
0x72: {  	[tilespmem:s22+$0x6AB0] =	vst.add.f32.msk $0xffff, v5  }
0x73: {  	[tilespmem:s22+$0x9C80] =	vst.add.f32.msk $0xffff, v2  }
0x74: {  	[tilespmem:s22+$0x9C90] =	vst.add.f32.msk $0xffff, v3  }
0x75: {  	[tilespmem:s22+$0x9CA0] =	vst.add.f32.msk $0xffff, v4  }
0x76: {  	[tilespmem:s22+$0x9CB0] =	vst.add.f32.msk $0xffff, v5  }
0x77: {  	[tilespmem:s22+$0xCE80] =	vst.add.f32.msk $0xffff, v2  }
0x78: {  	[tilespmem:s22+$0xCE90] =	vst.add.f32.msk $0xffff, v3  }
0x79: {  	[tilespmem:s22+$0xCEA0] =	vst.add.f32.msk $0xffff, v4  }
0x7a: {  	[tilespmem:s22+$0xCEB0] =	vst.add.f32.msk $0xffff, v5  }
0x7b: {  	[tilespmem:s22+$0x38C0] =	vst.add.f32.msk $0xffff, v6  }
0x7c: {  	[tilespmem:s22+$0x38D0] =	vst.add.f32.msk $0xffff, v7  }
0x7d: {  	[tilespmem:s22+$0x38E0] =	vst.add.f32.msk $0xffff, v8  }
0x7e: {  	[tilespmem:s22+$0x38F0] =	vst.add.f32.msk $0xffff, v9  }
0x7f: {  	[tilespmem:s22+$0x6AC0] =	vst.add.f32.msk $0xffff, v6  }
0x80: {  	[tilespmem:s22+$0x6AD0] =	vst.add.f32.msk $0xffff, v7  }
0x81: {  	[tilespmem:s22+$0x6AE0] =	vst.add.f32.msk $0xffff, v8  }
0x82: {  	[tilespmem:s22+$0x6AF0] =	vst.add.f32.msk $0xffff, v9  }
0x83: {  	[tilespmem:s22+$0x9CC0] =	vst.add.f32.msk $0xffff, v6  }
0x84: {  	[tilespmem:s22+$0x9CD0] =	vst.add.f32.msk $0xffff, v7  }
0x85: {  	[tilespmem:s22+$0x9CE0] =	vst.add.f32.msk $0xffff, v8  }
0x86: {  	[tilespmem:s22+$0x9CF0] =	vst.add.f32.msk $0xffff, v9  }
0x87: {  	[tilespmem:s22+$0xCEC0] =	vst.add.f32.msk $0xffff, v6  }
0x88: {  	[tilespmem:s22+$0xCED0] =	vst.add.f32.msk $0xffff, v7  }
0x89: {  	[tilespmem:s22+$0xCEE0] =	vst.add.f32.msk $0xffff, v8  }
0x8a: {  	[tilespmem:s22+$0xCEF0] =	vst.add.f32.msk $0xffff, v9  }
0x8b: {  	[tilespmem:s22+$0x3900] =	vst.add.f32.msk $0xffff, v10  }
0x8c: {  	[tilespmem:s22+$0x3910] =	vst.add.f32.msk $0xffff, v11  }
0x8d: {  	[tilespmem:s22+$0x3920] =	vst.add.f32.msk $0xffff, v12  }
0x8e: {  	[tilespmem:s22+$0x3930] =	vst.add.f32.msk $0xffff, v13  }
0x8f: {  	[tilespmem:s22+$0x6B00] =	vst.add.f32.msk $0xffff, v10  }
0x90: {  	[tilespmem:s22+$0x6B10] =	vst.add.f32.msk $0xffff, v11  }
0x91: {  	[tilespmem:s22+$0x6B20] =	vst.add.f32.msk $0xffff, v12  }
0x92: {  	[tilespmem:s22+$0x6B30] =	vst.add.f32.msk $0xffff, v13  }
0x93: {  	[tilespmem:s22+$0x9D00] =	vst.add.f32.msk $0xffff, v10  }
0x94: {  	[tilespmem:s22+$0x9D10] =	vst.add.f32.msk $0xffff, v11  }
0x95: {  	[tilespmem:s22+$0x9D20] =	vst.add.f32.msk $0xffff, v12  }
0x96: {  	[tilespmem:s22+$0x9D30] =	vst.add.f32.msk $0xffff, v13  }
0x97: {  	[tilespmem:s22+$0xCF00] =	vst.add.f32.msk $0xffff, v10  }
0x98: {  	[tilespmem:s22+$0xCF10] =	vst.add.f32.msk $0xffff, v11  }
0x99: {  	[tilespmem:s22+$0xCF20] =	vst.add.f32.msk $0xffff, v12  }
0x9a: {  	[tilespmem:s22+$0xCF30] =	vst.add.f32.msk $0xffff, v13  }
0x9b: {  	[tilespmem:s22+$0x3940] =	vst.add.f32.msk $0xffff, v14  }
0x9c: {  	[tilespmem:s22+$0x3950] =	vst.add.f32.msk $0xffff, v15  }
0x9d: {  	[tilespmem:s22+$0x3960] =	vst.add.f32.msk $0xffff, v0  }
0x9e: {  	[tilespmem:s22+$0x3970] =	vst.add.f32.msk $0xffff, v1  }
0x9f: {  	[tilespmem:s22+$0x6B40] =	vst.add.f32.msk $0xffff, v14  }
0xa0: {  	[tilespmem:s22+$0x6B50] =	vst.add.f32.msk $0xffff, v15  }
0xa1: {  	[tilespmem:s22+$0x6B60] =	vst.add.f32.msk $0xffff, v0  }
0xa2: {  	[tilespmem:s22+$0x6B70] =	vst.add.f32.msk $0xffff, v1  }
0xa3: {  	[tilespmem:s22+$0x9D40] =	vst.add.f32.msk $0xffff, v14  }
0xa4: {  	[tilespmem:s22+$0x9D50] =	vst.add.f32.msk $0xffff, v15  }
0xa5: {  	[tilespmem:s22+$0x9D60] =	vst.add.f32.msk $0xffff, v0  }
0xa6: {  	[tilespmem:s22+$0x9D70] =	vst.add.f32.msk $0xffff, v1  }
0xa7: {  	s23 =	sshll.u32 s15, $0x3;
	[tilespmem:s22+$0xCF40] =	vst.add.f32.msk $0xffff, v14  }
0xa8: {  	s17 =	simm.s32 $0x0;
	s24 =	simm.s32 $0x400;
	s13 =	sor.u32 $0x4, s23;
	[tilespmem:s22+$0xCF50] =	vst.add.f32.msk $0xffff, v15  }
.LBB2_3:
0xa9: {  	s17 =	sadd.s32 $0x4, s17;
	[tilespmem:s22+$0xCF60] =	vst.add.f32.msk $0xffff, v0;
	s22 =	sshra.s32 s24, $0x2  }
0xaa: {  	v1 =	vld [tilespmem:s22+$0xF0];
	p1 =	slt.u32 s17, $0xC4  }
0xab: {  	v2 =	vld [tilespmem:s22+$0x0]  }
0xac: {  	v3 =	vld [tilespmem:s22+$0x10]  }
0xad: {  	v4 =	vld [tilespmem:s22+$0x20]  }
0xae: {  	v5 =	vld [tilespmem:s22+$0x30]  }
0xaf: {  	[tilespmem:s22+$0xCF70] =	vst.add.f32.msk $0xffff, v1  }
0xb0: {  	v6 =	vld [tilespmem:s22+$0x40]  }
0xb1: {  	v7 =	vld [tilespmem:s22+$0x50]  }
0xb2: {  	v8 =	vld [tilespmem:s22+$0x60]  }
0xb3: {  	v9 =	vld [tilespmem:s22+$0x70]  }
0xb4: {  	v10 =	vld [tilespmem:s22+$0x80]  }
0xb5: {  	v11 =	vld [tilespmem:s22+$0x90]  }
0xb6: {  	v12 =	vld [tilespmem:s22+$0xA0]  }
0xb7: {  	v13 =	vld [tilespmem:s22+$0xB0]  }
0xb8: {  	v14 =	vld [tilespmem:s22+$0xC0]  }
0xb9: {  	v15 =	vld [tilespmem:s22+$0xD0]  }
0xba: {  	v0 =	vld [tilespmem:s22+$0xE0]  }
0xbb: {  	[tilespmem:s22+$0x3880] =	vst.add.f32.msk $0xffff, v2  }
0xbc: {  	[tilespmem:s22+$0x3890] =	vst.add.f32.msk $0xffff, v3  }
0xbd: {  	[tilespmem:s22+$0x38A0] =	vst.add.f32.msk $0xffff, v4  }
0xbe: {  	[tilespmem:s22+$0x38B0] =	vst.add.f32.msk $0xffff, v5  }
0xbf: {  	[tilespmem:s22+$0x6A80] =	vst.add.f32.msk $0xffff, v2  }
0xc0: {  	[tilespmem:s22+$0x6A90] =	vst.add.f32.msk $0xffff, v3  }
0xc1: {  	[tilespmem:s22+$0x6AA0] =	vst.add.f32.msk $0xffff, v4  }
0xc2: {  	[tilespmem:s22+$0x6AB0] =	vst.add.f32.msk $0xffff, v5  }
0xc3: {  	[tilespmem:s22+$0x9C80] =	vst.add.f32.msk $0xffff, v2  }
0xc4: {  	[tilespmem:s22+$0x9C90] =	vst.add.f32.msk $0xffff, v3  }
0xc5: {  	[tilespmem:s22+$0x9CA0] =	vst.add.f32.msk $0xffff, v4  }
0xc6: {  	[tilespmem:s22+$0x9CB0] =	vst.add.f32.msk $0xffff, v5  }
0xc7: {  	[tilespmem:s22+$0xCE80] =	vst.add.f32.msk $0xffff, v2  }
0xc8: {  	[tilespmem:s22+$0xCE90] =	vst.add.f32.msk $0xffff, v3  }
0xc9: {  	[tilespmem:s22+$0xCEA0] =	vst.add.f32.msk $0xffff, v4  }
0xca: {  	[tilespmem:s22+$0xCEB0] =	vst.add.f32.msk $0xffff, v5  }
0xcb: {  	[tilespmem:s22+$0x38C0] =	vst.add.f32.msk $0xffff, v6  }
0xcc: {  	[tilespmem:s22+$0x38D0] =	vst.add.f32.msk $0xffff, v7  }
0xcd: {  	[tilespmem:s22+$0x38E0] =	vst.add.f32.msk $0xffff, v8  }
0xce: {  	[tilespmem:s22+$0x38F0] =	vst.add.f32.msk $0xffff, v9  }
0xcf: {  	[tilespmem:s22+$0x6AC0] =	vst.add.f32.msk $0xffff, v6  }
0xd0: {  	[tilespmem:s22+$0x6AD0] =	vst.add.f32.msk $0xffff, v7  }
0xd1: {  	[tilespmem:s22+$0x6AE0] =	vst.add.f32.msk $0xffff, v8  }
0xd2: {  	[tilespmem:s22+$0x6AF0] =	vst.add.f32.msk $0xffff, v9  }
0xd3: {  	[tilespmem:s22+$0x9CC0] =	vst.add.f32.msk $0xffff, v6  }
0xd4: {  	[tilespmem:s22+$0x9CD0] =	vst.add.f32.msk $0xffff, v7  }
0xd5: {  	[tilespmem:s22+$0x9CE0] =	vst.add.f32.msk $0xffff, v8  }
0xd6: {  	[tilespmem:s22+$0x9CF0] =	vst.add.f32.msk $0xffff, v9  }
0xd7: {  	[tilespmem:s22+$0xCEC0] =	vst.add.f32.msk $0xffff, v6  }
0xd8: {  	[tilespmem:s22+$0xCED0] =	vst.add.f32.msk $0xffff, v7  }
0xd9: {  	[tilespmem:s22+$0xCEE0] =	vst.add.f32.msk $0xffff, v8  }
0xda: {  	[tilespmem:s22+$0xCEF0] =	vst.add.f32.msk $0xffff, v9  }
0xdb: {  	[tilespmem:s22+$0x3900] =	vst.add.f32.msk $0xffff, v10  }
0xdc: {  	[tilespmem:s22+$0x3910] =	vst.add.f32.msk $0xffff, v11  }
0xdd: {  	[tilespmem:s22+$0x3920] =	vst.add.f32.msk $0xffff, v12  }
0xde: {  	[tilespmem:s22+$0x3930] =	vst.add.f32.msk $0xffff, v13  }
0xdf: {  	[tilespmem:s22+$0x6B00] =	vst.add.f32.msk $0xffff, v10  }
0xe0: {  	[tilespmem:s22+$0x6B10] =	vst.add.f32.msk $0xffff, v11  }
0xe1: {  	[tilespmem:s22+$0x6B20] =	vst.add.f32.msk $0xffff, v12  }
0xe2: {  	[tilespmem:s22+$0x6B30] =	vst.add.f32.msk $0xffff, v13  }
0xe3: {  	[tilespmem:s22+$0x9D00] =	vst.add.f32.msk $0xffff, v10  }
0xe4: {  	[tilespmem:s22+$0x9D10] =	vst.add.f32.msk $0xffff, v11  }
0xe5: {  	[tilespmem:s22+$0x9D20] =	vst.add.f32.msk $0xffff, v12  }
0xe6: {  	[tilespmem:s22+$0x9D30] =	vst.add.f32.msk $0xffff, v13  }
0xe7: {  	[tilespmem:s22+$0xCF00] =	vst.add.f32.msk $0xffff, v10  }
0xe8: {  	[tilespmem:s22+$0xCF10] =	vst.add.f32.msk $0xffff, v11  }
0xe9: {  	[tilespmem:s22+$0xCF20] =	vst.add.f32.msk $0xffff, v12  }
0xea: {  	[tilespmem:s22+$0xCF30] =	vst.add.f32.msk $0xffff, v13  }
0xeb: {  	[tilespmem:s22+$0x3940] =	vst.add.f32.msk $0xffff, v14  }
0xec: {  	[tilespmem:s22+$0x3950] =	vst.add.f32.msk $0xffff, v15  }
0xed: {  	[tilespmem:s22+$0x3960] =	vst.add.f32.msk $0xffff, v0  }
0xee: {  	[tilespmem:s22+$0x3970] =	vst.add.f32.msk $0xffff, v1  }
0xef: {  	[tilespmem:s22+$0x6B40] =	vst.add.f32.msk $0xffff, v14  }
0xf0: {  	[tilespmem:s22+$0x6B50] =	vst.add.f32.msk $0xffff, v15  }
0xf1: {  	[tilespmem:s22+$0x6B60] =	vst.add.f32.msk $0xffff, v0  }
0xf2: {  	[tilespmem:s22+$0x6B70] =	vst.add.f32.msk $0xffff, v1  }
0xf3: {  	[tilespmem:s22+$0x9D40] =	vst.add.f32.msk $0xffff, v14  }
.Ltmp0:
0xf4: {  	[tilespmem:s22+$0x9D50] =	vst.add.f32.msk $0xffff, v15;
	(pc) =	sbr.rel @p1 .LBB2_3-.Ltmp0, $4  }
0xf5: {  	[tilespmem:s22+$0x9D60] =	vst.add.f32.msk $0xffff, v0  }
0xf6: {  	[tilespmem:s22+$0x9D70] =	vst.add.f32.msk $0xffff, v1  }
0xf7: {  	[tilespmem:s22+$0xCF40] =	vst.add.f32.msk $0xffff, v14  }
0xf8: {  	s24 =	sadd.s32 $0x400, s24;
	[tilespmem:s22+$0xCF50] =	vst.add.f32.msk $0xffff, v15  }
0xf9: {  	s17 =	sadd.s32 s10, s23  }
0xfa: {  	s17 =	smul.u32 $0xC80, s17;
	_ =	sdelay $0x1  }
0xfb: {  	[tilespmem:s22+$0xCF60] =	vst.add.f32.msk $0xffff, v0;
	s24 =	simm.s32 $0x3880;
	s17 =	sadd.s32 s6, s17  }
0xfc: {  	[hbm4b:s17+s12] =	stream.strided.scatter [tilespmem:s24], [sflag:$0x5], $0xC800, s7, s12, $0x38;
	[tilespmem:$0x1C880] =	vst v63  }
0xfd: {  	_ =	swait.ge [sflag:s2], $0x1900  }
0xfe: {  	[sflag:s2] =	ssyncset.done $0x0  }
0xff: {  	[sflag:s2] =	ssyncadd.s32 $0xFFFFE700  }
0x100: {  	_ =	swait.ge [sflag:s2], $0x1900  }
0x101: {  	[sflag:s2] =	ssyncset.done $0x0  }
0x102: {  	[sflag:s2] =	ssyncadd.s32 $0xFFFFE700  }
0x103: {  	_ =	swait.ge [sflag:s2], $0x1900  }
0x104: {  	[sflag:s2] =	ssyncset.done $0x0  }
0x105: {  	[sflag:s2] =	ssyncadd.s32 $0xFFFFE700  }
0x106: {  	_ =	swait.ge [sflag:s2], $0x1900  }
0x107: {  	[sflag:s2] =	ssyncset.done $0x0  }
0x108: {  	[sflag:s2] =	ssyncadd.s32 $0xFFFFE700  }
0x109: {  	_ =	swait.ge [sflag:s2], $0x1900  }
0x10a: {  	[sflag:s2] =	ssyncset.done $0x0  }
0x10b: {  	[sflag:s2] =	ssyncadd.s32 $0xFFFFE700  }
0x10c: {  	_ =	swait.ge [sflag:s2], $0x1900  }
0x10d: {  	[sflag:s2] =	ssyncset.done $0x0  }
0x10e: {  	[sflag:s2] =	ssyncadd.s32 $0xFFFFE700  }
0x10f: {  	_ =	swait.ge [sflag:s2], $0x1900  }
0x110: {  	[sflag:s2] =	ssyncset.done $0x0  }
0x111: {  	s17 =	sadd.s32 @!p0 s21, s11;
	[sflag:s2] =	ssyncadd.s32 $0xFFFFE700  }
0x112: {  	s17 =	smul.u32 @!p0 $0xD, s17;
	_ =	swait.ge [sflag:s2], $0x1900  }
0x113: {  	s22 =	simm.s32 @!p0 $0x3540;
	[sflag:s2] =	ssyncset.done $0x0  }
0x114: {  	s21 =	simm.s32 @!p0 $0x0;
	s17 =	sadd.s32 @!p0 s5, s17;
	[sflag:s2] =	ssyncadd.s32 $0xFFFFE700  }
0x115: {  	[tilespmem:s22], [sflag:$0x2] =	stream.linear.gather @!p0 [hbm4b:s17+s21], $0x340, $0x38;
	[tilespmem:$0x1C880] =	vst v63  }
0x116: {  	s17 =	simm.s32 @!p0 $0x1  }
0x117: {  	_ =	swait.ge @!p0 [sflag:s17], $0x340  }
0x118: {  	[sflag:s17] =	ssyncset.done @!p0 $0x0  }
0x119: {  	[sflag:s17] =	ssyncadd.s32 @!p0 $0xFFFFFCC0;
	s17 =	simm.s32 @!p0 $0x5  }
0x11a: {  	_ =	swait.ge @!p0 [sflag:s17], $0xC800  }
0x11b: {  	s21 =	simm.s32 @!p0 $0x3200;
	[sflag:s17] =	ssyncset.done @!p0 $0x0  }
0x11c: {  	s22 =	simm.s32 @!p0 $0x3880;
	[sflag:s17] =	ssyncadd.s32 @!p0 $0xFFFF3800;
	s17 =	simm.s32 @!p0 $0x64  }
0x11d: {  	[tilespmem:s22], [sflag:$0x3] =	stream.indirect.gather @!p0 [hbm4b:s3+s17], $0x40, s21, s17, $0xb8;
	[tilespmem:$0x1C880] =	vst v63  }
0x11e: {  	s21 =	simm.s32 @!p0 $0x3268;
	s22 =	simm.s32 @!p0 $0x5180  }
0x11f: {  	[tilespmem:s22], [sflag:$0x3] =	stream.indirect.gather @!p0 [hbm4b:s3+s17], $0x40, s21, s17, $0xb8;
	[tilespmem:$0x1C880] =	vst v63  }
0x120: {  	s21 =	simm.s32 @!p0 $0x32D0;
	s22 =	simm.s32 @!p0 $0x6A80  }
0x121: {  	[tilespmem:s22], [sflag:$0x3] =	stream.indirect.gather @!p0 [hbm4b:s3+s17], $0x40, s21, s17, $0xb8;
	[tilespmem:$0x1C880] =	vst v63  }
0x122: {  	s21 =	simm.s32 @!p0 $0x3338;
	s22 =	simm.s32 @!p0 $0x8380  }
0x123: {  	[tilespmem:s22], [sflag:$0x3] =	stream.indirect.gather @!p0 [hbm4b:s3+s17], $0x40, s21, s17, $0xb8;
	[tilespmem:$0x1C880] =	vst v63  }
0x124: {  	s21 =	simm.s32 @!p0 $0x33A0;
	s22 =	simm.s32 @!p0 $0x9C80  }
0x125: {  	[tilespmem:s22], [sflag:$0x3] =	stream.indirect.gather @!p0 [hbm4b:s3+s17], $0x40, s21, s17, $0xb8;
	[tilespmem:$0x1C880] =	vst v63  }
0x126: {  	s21 =	simm.s32 @!p0 $0x3408;
	s22 =	simm.s32 @!p0 $0xB580  }
0x127: {  	[tilespmem:s22], [sflag:$0x3] =	stream.indirect.gather @!p0 [hbm4b:s3+s17], $0x40, s21, s17, $0xb8;
	[tilespmem:$0x1C880] =	vst v63  }
0x128: {  	s21 =	simm.s32 @!p0 $0x3470;
	s22 =	simm.s32 @!p0 $0xCE80  }
0x129: {  	[tilespmem:s22], [sflag:$0x3] =	stream.indirect.gather @!p0 [hbm4b:s3+s17], $0x40, s21, s17, $0xb8;
	[tilespmem:$0x1C880] =	vst v63  }
0x12a: {  	s21 =	simm.s32 @!p0 $0x34D8;
	s22 =	simm.s32 @!p0 $0xE780  }
0x12b: {  	[tilespmem:s22], [sflag:$0x3] =	stream.indirect.gather @!p0 [hbm4b:s3+s17], $0x40, s21, s17, $0xb8;
	[tilespmem:$0x1C880] =	vst v63  }
0x12c: {  	s21 =	simm.s32 $0x0  }
0x12d: {  	v1 =	vld [tilespmem:s21+$0xF0]  }
0x12e: {  	v2 =	vld [tilespmem:s21+$0x0]  }
0x12f: {  	v3 =	vld [tilespmem:s21+$0x10]  }
0x130: {  	v4 =	vld [tilespmem:s21+$0x20]  }
0x131: {  	v5 =	vld [tilespmem:s21+$0x30]  }
0x132: {  	v6 =	vld [tilespmem:s21+$0x40]  }
0x133: {  	v7 =	vld [tilespmem:s21+$0x50]  }
0x134: {  	v8 =	vld [tilespmem:s21+$0x60]  }
0x135: {  	v9 =	vld [tilespmem:s21+$0x70]  }
0x136: {  	v10 =	vld [tilespmem:s21+$0x80]  }
0x137: {  	v11 =	vld [tilespmem:s21+$0x90]  }
0x138: {  	v12 =	vld [tilespmem:s21+$0xA0]  }
0x139: {  	v13 =	vld [tilespmem:s21+$0xB0]  }
0x13a: {  	v14 =	vld [tilespmem:s21+$0xC0]  }
0x13b: {  	v15 =	vld [tilespmem:s21+$0xD0]  }
0x13c: {  	v0 =	vld [tilespmem:s21+$0xE0]  }
0x13d: {  	[tilespmem:s21+$0x19770] =	vst.add.f32.msk $0xffff, v1  }
0x13e: {  	[tilespmem:s21+$0x10080] =	vst.add.f32.msk $0xffff, v2  }
0x13f: {  	[tilespmem:s21+$0x10090] =	vst.add.f32.msk $0xffff, v3  }
0x140: {  	[tilespmem:s21+$0x100A0] =	vst.add.f32.msk $0xffff, v4  }
0x141: {  	[tilespmem:s21+$0x100B0] =	vst.add.f32.msk $0xffff, v5  }
0x142: {  	[tilespmem:s21+$0x13280] =	vst.add.f32.msk $0xffff, v2  }
0x143: {  	[tilespmem:s21+$0x13290] =	vst.add.f32.msk $0xffff, v3  }
0x144: {  	[tilespmem:s21+$0x132A0] =	vst.add.f32.msk $0xffff, v4  }
0x145: {  	[tilespmem:s21+$0x132B0] =	vst.add.f32.msk $0xffff, v5  }
0x146: {  	[tilespmem:s21+$0x16480] =	vst.add.f32.msk $0xffff, v2  }
0x147: {  	[tilespmem:s21+$0x16490] =	vst.add.f32.msk $0xffff, v3  }
0x148: {  	[tilespmem:s21+$0x164A0] =	vst.add.f32.msk $0xffff, v4  }
0x149: {  	[tilespmem:s21+$0x164B0] =	vst.add.f32.msk $0xffff, v5  }
0x14a: {  	[tilespmem:s21+$0x19680] =	vst.add.f32.msk $0xffff, v2  }
0x14b: {  	[tilespmem:s21+$0x19690] =	vst.add.f32.msk $0xffff, v3  }
0x14c: {  	[tilespmem:s21+$0x196A0] =	vst.add.f32.msk $0xffff, v4  }
0x14d: {  	[tilespmem:s21+$0x196B0] =	vst.add.f32.msk $0xffff, v5  }
0x14e: {  	[tilespmem:s21+$0x100C0] =	vst.add.f32.msk $0xffff, v6  }
0x14f: {  	[tilespmem:s21+$0x100D0] =	vst.add.f32.msk $0xffff, v7  }
0x150: {  	[tilespmem:s21+$0x100E0] =	vst.add.f32.msk $0xffff, v8  }
0x151: {  	[tilespmem:s21+$0x100F0] =	vst.add.f32.msk $0xffff, v9  }
0x152: {  	[tilespmem:s21+$0x132C0] =	vst.add.f32.msk $0xffff, v6  }
0x153: {  	[tilespmem:s21+$0x132D0] =	vst.add.f32.msk $0xffff, v7  }
0x154: {  	[tilespmem:s21+$0x132E0] =	vst.add.f32.msk $0xffff, v8  }
0x155: {  	[tilespmem:s21+$0x132F0] =	vst.add.f32.msk $0xffff, v9  }
0x156: {  	[tilespmem:s21+$0x164C0] =	vst.add.f32.msk $0xffff, v6  }
0x157: {  	[tilespmem:s21+$0x164D0] =	vst.add.f32.msk $0xffff, v7  }
0x158: {  	[tilespmem:s21+$0x164E0] =	vst.add.f32.msk $0xffff, v8  }
0x159: {  	[tilespmem:s21+$0x164F0] =	vst.add.f32.msk $0xffff, v9  }
0x15a: {  	[tilespmem:s21+$0x196C0] =	vst.add.f32.msk $0xffff, v6  }
0x15b: {  	[tilespmem:s21+$0x196D0] =	vst.add.f32.msk $0xffff, v7  }
0x15c: {  	[tilespmem:s21+$0x196E0] =	vst.add.f32.msk $0xffff, v8  }
0x15d: {  	[tilespmem:s21+$0x196F0] =	vst.add.f32.msk $0xffff, v9  }
0x15e: {  	[tilespmem:s21+$0x10100] =	vst.add.f32.msk $0xffff, v10  }
0x15f: {  	[tilespmem:s21+$0x10110] =	vst.add.f32.msk $0xffff, v11  }
0x160: {  	[tilespmem:s21+$0x10120] =	vst.add.f32.msk $0xffff, v12  }
0x161: {  	[tilespmem:s21+$0x10130] =	vst.add.f32.msk $0xffff, v13  }
0x162: {  	[tilespmem:s21+$0x13300] =	vst.add.f32.msk $0xffff, v10  }
0x163: {  	[tilespmem:s21+$0x13310] =	vst.add.f32.msk $0xffff, v11  }
0x164: {  	[tilespmem:s21+$0x13320] =	vst.add.f32.msk $0xffff, v12  }
0x165: {  	[tilespmem:s21+$0x13330] =	vst.add.f32.msk $0xffff, v13  }
0x166: {  	[tilespmem:s21+$0x16500] =	vst.add.f32.msk $0xffff, v10  }
0x167: {  	[tilespmem:s21+$0x16510] =	vst.add.f32.msk $0xffff, v11  }
0x168: {  	[tilespmem:s21+$0x16520] =	vst.add.f32.msk $0xffff, v12  }
0x169: {  	[tilespmem:s21+$0x16530] =	vst.add.f32.msk $0xffff, v13  }
0x16a: {  	[tilespmem:s21+$0x19700] =	vst.add.f32.msk $0xffff, v10  }
0x16b: {  	[tilespmem:s21+$0x19710] =	vst.add.f32.msk $0xffff, v11  }
0x16c: {  	[tilespmem:s21+$0x19720] =	vst.add.f32.msk $0xffff, v12  }
0x16d: {  	[tilespmem:s21+$0x19730] =	vst.add.f32.msk $0xffff, v13  }
0x16e: {  	[tilespmem:s21+$0x10140] =	vst.add.f32.msk $0xffff, v14  }
0x16f: {  	[tilespmem:s21+$0x10150] =	vst.add.f32.msk $0xffff, v15  }
0x170: {  	[tilespmem:s21+$0x10160] =	vst.add.f32.msk $0xffff, v0  }
0x171: {  	[tilespmem:s21+$0x10170] =	vst.add.f32.msk $0xffff, v1  }
0x172: {  	[tilespmem:s21+$0x13340] =	vst.add.f32.msk $0xffff, v14  }
0x173: {  	[tilespmem:s21+$0x13350] =	vst.add.f32.msk $0xffff, v15  }
0x174: {  	[tilespmem:s21+$0x13360] =	vst.add.f32.msk $0xffff, v0  }
0x175: {  	[tilespmem:s21+$0x13370] =	vst.add.f32.msk $0xffff, v1  }
0x176: {  	[tilespmem:s21+$0x16540] =	vst.add.f32.msk $0xffff, v14  }
0x177: {  	[tilespmem:s21+$0x16550] =	vst.add.f32.msk $0xffff, v15  }
0x178: {  	[tilespmem:s21+$0x16560] =	vst.add.f32.msk $0xffff, v0  }
0x179: {  	[tilespmem:s21+$0x16570] =	vst.add.f32.msk $0xffff, v1  }
0x17a: {  	[tilespmem:s21+$0x19740] =	vst.add.f32.msk $0xffff, v14  }
0x17b: {  	s17 =	simm.s32 $0x0;
	s22 =	simm.s32 $0x400;
	[tilespmem:s21+$0x19750] =	vst.add.f32.msk $0xffff, v15  }
.LBB2_5:
0x17c: {  	s17 =	sadd.s32 $0x4, s17;
	[tilespmem:s21+$0x19760] =	vst.add.f32.msk $0xffff, v0;
	s21 =	sshra.s32 s22, $0x2  }
0x17d: {  	v1 =	vld [tilespmem:s21+$0xF0];
	p0 =	slt.u32 s17, $0xC4  }
0x17e: {  	v2 =	vld [tilespmem:s21+$0x0]  }
0x17f: {  	v3 =	vld [tilespmem:s21+$0x10]  }
0x180: {  	v4 =	vld [tilespmem:s21+$0x20]  }
0x181: {  	v5 =	vld [tilespmem:s21+$0x30]  }
0x182: {  	[tilespmem:s21+$0x19770] =	vst.add.f32.msk $0xffff, v1  }
0x183: {  	v6 =	vld [tilespmem:s21+$0x40]  }
0x184: {  	v7 =	vld [tilespmem:s21+$0x50]  }
0x185: {  	v8 =	vld [tilespmem:s21+$0x60]  }
0x186: {  	v9 =	vld [tilespmem:s21+$0x70]  }
0x187: {  	v10 =	vld [tilespmem:s21+$0x80]  }
0x188: {  	v11 =	vld [tilespmem:s21+$0x90]  }
0x189: {  	v12 =	vld [tilespmem:s21+$0xA0]  }
0x18a: {  	v13 =	vld [tilespmem:s21+$0xB0]  }
0x18b: {  	v14 =	vld [tilespmem:s21+$0xC0]  }
0x18c: {  	v15 =	vld [tilespmem:s21+$0xD0]  }
0x18d: {  	v0 =	vld [tilespmem:s21+$0xE0]  }
0x18e: {  	[tilespmem:s21+$0x10080] =	vst.add.f32.msk $0xffff, v2  }
0x18f: {  	[tilespmem:s21+$0x10090] =	vst.add.f32.msk $0xffff, v3  }
0x190: {  	[tilespmem:s21+$0x100A0] =	vst.add.f32.msk $0xffff, v4  }
0x191: {  	[tilespmem:s21+$0x100B0] =	vst.add.f32.msk $0xffff, v5  }
0x192: {  	[tilespmem:s21+$0x13280] =	vst.add.f32.msk $0xffff, v2  }
0x193: {  	[tilespmem:s21+$0x13290] =	vst.add.f32.msk $0xffff, v3  }
0x194: {  	[tilespmem:s21+$0x132A0] =	vst.add.f32.msk $0xffff, v4  }
0x195: {  	[tilespmem:s21+$0x132B0] =	vst.add.f32.msk $0xffff, v5  }
0x196: {  	[tilespmem:s21+$0x16480] =	vst.add.f32.msk $0xffff, v2  }
0x197: {  	[tilespmem:s21+$0x16490] =	vst.add.f32.msk $0xffff, v3  }
0x198: {  	[tilespmem:s21+$0x164A0] =	vst.add.f32.msk $0xffff, v4  }
0x199: {  	[tilespmem:s21+$0x164B0] =	vst.add.f32.msk $0xffff, v5  }
0x19a: {  	[tilespmem:s21+$0x19680] =	vst.add.f32.msk $0xffff, v2  }
0x19b: {  	[tilespmem:s21+$0x19690] =	vst.add.f32.msk $0xffff, v3  }
0x19c: {  	[tilespmem:s21+$0x196A0] =	vst.add.f32.msk $0xffff, v4  }
0x19d: {  	[tilespmem:s21+$0x196B0] =	vst.add.f32.msk $0xffff, v5  }
0x19e: {  	[tilespmem:s21+$0x100C0] =	vst.add.f32.msk $0xffff, v6  }
0x19f: {  	[tilespmem:s21+$0x100D0] =	vst.add.f32.msk $0xffff, v7  }
0x1a0: {  	[tilespmem:s21+$0x100E0] =	vst.add.f32.msk $0xffff, v8  }
0x1a1: {  	[tilespmem:s21+$0x100F0] =	vst.add.f32.msk $0xffff, v9  }
0x1a2: {  	[tilespmem:s21+$0x132C0] =	vst.add.f32.msk $0xffff, v6  }
0x1a3: {  	[tilespmem:s21+$0x132D0] =	vst.add.f32.msk $0xffff, v7  }
0x1a4: {  	[tilespmem:s21+$0x132E0] =	vst.add.f32.msk $0xffff, v8  }
0x1a5: {  	[tilespmem:s21+$0x132F0] =	vst.add.f32.msk $0xffff, v9  }
0x1a6: {  	[tilespmem:s21+$0x164C0] =	vst.add.f32.msk $0xffff, v6  }
0x1a7: {  	[tilespmem:s21+$0x164D0] =	vst.add.f32.msk $0xffff, v7  }
0x1a8: {  	[tilespmem:s21+$0x164E0] =	vst.add.f32.msk $0xffff, v8  }
0x1a9: {  	[tilespmem:s21+$0x164F0] =	vst.add.f32.msk $0xffff, v9  }
0x1aa: {  	[tilespmem:s21+$0x196C0] =	vst.add.f32.msk $0xffff, v6  }
0x1ab: {  	[tilespmem:s21+$0x196D0] =	vst.add.f32.msk $0xffff, v7  }
0x1ac: {  	[tilespmem:s21+$0x196E0] =	vst.add.f32.msk $0xffff, v8  }
0x1ad: {  	[tilespmem:s21+$0x196F0] =	vst.add.f32.msk $0xffff, v9  }
0x1ae: {  	[tilespmem:s21+$0x10100] =	vst.add.f32.msk $0xffff, v10  }
0x1af: {  	[tilespmem:s21+$0x10110] =	vst.add.f32.msk $0xffff, v11  }
0x1b0: {  	[tilespmem:s21+$0x10120] =	vst.add.f32.msk $0xffff, v12  }
0x1b1: {  	[tilespmem:s21+$0x10130] =	vst.add.f32.msk $0xffff, v13  }
0x1b2: {  	[tilespmem:s21+$0x13300] =	vst.add.f32.msk $0xffff, v10  }
0x1b3: {  	[tilespmem:s21+$0x13310] =	vst.add.f32.msk $0xffff, v11  }
0x1b4: {  	[tilespmem:s21+$0x13320] =	vst.add.f32.msk $0xffff, v12  }
0x1b5: {  	[tilespmem:s21+$0x13330] =	vst.add.f32.msk $0xffff, v13  }
0x1b6: {  	[tilespmem:s21+$0x16500] =	vst.add.f32.msk $0xffff, v10  }
0x1b7: {  	[tilespmem:s21+$0x16510] =	vst.add.f32.msk $0xffff, v11  }
0x1b8: {  	[tilespmem:s21+$0x16520] =	vst.add.f32.msk $0xffff, v12  }
0x1b9: {  	[tilespmem:s21+$0x16530] =	vst.add.f32.msk $0xffff, v13  }
0x1ba: {  	[tilespmem:s21+$0x19700] =	vst.add.f32.msk $0xffff, v10  }
0x1bb: {  	[tilespmem:s21+$0x19710] =	vst.add.f32.msk $0xffff, v11  }
0x1bc: {  	[tilespmem:s21+$0x19720] =	vst.add.f32.msk $0xffff, v12  }
0x1bd: {  	[tilespmem:s21+$0x19730] =	vst.add.f32.msk $0xffff, v13  }
0x1be: {  	[tilespmem:s21+$0x10140] =	vst.add.f32.msk $0xffff, v14  }
0x1bf: {  	[tilespmem:s21+$0x10150] =	vst.add.f32.msk $0xffff, v15  }
0x1c0: {  	[tilespmem:s21+$0x10160] =	vst.add.f32.msk $0xffff, v0  }
0x1c1: {  	[tilespmem:s21+$0x10170] =	vst.add.f32.msk $0xffff, v1  }
0x1c2: {  	[tilespmem:s21+$0x13340] =	vst.add.f32.msk $0xffff, v14  }
0x1c3: {  	[tilespmem:s21+$0x13350] =	vst.add.f32.msk $0xffff, v15  }
0x1c4: {  	[tilespmem:s21+$0x13360] =	vst.add.f32.msk $0xffff, v0  }
0x1c5: {  	[tilespmem:s21+$0x13370] =	vst.add.f32.msk $0xffff, v1  }
0x1c6: {  	[tilespmem:s21+$0x16540] =	vst.add.f32.msk $0xffff, v14  }
.Ltmp1:
0x1c7: {  	[tilespmem:s21+$0x16550] =	vst.add.f32.msk $0xffff, v15;
	(pc) =	sbr.rel @p0 .LBB2_5-.Ltmp1, $4  }
0x1c8: {  	[tilespmem:s21+$0x16560] =	vst.add.f32.msk $0xffff, v0  }
0x1c9: {  	[tilespmem:s21+$0x16570] =	vst.add.f32.msk $0xffff, v1  }
0x1ca: {  	[tilespmem:s21+$0x19740] =	vst.add.f32.msk $0xffff, v14  }
0x1cb: {  	s22 =	sadd.s32 $0x400, s22;
	[tilespmem:s21+$0x19750] =	vst.add.f32.msk $0xffff, v15  }
0x1cc: {  	s15 =	sadd.s32 $0x1, s15  }
0x1cd: {  	p0 =	sne.s32 s15, $0x10  }
.Ltmp2:
0x1ce: {  	s13 =	sadd.s32 s10, s13;
	(pc) =	sbr.rel @p0 .LBB2_2-.Ltmp2, $3  }
0x1cf: {  	s13 =	smul.u32 $0xC80, s13;
	_ =	sdelay $0x1  }
0x1d0: {  	[tilespmem:s21+$0x19760] =	vst.add.f32.msk $0xffff, v0;
	s13 =	sadd.s32 s6, s13  }
0x1d1: {  	[hbm4b:s13+s12] =	stream.strided.scatter [tilespmem:s20], [sflag:$0x6], $0xC800, s7, s12, $0x38;
	[tilespmem:$0x1C880] =	vst v63  }
0x1d2: {  	s13 =	simm.s32 $0x5  }
0x1d3: {  	_ =	swait.ge [sflag:s13], $0xC800  }
0x1d4: {  	[sflag:s13] =	ssyncset.done $0x0  }
0x1d5: {  	s15 =	simm.s32 $0x6;
	[sflag:s13] =	ssyncadd.s32 $0xFFFF3800  }
0x1d6: {  	_ =	swait.ge [sflag:s15], $0xC800  }
0x1d7: {  	s17 =	rddreg [dreg:$0x6]  }
0x1d8: {  	s24 =	rddreg [dreg:$0x5];
	s17 =	sadd.s32 $0x1, s17  }
0x1d9: {  	p0 =	sne.s32 s17, s24  }
.Ltmp3:
0x1da: {  	_ = 	snop;
	(pc) =	sbr.rel @p0 .LBB2_1-.Ltmp3, $3  }
0x1db: {  	_ =	sdelay $0x1  }
0x1dc: {  	[sflag:s15] =	ssyncset.done $0x0  }
0x1dd: {  	[sflag:s15] =	ssyncadd.s32 $0xFFFF3800  }
0x1de: {  	_ =	sfence.sel $0x180000  }
0x1df: {  	[bflag:$0x0] =	sbarrier.arrive $0xFFFF  }
0x1e0: {  	_ =	strace $0x90000047  }
0x1e1: {  	s0 =	stileid.u32;
	[bflag:$0x2] =	sbarrier.arrive $0xFFFF  }
0x1e2: {  	p0 =	sne.s32 s0, $0x0;
	s0 =	rddreg [dreg:$0x1]  }
0x1e3: {  	s0 =	sadd.s32 @!p0 $0x100000, s0  }
0x1e4: {  	[sflag:s0] =	ssyncadd.tile.s32 @!p0 $0x1;
	_ =	shalt  }
.Lfunc_end2:
_tile_overlayer_lowered:
.L_overlay_start_2:
0x1e5: {  	(tag) =	ssettag $0x2  }
0x1e6: {  	s0 =	rddreg [dreg:$0x0];
	s2 =	stileid.u32  }
0x1e7: {  	s1 =	rddreg [dreg:$0x1];
	p0 =	sne.s32 s2, $0x0  }
0x1e8: {  	s3 =	rddreg [dreg:$0x2];
	[bflag:$0x3] =	sbarrier.arrive $0xFFFF;
	s2 =	simm.s32 @!p0 $0x1C07  }
0x1e9: {  	[timem:s3], [sflag:s2] =	dma.local @!p0 [hbm:s0], s1  }
0x1ea: {  	s0 =	simm.s32 @!p0 $0x7  }
0x1eb: {  	_ =	swait.ge @!p0 [sflag:s0], s1  }
0x1ec: {  	s1 =	ssub.s32 @!p0 $0x0, s1;
	[sflag:s0] =	ssyncset.done @!p0 $0x0  }
0x1ed: {  	[sflag:s0] =	ssyncadd.s32 @!p0 s1  }
0x1ee: {  	[bflag:$0x3] =	sbarrier.arrive $0xFFFF  }
0x1ef: {  	_ =	shalt  }

// kernel: sparse-core-data-format-call.cloned.1.call-start
scs
called_computation_lowered:
.L_overlay_start_0:
0x0: {  	s2 =	sld [smem:$0x3FD9]  }
0x1: {  	s3 =	sld [smem:$0x3FFE];
	_ =	sdelay $0x1  }
0x2: {  	s1 =	srdreg.scid  }
0x3: {  	s0 =	sand.u32 $0x1, s1  }
0x4: {  	s18 =	sshll.u32 s0, $0xA;
	s2 =	sadd.s32 s3, s2  }
0x5: {  	s2 =	sadd.s32 s2, s18  }
0x6: {  	[smem:$0x3FC5] =	sst s2  }
0x7: {  	_ = 	snop  }
0x8: {  	s2 =	sld [smem:$0x3FD0];
	(tm) =	ssettm $0x1  }
0x9: {  	s19 =	sld [smem:$0x3FFB];
	_ =	sdelay $0x3  }
0xa: {  	_ =	strace s19  }
0xb: {  	s3 =	sld [smem:$0x3FFC];
	_ =	sdelay $0x3  }
0xc: {  	_ =	strace s3  }
0xd: {  	s3 =	sld [smem:$0x3FFD];
	_ =	sdelay $0x3  }
0xe: {  	_ =	strace s3  }
0xf: {  	_ =	strace $0x8FFFFFFF  }
0x10: {  	s20 =	sld [smem:$0x3FDB];
	_ =	sdelay $0x1  }
0x11: {  	s4 =	simm.s32 $_scs_section_size  }
0x12: {  	s5 =	simm.s32 $_size__tile_overlayer_lowered;
	s6 =	simm.s32 $_tile_overlayer_lowered  }
0x13: {  	s23 =	simm.s32 $0x1BFF;
	s22 =	sshll.u32 s6, $0x1;
	s3 =	sadd.s32 s4, s20  }
0x14: {  	s7 =	simm.s32 $0x0;
	s21 =	sshll.u32 s5, $0x1;
	s5 =	sadd.s32 s22, s3  }
0x15: {  	[timem:s7], [sflag:s23] =	dma.local [hbm:s5], s21  }
0x16: {  	_ =	swait.ge [sflag:s23], s21  }
0x17: {  	s4 =	ssub.s32 $0x0, s21;
	[sflag:s23] =	ssyncset.done $0x0  }
0x18: {  	[sflag:s23] =	ssyncadd.s32 s4;
	_ =	sdelay $0x1  }
0x19: {  	s24 =	simm.s32 $0x1B8B  }
0x1a: {  	_ =	swait.ge [sflag:s24], $0x1  }
0x1b: {  	[sflag:s24] =	ssyncset.done $0x0  }
0x1c: {  	s26 =	simm.s32 $0x1B8E;
	s25 =	sld [smem:$0x3FFE];
	[sflag:s24] =	ssyncadd.s32 $0xFFFFFFFF  }
0x1d: {  	s27 =	simm.s32 $execute0_lowered;
	[smem:$0x3FD2] =	sst s26  }
0x1e: {  	s5 =	sshll.u32 s27, $0x1;
	_ =	strace $0x80000049;
	[dreg:$0x1] =	wrdreg $0xFFFFFFFF  }
0x1f: {  	s28 =	simm.s32 $_size_execute0_lowered;
	s3 =	sadd.s32 s3, s5;
	[dreg:$0x0] =	wrdreg $0x0  }
0x20: {  	s5 =	sshll.u32 s28, $0x1;
	[dreg:$0x2] =	wrdreg s3  }
0x21: {  	[dreg:$0x3] =	wrdreg s5  }
0x22: {  	[dreg:$0x4] =	wrdreg $0xC0  }
0x23: {  	_ =	task [dreg:s7], $0x5FFFF  }
0x24: {  	[dreg:$0x1] =	wrdreg $0xFFFFFFFF  }
0x25: {  	[dreg:$0x0] =	wrdreg $0x60  }
0x26: {  	[dreg:$0x2] =	wrdreg s25  }
0x27: {  	[dreg:$0x3] =	wrdreg s2  }
0x28: {  	[dreg:$0x4] =	wrdreg $0x9  }
0x29: {  	_ =	task.clear_ibuf [dreg:s7], $0x5FFFF;
	_ =	strace $0x90000049  }
0x2a: {  	s29 =	simm.s32 $0x9;
	_ =	strace $0x8000004B  }
0x2b: {  	_ =	swait.ge [sflag:s29], $0x1  }
0x2c: {  	[sflag:s29] =	ssyncadd.s32 $0xFFFFFFFF  }
0x2d: {  	_ =	strace $0x9000004B  }
0x2e: {  	_ =	sfence  }
0x2f: {  	s30 =	sld [smem:$0x0];
	_ =	sdelay $0x2  }
0x30: {  	s31 =	sshll.u32 s1, $0xD;
	s1 =	sshrl.u32 s1, $0x2  }
0x31: {  	s3 =	sand.u32 $0x4000, s31;
	s1 =	sadd.s32 s1, s30  }
0x32: {  	s0 =	sor.u32 s3, s0;
	s1 =	sshll.u32 s1, $0x11  }
0x33: {  	s0 =	sor.u32 s1, s0  }
0x34: {  	s0 =	sadd.s32 $0x8F2B, s0  }
0x35: {  	[sflag:s0] =	ssyncadd.remote.s32 $0x1  }
0x36: {  	_ =	sfence.sel $0xFFFF  }
0x37: {  	[dreg:$0x0] =	wrdreg $0xFFFFFFFF;
	(pc) =	sbr.abs _section_cstart, $3  }
0x38: {  	[dreg:$0x1] =	wrdreg $0xFFFFFFFF  }
0x39: {  	_ =	task.clear_ibuf [dreg:s7], $0x2FFFF;
	_ =	strace $0x9FFFFFFF  }
0x3a: {  	(tm) =	ssettm $0x7FFFFFFF  }
0x3b: {  	_ =	shalt  }
tec
execute0_lowered:
.L_overlay_start_1:
0x0: {  	(tag) =	ssettag $0x1  }
0x1: {  	s0 =	srdreg.scid  }
0x2: {  	s1 =	sshll.u32 s0, $0x4  }
0x3: {  	s0 =	stileid.u32;
	s1 =	sand.u32 $0x10, s1  }
0x4: {  	s1 =	sor.u32 s0, s1  }
0x5: {  	s6 =	rddreg [dreg:$0x0];
	s4 =	simm.s32 $0x1;
	s2 =	sshll.u32 s1, $0x7  }
0x6: {  	s7 =	simm.s32 $0x2;
	s12 =	simm.s32 $0x0;
	s1 =	ssub.s32 $0x1000, s2  }
0x7: {  	s8 =	simm.s32 $0x8000;
	s13 =	simm.s32 $0x0;
	s3 =	sand.u32 $0xF80, s1  }
0x8: {  	s9 =	simm.s32 $0x0;
	s5 =	sshrl.u32 s1, $0xC;
	p0 =	sne.s32 s3, $0x0  }
.Ltmp0:
0x9: {  	s1 =	rddreg [dreg:$0x2];
	s4 =	simm.s32 @!p0 $0x0;
	(pc) =	sbr.rel .LBB1_1-.Ltmp0, $4  }
0xa: {  	s11 =	simm.s32 $0x0;
	s3 =	rddreg [dreg:$0x1];
	s5 =	sadd.s32 s4, s5  }
0xb: {  	_ =	strace $0x8000004A;
	s4 =	simm.s32 $0x1;
	s5 =	smul.u32 $0xC8, s5  }
0xc: {  	s6 =	sadd.s32 $0xDE800, s6;
	s10 =	smov.u32 s2;
	[sflag:s4] =	ssyncpa.u1 $0x0  }
0xd: {  	p0 =	por $0x0, $0x0;
	[sflag:s7] =	ssyncpa.u1 $0x0;
	s7 =	sor.u32 $0x1, s5  }
.LBB1_4:
0xe: {  	s16 =	sshll.u32 s13, $0x3;
	s17 =	sand.u32 $0x78, s13  }
0xf: {  	s30 =	sand.u32 $0x7E00, s13;
	s12 =	sshll.u32 s12, $0xF;
	s16 =	sand.u32 $0xC00, s16  }
0x10: {  	[tilespmem:s15+$0x810 ss:$0x81] =	vst.msk $0xffff, v2;
	s31 =	sand.u32 $0x7, s13;
	s16 =	sor.u32 s17, s16;
	s17 =	sadd.s32 s3, s30  }
0x11: {  	[tilespmem:s15+$0x1020 ss:$0x81] =	vst.msk $0xffff, v0;
	s13 =	sshll.u32 s31, $0x12;
	s12 =	sadd.s32 s12, s17;
	s16 =	sshrl.u32 s16, $0x3  }
0x12: {  	[tilespmem:s15+$0x0 ss:$0x81] =	vst.msk $0xffff, v1;
	s13 =	sor.u32 $0x400, s13;
	s12 =	sadd.s32 s16, s12  }
0x13: {  	[hbm4b:s12+s13] =	stream.strided.scatter [tilespmem:s14], [sflag:$0x2], $0x2000, s8, s13, $0x20;
	[tilespmem:$0x8080] =	vst v63  }
.LBB1_5:
0x14: {  	s14 =	sadd.s32 $0x1, s9  }
0x15: {  	s12 =	sadd.s32 $0x1000, s10;
	s16 =	smov.u32 s10;
	p2 =	sgt.s32 s14, $0xC7  }
0x16: {  	s16 =	smov.u32 @p2 s12  }
0x17: {  	s14 =	simm.s32 @p2 $0x0;
	p2 =	sgt.s32 s16, $0xFFF  }
0x18: {  	s16 =	smov.u32 @p2 s2;
	p2 =	sne.s32 s11, s7  }
.Ltmp1:
0x19: {  	p1 =	slt.u32 s11, $0x2;
	(pc) =	sbr.rel @!p2 .LBB1_6-.Ltmp1, $4  }
0x1a: {  	s15 =	simm.s32 @!p1 $0x2  }
0x1b: {  	s13 =	smov.u32 s10;
	p0 =	por !p0, !p0;
	_ =	swait.ge @!p1 [sflag:s15], $0x2000  }
0x1c: {  	s12 =	smov.u32 s9;
	[sflag:s15] =	ssyncset.done @!p1 $0x0;
	s9 =	smov.u32 s14  }
0x1d: {  	s11 =	sadd.s32 $0x1, s11;
	[sflag:s15] =	ssyncadd.s32 @!p1 $0xFFFFE000;
	s10 =	smov.u32 s16  }
.LBB1_1:
0x1e: {  	p1 =	sge.u32 s11, s5  }
0x1f: {  	s14 =	sand.u32 @!p1 $0x1FFFFFF, s9  }
0x20: {  	s15 =	smulhi.u32 @!p1 $0x147AE15, s14;
	_ =	sdelay $0x1  }
0x21: {  	s15 =	smul.u32 @!p1 $0xC8, s15  }
0x22: {  	s16 =	sxor.u32 @!p1 $0xFFFFFFFF, s11;
	s17 =	smul.u32 @!p1 $0xC80, s10  }
0x23: {  	s31 =	sadd.s32 $0xFFFFFFFF, s11;
	s16 =	sshll.u32 @!p1 s16, $0xD;
	s14 =	ssub.s32 @!p1 s14, s15  }
0x24: {  	s15 =	sand.u32 @!p1 $0x2000, s16;
	s16 =	sadd.s32 @!p1 s6, s17;
	s14 =	sshll.u32 @!p1 s14, $0x4  }
0x25: {  	s17 =	simm.s32 @!p1 $0x6400;
	s14 =	sadd.s32 @!p1 s14, s16;
	s16 =	simm.s32 @!p1 $0x40  }
0x26: {  	[tilespmem:s15], [sflag:$0x1] =	stream.strided.gather @!p1 [hbm4b:s14+s16], $0x2000, s17, s16, $0x38;
	[tilespmem:$0x8080] =	vst v63  }
0x27: {  	p1 =	sge.u32 s31, s5  }
.Ltmp2:
0x28: {  	_ = 	snop;
	(pc) =	sbr.rel @p1 .LBB1_5-.Ltmp2, $1  }
0x29: {  	_ =	sdelay $0x3  }
0x2a: {  	s14 =	simm.s32 $0x1  }
0x2b: {  	_ =	swait.ge [sflag:s4], $0x2000;
	s14 =	simm.s32 @!p0 $0x0  }
0x2c: {  	[sflag:s4] =	ssyncset.done $0x0;
	s15 =	sshll.u32 s14, $0xD  }
0x2d: {  	[sflag:s4] =	ssyncadd.s32 $0xFFFFE000;
	s18 =	sor.u32 $0x20, s15  }
0x2e: {  	s14 =	smul.u32 $0x8100, s14;
	v3 =	vld [tilespmem:s18+$0x10]  }
0x2f: {  	s30 =	sand.u32 $0x1, s11;
	v2 =	vld [tilespmem:s18+$0xFFFFFFF0]  }
0x30: {  	s15 =	smul.u32 $0x8100, s30;
	s14 =	sshrl.u32 s14, $0x2;
	v0 =	vld [tilespmem:s18+$0x0]  }
0x31: {  	v1 =	vld [tilespmem:s18+$0xFFFFFFE0];
	s16 =	sor.u32 $0x4000, s14  }
0x32: {  	s31 =	sshrl.u32 s15, $0x2;
	s15 =	sadd.s32 $0x0, s16  }
0x33: {  	s17 =	simm.s32 $0x4;
	s18 =	sadd.s32 $0x40, s18;
	s14 =	sor.u32 $0x4000, s31;
	[tilespmem:s15+$0x1830 ss:$0x81] =	vst.msk $0xffff, v3  }
.LBB1_3:
0x34: {  	v3 =	vld [tilespmem:s18+$0x10];
	p1 =	sne.s32 s17, $0x1FC;
	[tilespmem:s15+$0x810 ss:$0x81] =	vst.msk $0xffff, v2;
	s19 =	smov.u32 s17;
	s17 =	sadd.s32 $0x4, s17  }
.Ltmp3:
0x35: {  	v2 =	vld [tilespmem:s18+$0xFFFFFFF0];
	[tilespmem:s15+$0x1020 ss:$0x81] =	vst.msk $0xffff, v0;
	(pc) =	sbr.rel @p1 .LBB1_3-.Ltmp3, $4  }
0x36: {  	v0 =	vld [tilespmem:s18+$0x0];
	[tilespmem:s15+$0x0 ss:$0x81] =	vst.msk $0xffff, v1  }
0x37: {  	s15 =	sshra.s32 s19, $0x2;
	v1 =	vld [tilespmem:s18+$0xFFFFFFE0]  }
0x38: {  	s15 =	sadd.s32 s15, s16  }
0x39: {  	s18 =	sadd.s32 $0x40, s18;
	[tilespmem:s15+$0x1830 ss:$0x81] =	vst.msk $0xffff, v3  }
.Ltmp4:
0x3a: {  	_ = 	snop;
	(pc) =	sbr.rel .LBB1_4-.Ltmp4, $1  }
0x3b: {  	_ =	sdelay $0x3  }
.LBB1_6:
0x3c: {  	_ =	sfence.sel $0x180000  }
0x3d: {  	s2 =	simm.s32 $0x1;
	[bflag:$0x0] =	sbarrier.arrive $0xFFFF  }
0x3e: {  	s31 =	simm.s32 $0x2;
	[sflag:s2] =	ssyncpa.u1 $0x1  }
0x3f: {  	[sflag:s31] =	ssyncpa.u1 $0x1  }
0x40: {  	p0 =	sne.s32 s0, $0x0;
	_ =	strace $0x9000004A  }
0x41: {  	s0 =	sadd.s32 @!p0 $0x100000, s1;
	[bflag:$0x2] =	sbarrier.arrive $0xFFFF  }
0x42: {  	[sflag:s0] =	ssyncadd.tile.s32 @!p0 $0x1;
	_ =	shalt  }
.Lfunc_end1:
_tile_overlayer_lowered:
.L_overlay_start_2:
0x43: {  	(tag) =	ssettag $0x2  }
0x44: {  	s0 =	rddreg [dreg:$0x0];
	s2 =	stileid.u32  }
0x45: {  	s1 =	rddreg [dreg:$0x1];
	p0 =	sne.s32 s2, $0x0  }
0x46: {  	s3 =	rddreg [dreg:$0x2];
	[bflag:$0x3] =	sbarrier.arrive $0xFFFF;
	s2 =	simm.s32 @!p0 $0x1C01  }
0x47: {  	[timem:s3], [sflag:s2] =	dma.local @!p0 [hbm:s0], s1  }
0x48: {  	s0 =	simm.s32 @!p0 $0x1  }
0x49: {  	_ =	swait.ge @!p0 [sflag:s0], s1  }
0x4a: {  	s1 =	ssub.s32 @!p0 $0x0, s1;
	[sflag:s0] =	ssyncset.done @!p0 $0x0  }
0x4b: {  	[sflag:s0] =	ssyncadd.s32 @!p0 s1  }
0x4c: {  	[bflag:$0x3] =	sbarrier.arrive $0xFFFF  }
0x4d: {  	_ =	shalt  }

</sc_bundles>
